<compile_context>
chip_gen: v7x
topology: tpu7x:2x2x1
jax: 0.10.2.dev20260603
libtpu: 0.0.44.dev20260713+nightly
codegen_flags: <defaults>
</compile_context>

<pallas_src>
import functools

import jax
import jax.numpy as jnp
from jax import lax
from jax.experimental import pallas as pl
from jax.experimental.pallas import tpu as pltpu
from jax.experimental.pallas import tpu_sc as plsc

N_NODES = 10000
D_FEAT = 128
N_EDGES = 320000

NUM_CORES = 2
NUM_SUBCORES = 16
NUM_WORKERS = NUM_CORES * NUM_SUBCORES
EDGES_PER_WORKER = N_EDGES // NUM_WORKERS
CHUNK = 100
NUM_PASSES = 4
CHUNKS_PER_PASS = EDGES_PER_WORKER // (CHUNK * NUM_PASSES)
NBUF = 3
ROWS_PER_TILE = 624
TAIL_ROW0 = NUM_SUBCORES * ROWS_PER_TILE
TAIL_ROWS = N_NODES - TAIL_ROW0


def _sc_segment_sum(x, src, dst, zeros):
    mesh = plsc.VectorSubcoreMesh(core_axis_name="c", subcore_axis_name="s")

    @functools.partial(
        pl.kernel,
        mesh=mesh,
        out_type=jax.ShapeDtypeStruct((NUM_CORES, N_NODES, D_FEAT), jnp.float32),
        scratch_types=[
            pltpu.VMEM((CHUNKS_PER_PASS, CHUNK), jnp.int32),
            pltpu.VMEM((CHUNKS_PER_PASS, CHUNK), jnp.int32),
            pltpu.VMEM((CHUNK, D_FEAT), jnp.float32),
            pltpu.VMEM((CHUNK, D_FEAT), jnp.float32),
            pltpu.VMEM((CHUNK, D_FEAT), jnp.float32),
            pltpu.VMEM_SHARED((N_NODES, D_FEAT), jnp.float32),
            pltpu.SemaphoreType.DMA,
            pltpu.SemaphoreType.DMA,
            pltpu.SemaphoreType.DMA,
        ],
    )
    def sc_kernel(x_hbm, src_hbm, dst_hbm, zeros_hbm, out_hbm,
                  src_v, dst_v, rows_a, rows_b, rows_c, acc,
                  sem_a, sem_b, sem_c):
        cid = lax.axis_index("c")
        sid = lax.axis_index("s")
        wid = sid * NUM_CORES + cid

        row0 = sid * ROWS_PER_TILE
        pltpu.sync_copy(zeros_hbm.at[pl.ds(row0, ROWS_PER_TILE)],
                        acc.at[pl.ds(row0, ROWS_PER_TILE)])

        @pl.when(sid == NUM_SUBCORES - 1)
        def _zero_tail():
            pltpu.sync_copy(zeros_hbm.at[pl.ds(TAIL_ROW0, TAIL_ROWS)],
                            acc.at[pl.ds(TAIL_ROW0, TAIL_ROWS)])

        plsc.subcore_barrier()

        bufs = (rows_a, rows_b, rows_c)
        sems = (sem_a, sem_b, sem_c)

        for p in range(NUM_PASSES):
            pltpu.sync_copy(src_hbm.at[wid, p], src_v)
            pltpu.sync_copy(dst_hbm.at[wid, p], dst_v)

            for b in range(NBUF):
                pltpu.async_copy(x_hbm.at[src_v.at[b]], bufs[b], sems[b])

            def body(g, carry):
                j = g * NBUF
                for b in range(NBUF):
                    buf, sem = bufs[b], sems[b]
                    pltpu.make_async_copy(x_hbm.at[src_v.at[j + b]], buf, sem).wait()
                    pltpu.sync_copy(buf, acc.at[dst_v.at[j + b]], add=True)

                    @pl.when(j + b + NBUF < CHUNKS_PER_PASS)
                    def _next():
                        pltpu.async_copy(x_hbm.at[src_v.at[j + b + NBUF]], buf, sem)

                return carry

            lax.fori_loop(0, CHUNKS_PER_PASS // NBUF, body, 0, unroll=False)

            for t in range(NBUF * (CHUNKS_PER_PASS // NBUF), CHUNKS_PER_PASS):
                b = t % NBUF
                pltpu.make_async_copy(x_hbm.at[src_v.at[t]], bufs[b], sems[b]).wait()
                pltpu.sync_copy(bufs[b], acc.at[dst_v.at[t]], add=True)

        plsc.subcore_barrier()
        pltpu.sync_copy(acc.at[pl.ds(row0, ROWS_PER_TILE)],
                        out_hbm.at[cid, pl.ds(row0, ROWS_PER_TILE)])

        @pl.when(sid == NUM_SUBCORES - 1)
        def _out_tail():
            pltpu.sync_copy(acc.at[pl.ds(TAIL_ROW0, TAIL_ROWS)],
                            out_hbm.at[cid, pl.ds(TAIL_ROW0, TAIL_ROWS)])

    return sc_kernel(x, src, dst, zeros)


def _mm_body(p_ref, w_ref, o_ref):
    t = p_ref[0] + p_ref[1]
    o_ref[...] = jnp.dot(t, w_ref[...], preferred_element_type=jnp.float32)


def _tc_add_matmul(partials, W):
    bm = 1000
    return pl.pallas_call(
        _mm_body,
        grid=(N_NODES // bm,),
        in_specs=[
            pl.BlockSpec((NUM_CORES, bm, D_FEAT), lambda i: (0, i, 0)),
            pl.BlockSpec((D_FEAT, D_FEAT), lambda i: (0, 0)),
        ],
        out_specs=pl.BlockSpec((bm, D_FEAT), lambda i: (i, 0)),
        out_shape=jax.ShapeDtypeStruct((N_NODES, D_FEAT), jnp.float32),
    )(partials, W)


def kernel(x, edge_index, use_hist, W):
    del use_hist
    shp = (NUM_WORKERS, NUM_PASSES, CHUNKS_PER_PASS, CHUNK)
    src = edge_index[0].astype(jnp.int32).reshape(shp)
    dst = edge_index[1].astype(jnp.int32).reshape(shp)
    zeros = jnp.zeros((N_NODES, D_FEAT), jnp.float32)
    partials = _sc_segment_sum(x, src, dst, zeros)
    return _tc_add_matmul(partials, W)

# --- scband reference (transcript-rebuilt; emitter-appended) ---
"""Pipeline reference for scband-dhgconv-6545530159137 (READ-ONLY COPY).

The authoritative reference and input builder live on the scoring server;
editing this copy changes nothing except your own understanding.
"""

import jax, jax.numpy as jnp
import numpy as np

N_NODES = 10000
D_IN = 128
D_OUT = 128
N_EDGES = 320000


def setup_inputs(seed: int = 0) -> dict:
    key = jax.random.key(seed)
    k1, k2, k3 = jax.random.split(key, 3)
    x = jax.random.normal(k1, (N_NODES, D_IN), dtype=jnp.float32)
    edge_index = jax.random.randint(k2, (2, N_EDGES), 0, N_NODES, dtype=jnp.int64)
    # weight initialized as torch.rand (uniform [0,1))
    W = jax.random.uniform(k3, (D_IN, D_OUT), dtype=jnp.float32)
    return {"x": x, "edge_index": edge_index, "use_hist": 0, "W": W}


def reference(x, edge_index, use_hist, W):
    # Single-rank (world_size=1) semantics of DHGConv.forward:
    #   T = dist_spmm(adjs, x) == adj.spmm(x)  (history term is zero on rank 0 alone)
    #   Z = T @ W
    # SpMM of a binary adjacency = gather source features + scatter-add to dst.
    src = edge_index[0]
    dst = edge_index[1]
    msgs = jnp.take(x, src, axis=0)
    T = jax.ops.segment_sum(msgs, dst, num_segments=x.shape[0])
    Z = jnp.dot(T, W)
    return Z

if __name__ == "__main__":
    import jax
    _d = setup_inputs()
    print(jax.jit(kernel)(*tuple(_d.values())))

</pallas_src>

<mosaic_0001>
#map = affine_map<(d0, d1) -> (0, 0)>
#map1 = affine_map<(d0, d1) -> (0, 0, 0, 0)>
#map2 = affine_map<(d0, d1) -> (0, 0, 0)>
module attributes {stable_mosaic.version = 14 : i64} {
  func.func @sc_kernel(%arg0: i32, %arg1: i32, %arg2: memref<10000x128xf32, #tpu.memory_space<hbm>>, %arg3: memref<32x4x25x100xi32, #tpu.memory_space<hbm>>, %arg4: memref<32x4x25x100xi32, #tpu.memory_space<hbm>>, %arg5: memref<10000x128xf32, #tpu.memory_space<hbm>>, %arg6: memref<2x10000x128xf32, #tpu.memory_space<hbm>>, %arg7: memref<25x100xi32, #tpu.memory_space<vmem>>, %arg8: memref<25x100xi32, #tpu.memory_space<vmem>>, %arg9: memref<100x128xf32, #tpu.memory_space<vmem>>, %arg10: memref<100x128xf32, #tpu.memory_space<vmem>>, %arg11: memref<100x128xf32, #tpu.memory_space<vmem>>, %arg12: memref<10000x128xf32, #tpu.memory_space<vmem_shared>>, %arg13: memref<!tpu.dma_semaphore, #tpu.memory_space<semaphore_mem>>, %arg14: memref<!tpu.dma_semaphore, #tpu.memory_space<semaphore_mem>>, %arg15: memref<!tpu.dma_semaphore, #tpu.memory_space<semaphore_mem>>) attributes {dimension_semantics = [#tpu.dimension_semantics<core_parallel>, #tpu.dimension_semantics<subcore_parallel>], iteration_bounds = array<i64: 2, 16>, scalar_prefetch = 0 : i64, scratch_operands = 9 : i64, tpu.core_type = #tpu.core_type<sc_vector_subcore>, window_params = [{transform_indices = #map}, {transform_indices = #map1}, {transform_indices = #map1}, {transform_indices = #map}, {transform_indices = #map2}]} {
    %mul3A = arith.constant 2 : i32
    %mul3A_0 = arith.muli %arg1, %mul3A : i32
    %add3A = arith.addi %mul3A_0, %arg0 : i32
    %mul3A_1 = arith.constant 624 : i32
    %mul3A_2 = arith.muli %arg1, %mul3A_1 : i32
    "tpu.region"() ({
      %run_scoped3A_155 = tpu.sem_alloc : memref<!tpu.dma_semaphore, #tpu.memory_space<semaphore_mem>>
      %dma_start3A_156 = arith.constant 0 : i32
      %dma_start3A_157 = tpu.memref_slice %arg12[%mul3A_2, %dma_start3A_156] : memref<10000x128xf32, #tpu.memory_space<vmem_shared>> -> memref<624x128xf32, #tpu.memory_space<vmem_shared>>
      %dma_start3A_158 = arith.constant 0 : i32
      %dma_start3A_159 = tpu.memref_slice %arg5[%mul3A_2, %dma_start3A_158] : memref<10000x128xf32, #tpu.memory_space<hbm>> -> memref<624x128xf32, #tpu.memory_space<hbm>>
      tpu.enqueue_dma source(%dma_start3A_159 : memref<624x128xf32, #tpu.memory_space<hbm>>) target(%dma_start3A_157 : memref<624x128xf32, #tpu.memory_space<vmem_shared>>) target_semaphore(%run_scoped3A_155 : memref<!tpu.dma_semaphore, #tpu.memory_space<semaphore_mem>>)
      %dma_wait3A_160 = arith.constant 0 : i32
      %dma_wait3A_161 = tpu.memref_slice %arg12[%mul3A_2, %dma_wait3A_160] : memref<10000x128xf32, #tpu.memory_space<vmem_shared>> -> memref<624x128xf32, #tpu.memory_space<vmem_shared>>
      %dma_wait3A_162 = arith.constant 0 : i32
      %dma_wait3A_163 = tpu.memref_slice %arg5[%mul3A_2, %dma_wait3A_162] : memref<10000x128xf32, #tpu.memory_space<hbm>> -> memref<624x128xf32, #tpu.memory_space<hbm>>
      tpu.wait_dma2 semaphore(%run_scoped3A_155 : memref<!tpu.dma_semaphore, #tpu.memory_space<semaphore_mem>>) src(%dma_wait3A_163 : memref<624x128xf32, #tpu.memory_space<hbm>>) dst(%dma_wait3A_161 : memref<624x128xf32, #tpu.memory_space<vmem_shared>>)
      tpu.yield
    }) : () -> ()
    %eq3A = arith.constant 15 : i32
    %eq3A_3 = arith.cmpi eq, %arg1, %eq3A : i32
    %convert_element_type3A = arith.extui %eq3A_3 : i1 to i32
    %cond3A = arith.constant 0 : i32
    %cond3A_4 = arith.cmpi ne, %convert_element_type3A, %cond3A : i32
    scf.if %cond3A_4 {
      "tpu.region"() ({
        %run_scoped3A_155 = tpu.sem_alloc : memref<!tpu.dma_semaphore, #tpu.memory_space<semaphore_mem>>
        %dma_start3A_156 = arith.constant 9984 : i32
        %dma_start3A_157 = arith.constant 0 : i32
        %dma_start3A_158 = tpu.memref_slice %arg12[%dma_start3A_156, %dma_start3A_157] : memref<10000x128xf32, #tpu.memory_space<vmem_shared>> -> memref<16x128xf32, #tpu.memory_space<vmem_shared>>
        %dma_start3A_159 = arith.constant 9984 : i32
        %dma_start3A_160 = arith.constant 0 : i32
        %dma_start3A_161 = tpu.memref_slice %arg5[%dma_start3A_159, %dma_start3A_160] : memref<10000x128xf32, #tpu.memory_space<hbm>> -> memref<16x128xf32, #tpu.memory_space<hbm>>
        tpu.enqueue_dma source(%dma_start3A_161 : memref<16x128xf32, #tpu.memory_space<hbm>>) target(%dma_start3A_158 : memref<16x128xf32, #tpu.memory_space<vmem_shared>>) target_semaphore(%run_scoped3A_155 : memref<!tpu.dma_semaphore, #tpu.memory_space<semaphore_mem>>)
        %dma_wait3A_162 = arith.constant 9984 : i32
        %dma_wait3A_163 = arith.constant 0 : i32
        %dma_wait3A_164 = tpu.memref_slice %arg12[%dma_wait3A_162, %dma_wait3A_163] : memref<10000x128xf32, #tpu.memory_space<vmem_shared>> -> memref<16x128xf32, #tpu.memory_space<vmem_shared>>
        %dma_wait3A_165 = arith.constant 9984 : i32
        %dma_wait3A_166 = arith.constant 0 : i32
        %dma_wait3A_167 = tpu.memref_slice %arg5[%dma_wait3A_165, %dma_wait3A_166] : memref<10000x128xf32, #tpu.memory_space<hbm>> -> memref<16x128xf32, #tpu.memory_space<hbm>>
        tpu.wait_dma2 semaphore(%run_scoped3A_155 : memref<!tpu.dma_semaphore, #tpu.memory_space<semaphore_mem>>) src(%dma_wait3A_167 : memref<16x128xf32, #tpu.memory_space<hbm>>) dst(%dma_wait3A_164 : memref<16x128xf32, #tpu.memory_space<vmem_shared>>)
        tpu.yield
      }) : () -> ()
    } else {
    }
    %barrier3A = arith.constant 0 : index
    tpu.barrier barrier_id(%barrier3A)
    %run_scoped3A = arith.constant 0 : i32
    "tpu.region"() ({
      %run_scoped3A_155 = tpu.sem_alloc : memref<!tpu.dma_semaphore, #tpu.memory_space<semaphore_mem>>
      %dma_start3A_156 = arith.constant 0 : i32
      %dma_start3A_157 = arith.constant 0 : i32
      %dma_start3A_158 = tpu.memref_slice %arg3[%add3A, %run_scoped3A, %dma_start3A_156, %dma_start3A_157] : memref<32x4x25x100xi32, #tpu.memory_space<hbm>> -> memref<1x1x25x100xi32, #tpu.memory_space<hbm>>
      %dma_start3A_159 = tpu.memref_squeeze %dma_start3A_158 : memref<1x1x25x100xi32, #tpu.memory_space<hbm>> -> memref<25x100xi32, #tpu.memory_space<hbm>>
      %dma_start3A_160 = arith.constant 0 : i32
      %dma_start3A_161 = arith.constant 0 : i32
      %dma_start3A_162 = tpu.memref_slice %arg3[%add3A, %run_scoped3A, %dma_start3A_160, %dma_start3A_161] : memref<32x4x25x100xi32, #tpu.memory_space<hbm>> -> memref<1x1x25x100xi32, #tpu.memory_space<hbm>>
      %dma_start3A_163 = tpu.memref_squeeze %dma_start3A_162 : memref<1x1x25x100xi32, #tpu.memory_space<hbm>> -> memref<25x100xi32, #tpu.memory_space<hbm>>
      tpu.enqueue_dma source(%dma_start3A_163 : memref<25x100xi32, #tpu.memory_space<hbm>>) target(%arg7 : memref<25x100xi32, #tpu.memory_space<vmem>>) target_semaphore(%run_scoped3A_155 : memref<!tpu.dma_semaphore, #tpu.memory_space<semaphore_mem>>)
      %dma_wait3A_164 = arith.constant 0 : i32
      %dma_wait3A_165 = arith.constant 0 : i32
      %dma_wait3A_166 = tpu.memref_slice %arg3[%add3A, %run_scoped3A, %dma_wait3A_164, %dma_wait3A_165] : memref<32x4x25x100xi32, #tpu.memory_space<hbm>> -> memref<1x1x25x100xi32, #tpu.memory_space<hbm>>
      %dma_wait3A_167 = tpu.memref_squeeze %dma_wait3A_166 : memref<1x1x25x100xi32, #tpu.memory_space<hbm>> -> memref<25x100xi32, #tpu.memory_space<hbm>>
      %dma_wait3A_168 = arith.constant 0 : i32
      %dma_wait3A_169 = arith.constant 0 : i32
      %dma_wait3A_170 = tpu.memref_slice %arg3[%add3A, %run_scoped3A, %dma_wait3A_168, %dma_wait3A_169] : memref<32x4x25x100xi32, #tpu.memory_space<hbm>> -> memref<1x1x25x100xi32, #tpu.memory_space<hbm>>
      %dma_wait3A_171 = tpu.memref_squeeze %dma_wait3A_170 : memref<1x1x25x100xi32, #tpu.memory_space<hbm>> -> memref<25x100xi32, #tpu.memory_space<hbm>>
      tpu.wait_dma2 semaphore(%run_scoped3A_155 : memref<!tpu.dma_semaphore, #tpu.memory_space<semaphore_mem>>) src(%dma_wait3A_171 : memref<25x100xi32, #tpu.memory_space<hbm>>) dst(%arg7 : memref<25x100xi32, #tpu.memory_space<vmem>>)
      tpu.yield
    }) : () -> ()
    %run_scoped3A_5 = arith.constant 0 : i32
    "tpu.region"() ({
      %run_scoped3A_155 = tpu.sem_alloc : memref<!tpu.dma_semaphore, #tpu.memory_space<semaphore_mem>>
      %dma_start3A_156 = arith.constant 0 : i32
      %dma_start3A_157 = arith.constant 0 : i32
      %dma_start3A_158 = tpu.memref_slice %arg4[%add3A, %run_scoped3A_5, %dma_start3A_156, %dma_start3A_157] : memref<32x4x25x100xi32, #tpu.memory_space<hbm>> -> memref<1x1x25x100xi32, #tpu.memory_space<hbm>>
      %dma_start3A_159 = tpu.memref_squeeze %dma_start3A_158 : memref<1x1x25x100xi32, #tpu.memory_space<hbm>> -> memref<25x100xi32, #tpu.memory_space<hbm>>
      %dma_start3A_160 = arith.constant 0 : i32
      %dma_start3A_161 = arith.constant 0 : i32
      %dma_start3A_162 = tpu.memref_slice %arg4[%add3A, %run_scoped3A_5, %dma_start3A_160, %dma_start3A_161] : memref<32x4x25x100xi32, #tpu.memory_space<hbm>> -> memref<1x1x25x100xi32, #tpu.memory_space<hbm>>
      %dma_start3A_163 = tpu.memref_squeeze %dma_start3A_162 : memref<1x1x25x100xi32, #tpu.memory_space<hbm>> -> memref<25x100xi32, #tpu.memory_space<hbm>>
      tpu.enqueue_dma source(%dma_start3A_163 : memref<25x100xi32, #tpu.memory_space<hbm>>) target(%arg8 : memref<25x100xi32, #tpu.memory_space<vmem>>) target_semaphore(%run_scoped3A_155 : memref<!tpu.dma_semaphore, #tpu.memory_space<semaphore_mem>>)
      %dma_wait3A_164 = arith.constant 0 : i32
      %dma_wait3A_165 = arith.constant 0 : i32
      %dma_wait3A_166 = tpu.memref_slice %arg4[%add3A, %run_scoped3A_5, %dma_wait3A_164, %dma_wait3A_165] : memref<32x4x25x100xi32, #tpu.memory_space<hbm>> -> memref<1x1x25x100xi32, #tpu.memory_space<hbm>>
      %dma_wait3A_167 = tpu.memref_squeeze %dma_wait3A_166 : memref<1x1x25x100xi32, #tpu.memory_space<hbm>> -> memref<25x100xi32, #tpu.memory_space<hbm>>
      %dma_wait3A_168 = arith.constant 0 : i32
      %dma_wait3A_169 = arith.constant 0 : i32
      %dma_wait3A_170 = tpu.memref_slice %arg4[%add3A, %run_scoped3A_5, %dma_wait3A_168, %dma_wait3A_169] : memref<32x4x25x100xi32, #tpu.memory_space<hbm>> -> memref<1x1x25x100xi32, #tpu.memory_space<hbm>>
      %dma_wait3A_171 = tpu.memref_squeeze %dma_wait3A_170 : memref<1x1x25x100xi32, #tpu.memory_space<hbm>> -> memref<25x100xi32, #tpu.memory_space<hbm>>
      tpu.wait_dma2 semaphore(%run_scoped3A_155 : memref<!tpu.dma_semaphore, #tpu.memory_space<semaphore_mem>>) src(%dma_wait3A_171 : memref<25x100xi32, #tpu.memory_space<hbm>>) dst(%arg8 : memref<25x100xi32, #tpu.memory_space<vmem>>)
      tpu.yield
    }) : () -> ()
    %dma_start3A = arith.constant 0 : i32
    %dma_start3A_6 = arith.constant 0 : i32
    %dma_start3A_7 = tpu.memref_slice %arg7[%dma_start3A, %dma_start3A_6] : memref<25x100xi32, #tpu.memory_space<vmem>> -> memref<1x100xi32, #tpu.memory_space<vmem>>
    %dma_start3A_8 = tpu.memref_squeeze %dma_start3A_7 : memref<1x100xi32, #tpu.memory_space<vmem>> -> memref<100xi32, #tpu.memory_space<vmem>>
    %dma_start3A_9 = arith.constant 0 : i32
    %dma_start3A_10 = arith.constant 0 : i32
    %dma_start3A_11 = tpu.memref_slice %arg2[%dma_start3A_9, %dma_start3A_10] : memref<10000x128xf32, #tpu.memory_space<hbm>> -> memref<10000x128xf32, #tpu.memory_space<hbm>>
    tpu.enqueue_indirect_dma source(%dma_start3A_11 : memref<10000x128xf32, #tpu.memory_space<hbm>>) target(%arg9 : memref<100x128xf32, #tpu.memory_space<vmem>>) offsets(%dma_start3A_8 : memref<100xi32, #tpu.memory_space<vmem>>) semaphore(%arg13 : memref<!tpu.dma_semaphore, #tpu.memory_space<semaphore_mem>>)
    %dma_start3A_12 = arith.constant 1 : i32
    %dma_start3A_13 = arith.constant 0 : i32
    %dma_start3A_14 = tpu.memref_slice %arg7[%dma_start3A_12, %dma_start3A_13] : memref<25x100xi32, #tpu.memory_space<vmem>> -> memref<1x100xi32, #tpu.memory_space<vmem>>
    %dma_start3A_15 = tpu.memref_squeeze %dma_start3A_14 : memref<1x100xi32, #tpu.memory_space<vmem>> -> memref<100xi32, #tpu.memory_space<vmem>>
    %dma_start3A_16 = arith.constant 0 : i32
    %dma_start3A_17 = arith.constant 0 : i32
    %dma_start3A_18 = tpu.memref_slice %arg2[%dma_start3A_16, %dma_start3A_17] : memref<10000x128xf32, #tpu.memory_space<hbm>> -> memref<10000x128xf32, #tpu.memory_space<hbm>>
    tpu.enqueue_indirect_dma source(%dma_start3A_18 : memref<10000x128xf32, #tpu.memory_space<hbm>>) target(%arg10 : memref<100x128xf32, #tpu.memory_space<vmem>>) offsets(%dma_start3A_15 : memref<100xi32, #tpu.memory_space<vmem>>) semaphore(%arg14 : memref<!tpu.dma_semaphore, #tpu.memory_space<semaphore_mem>>)
    %dma_start3A_19 = arith.constant 2 : i32
    %dma_start3A_20 = arith.constant 0 : i32
    %dma_start3A_21 = tpu.memref_slice %arg7[%dma_start3A_19, %dma_start3A_20] : memref<25x100xi32, #tpu.memory_space<vmem>> -> memref<1x100xi32, #tpu.memory_space<vmem>>
    %dma_start3A_22 = tpu.memref_squeeze %dma_start3A_21 : memref<1x100xi32, #tpu.memory_space<vmem>> -> memref<100xi32, #tpu.memory_space<vmem>>
    %dma_start3A_23 = arith.constant 0 : i32
    %dma_start3A_24 = arith.constant 0 : i32
    %dma_start3A_25 = tpu.memref_slice %arg2[%dma_start3A_23, %dma_start3A_24] : memref<10000x128xf32, #tpu.memory_space<hbm>> -> memref<10000x128xf32, #tpu.memory_space<hbm>>
    tpu.enqueue_indirect_dma source(%dma_start3A_25 : memref<10000x128xf32, #tpu.memory_space<hbm>>) target(%arg11 : memref<100x128xf32, #tpu.memory_space<vmem>>) offsets(%dma_start3A_22 : memref<100xi32, #tpu.memory_space<vmem>>) semaphore(%arg15 : memref<!tpu.dma_semaphore, #tpu.memory_space<semaphore_mem>>)
    %scan3A = arith.constant 0 : i32
    %scan3A_26 = arith.constant 0 : i32
    %scan3A_27 = arith.constant 8 : i32
    %scan3A_28 = arith.addi %scan3A_26, %scan3A_27 : i32
    %scan3A_29 = arith.constant 1 : i32
    scf.for %scan3A_155 = %scan3A_26 to %scan3A_28 step %scan3A_29  : i32 {
      %mul3A_156 = arith.constant 3 : i32
      %mul3A_157 = arith.muli %scan3A_155, %mul3A_156 : i32
      %add3A_158 = arith.constant 0 : i32
      %add3A_159 = arith.addi %mul3A_157, %add3A_158 : i32
      %dma_wait3A_160 = arith.constant 0 : i32
      %dma_wait3A_161 = tpu.memref_slice %arg7[%add3A_159, %dma_wait3A_160] : memref<25x100xi32, #tpu.memory_space<vmem>> -> memref<1x100xi32, #tpu.memory_space<vmem>>
      %dma_wait3A_162 = tpu.memref_squeeze %dma_wait3A_161 : memref<1x100xi32, #tpu.memory_space<vmem>> -> memref<100xi32, #tpu.memory_space<vmem>>
      %dma_wait3A_163 = arith.constant 0 : i32
      %dma_wait3A_164 = arith.constant 0 : i32
      %dma_wait3A_165 = tpu.memref_slice %arg2[%dma_wait3A_163, %dma_wait3A_164] : memref<10000x128xf32, #tpu.memory_space<hbm>> -> memref<10000x128xf32, #tpu.memory_space<hbm>>
      tpu.wait_indirect_dma semaphore(%arg13 : memref<!tpu.dma_semaphore, #tpu.memory_space<semaphore_mem>>) src(%dma_wait3A_165 : memref<10000x128xf32, #tpu.memory_space<hbm>>) dst(%arg9 : memref<100x128xf32, #tpu.memory_space<vmem>>)
      %add3A_166 = arith.constant 0 : i32
      %add3A_167 = arith.addi %mul3A_157, %add3A_166 : i32
      "tpu.region"() ({
        %run_scoped3A_214 = tpu.sem_alloc : memref<!tpu.dma_semaphore, #tpu.memory_space<semaphore_mem>>
        %dma_start3A_215 = arith.constant 0 : i32
        %dma_start3A_216 = tpu.memref_slice %arg8[%add3A_167, %dma_start3A_215] : memref<25x100xi32, #tpu.memory_space<vmem>> -> memref<1x100xi32, #tpu.memory_space<vmem>>
        %dma_start3A_217 = tpu.memref_squeeze %dma_start3A_216 : memref<1x100xi32, #tpu.memory_space<vmem>> -> memref<100xi32, #tpu.memory_space<vmem>>
        %dma_start3A_218 = arith.constant 0 : i32
        %dma_start3A_219 = arith.constant 0 : i32
        %dma_start3A_220 = tpu.memref_slice %arg12[%dma_start3A_218, %dma_start3A_219] : memref<10000x128xf32, #tpu.memory_space<vmem_shared>> -> memref<10000x128xf32, #tpu.memory_space<vmem_shared>>
        tpu.enqueue_indirect_dma source(%arg9 : memref<100x128xf32, #tpu.memory_space<vmem>>) target(%dma_start3A_220 : memref<10000x128xf32, #tpu.memory_space<vmem_shared>>) offsets(%dma_start3A_217 : memref<100xi32, #tpu.memory_space<vmem>>) semaphore(%run_scoped3A_214 : memref<!tpu.dma_semaphore, #tpu.memory_space<semaphore_mem>>) {add = true}
        %dma_wait3A_221 = arith.constant 0 : i32
        %dma_wait3A_222 = tpu.memref_slice %arg8[%add3A_167, %dma_wait3A_221] : memref<25x100xi32, #tpu.memory_space<vmem>> -> memref<1x100xi32, #tpu.memory_space<vmem>>
        %dma_wait3A_223 = tpu.memref_squeeze %dma_wait3A_222 : memref<1x100xi32, #tpu.memory_space<vmem>> -> memref<100xi32, #tpu.memory_space<vmem>>
        %dma_wait3A_224 = arith.constant 0 : i32
        %dma_wait3A_225 = arith.constant 0 : i32
        %dma_wait3A_226 = tpu.memref_slice %arg12[%dma_wait3A_224, %dma_wait3A_225] : memref<10000x128xf32, #tpu.memory_space<vmem_shared>> -> memref<10000x128xf32, #tpu.memory_space<vmem_shared>>
        tpu.wait_indirect_dma semaphore(%run_scoped3A_214 : memref<!tpu.dma_semaphore, #tpu.memory_space<semaphore_mem>>) src(%arg9 : memref<100x128xf32, #tpu.memory_space<vmem>>) dst(%dma_wait3A_226 : memref<10000x128xf32, #tpu.memory_space<vmem_shared>>)
        tpu.yield
      }) : () -> ()
      %add3A_168 = arith.constant 0 : i32
      %add3A_169 = arith.addi %mul3A_157, %add3A_168 : i32
      %add3A_170 = arith.constant 3 : i32
      %add3A_171 = arith.addi %add3A_169, %add3A_170 : i32
      %lt3A = arith.constant 25 : i32
      %lt3A_172 = arith.cmpi slt, %add3A_171, %lt3A : i32
      %convert_element_type3A_173 = arith.extui %lt3A_172 : i1 to i32
      %cond3A_174 = arith.constant 0 : i32
      %cond3A_175 = arith.cmpi ne, %convert_element_type3A_173, %cond3A_174 : i32
      scf.if %cond3A_175 {
        %add3A_214 = arith.constant 0 : i32
        %add3A_215 = arith.addi %mul3A_157, %add3A_214 : i32
        %add3A_216 = arith.constant 3 : i32
        %add3A_217 = arith.addi %add3A_215, %add3A_216 : i32
        %dma_start3A_218 = arith.constant 0 : i32
        %dma_start3A_219 = tpu.memref_slice %arg7[%add3A_217, %dma_start3A_218] : memref<25x100xi32, #tpu.memory_space<vmem>> -> memref<1x100xi32, #tpu.memory_space<vmem>>
        %dma_start3A_220 = tpu.memref_squeeze %dma_start3A_219 : memref<1x100xi32, #tpu.memory_space<vmem>> -> memref<100xi32, #tpu.memory_space<vmem>>
        %dma_start3A_221 = arith.constant 0 : i32
        %dma_start3A_222 = arith.constant 0 : i32
        %dma_start3A_223 = tpu.memref_slice %arg2[%dma_start3A_221, %dma_start3A_222] : memref<10000x128xf32, #tpu.memory_space<hbm>> -> memref<10000x128xf32, #tpu.memory_space<hbm>>
        tpu.enqueue_indirect_dma source(%dma_start3A_223 : memref<10000x128xf32, #tpu.memory_space<hbm>>) target(%arg9 : memref<100x128xf32, #tpu.memory_space<vmem>>) offsets(%dma_start3A_220 : memref<100xi32, #tpu.memory_space<vmem>>) semaphore(%arg13 : memref<!tpu.dma_semaphore, #tpu.memory_space<semaphore_mem>>)
      } else {
      }
      %add3A_176 = arith.constant 1 : i32
      %add3A_177 = arith.addi %mul3A_157, %add3A_176 : i32
      %dma_wait3A_178 = arith.constant 0 : i32
      %dma_wait3A_179 = tpu.memref_slice %arg7[%add3A_177, %dma_wait3A_178] : memref<25x100xi32, #tpu.memory_space<vmem>> -> memref<1x100xi32, #tpu.memory_space<vmem>>
      %dma_wait3A_180 = tpu.memref_squeeze %dma_wait3A_179 : memref<1x100xi32, #tpu.memory_space<vmem>> -> memref<100xi32, #tpu.memory_space<vmem>>
      %dma_wait3A_181 = arith.constant 0 : i32
      %dma_wait3A_182 = arith.constant 0 : i32
      %dma_wait3A_183 = tpu.memref_slice %arg2[%dma_wait3A_181, %dma_wait3A_182] : memref<10000x128xf32, #tpu.memory_space<hbm>> -> memref<10000x128xf32, #tpu.memory_space<hbm>>
      tpu.wait_indirect_dma semaphore(%arg14 : memref<!tpu.dma_semaphore, #tpu.memory_space<semaphore_mem>>) src(%dma_wait3A_183 : memref<10000x128xf32, #tpu.memory_space<hbm>>) dst(%arg10 : memref<100x128xf32, #tpu.memory_space<vmem>>)
      %add3A_184 = arith.constant 1 : i32
      %add3A_185 = arith.addi %mul3A_157, %add3A_184 : i32
      "tpu.region"() ({
        %run_scoped3A_214 = tpu.sem_alloc : memref<!tpu.dma_semaphore, #tpu.memory_space<semaphore_mem>>
        %dma_start3A_215 = arith.constant 0 : i32
        %dma_start3A_216 = tpu.memref_slice %arg8[%add3A_185, %dma_start3A_215] : memref<25x100xi32, #tpu.memory_space<vmem>> -> memref<1x100xi32, #tpu.memory_space<vmem>>
        %dma_start3A_217 = tpu.memref_squeeze %dma_start3A_216 : memref<1x100xi32, #tpu.memory_space<vmem>> -> memref<100xi32, #tpu.memory_space<vmem>>
        %dma_start3A_218 = arith.constant 0 : i32
        %dma_start3A_219 = arith.constant 0 : i32
        %dma_start3A_220 = tpu.memref_slice %arg12[%dma_start3A_218, %dma_start3A_219] : memref<10000x128xf32, #tpu.memory_space<vmem_shared>> -> memref<10000x128xf32, #tpu.memory_space<vmem_shared>>
        tpu.enqueue_indirect_dma source(%arg10 : memref<100x128xf32, #tpu.memory_space<vmem>>) target(%dma_start3A_220 : memref<10000x128xf32, #tpu.memory_space<vmem_shared>>) offsets(%dma_start3A_217 : memref<100xi32, #tpu.memory_space<vmem>>) semaphore(%run_scoped3A_214 : memref<!tpu.dma_semaphore, #tpu.memory_space<semaphore_mem>>) {add = true}
        %dma_wait3A_221 = arith.constant 0 : i32
        %dma_wait3A_222 = tpu.memref_slice %arg8[%add3A_185, %dma_wait3A_221] : memref<25x100xi32, #tpu.memory_space<vmem>> -> memref<1x100xi32, #tpu.memory_space<vmem>>
        %dma_wait3A_223 = tpu.memref_squeeze %dma_wait3A_222 : memref<1x100xi32, #tpu.memory_space<vmem>> -> memref<100xi32, #tpu.memory_space<vmem>>
        %dma_wait3A_224 = arith.constant 0 : i32
        %dma_wait3A_225 = arith.constant 0 : i32
        %dma_wait3A_226 = tpu.memref_slice %arg12[%dma_wait3A_224, %dma_wait3A_225] : memref<10000x128xf32, #tpu.memory_space<vmem_shared>> -> memref<10000x128xf32, #tpu.memory_space<vmem_shared>>
        tpu.wait_indirect_dma semaphore(%run_scoped3A_214 : memref<!tpu.dma_semaphore, #tpu.memory_space<semaphore_mem>>) src(%arg10 : memref<100x128xf32, #tpu.memory_space<vmem>>) dst(%dma_wait3A_226 : memref<10000x128xf32, #tpu.memory_space<vmem_shared>>)
        tpu.yield
      }) : () -> ()
      %add3A_186 = arith.constant 1 : i32
      %add3A_187 = arith.addi %mul3A_157, %add3A_186 : i32
      %add3A_188 = arith.constant 3 : i32
      %add3A_189 = arith.addi %add3A_187, %add3A_188 : i32
      %lt3A_190 = arith.constant 25 : i32
      %lt3A_191 = arith.cmpi slt, %add3A_189, %lt3A_190 : i32
      %convert_element_type3A_192 = arith.extui %lt3A_191 : i1 to i32
      %cond3A_193 = arith.constant 0 : i32
      %cond3A_194 = arith.cmpi ne, %convert_element_type3A_192, %cond3A_193 : i32
      scf.if %cond3A_194 {
        %add3A_214 = arith.constant 1 : i32
        %add3A_215 = arith.addi %mul3A_157, %add3A_214 : i32
        %add3A_216 = arith.constant 3 : i32
        %add3A_217 = arith.addi %add3A_215, %add3A_216 : i32
        %dma_start3A_218 = arith.constant 0 : i32
        %dma_start3A_219 = tpu.memref_slice %arg7[%add3A_217, %dma_start3A_218] : memref<25x100xi32, #tpu.memory_space<vmem>> -> memref<1x100xi32, #tpu.memory_space<vmem>>
        %dma_start3A_220 = tpu.memref_squeeze %dma_start3A_219 : memref<1x100xi32, #tpu.memory_space<vmem>> -> memref<100xi32, #tpu.memory_space<vmem>>
        %dma_start3A_221 = arith.constant 0 : i32
        %dma_start3A_222 = arith.constant 0 : i32
        %dma_start3A_223 = tpu.memref_slice %arg2[%dma_start3A_221, %dma_start3A_222] : memref<10000x128xf32, #tpu.memory_space<hbm>> -> memref<10000x128xf32, #tpu.memory_space<hbm>>
        tpu.enqueue_indirect_dma source(%dma_start3A_223 : memref<10000x128xf32, #tpu.memory_space<hbm>>) target(%arg10 : memref<100x128xf32, #tpu.memory_space<vmem>>) offsets(%dma_start3A_220 : memref<100xi32, #tpu.memory_space<vmem>>) semaphore(%arg14 : memref<!tpu.dma_semaphore, #tpu.memory_space<semaphore_mem>>)
      } else {
      }
      %add3A_195 = arith.constant 2 : i32
      %add3A_196 = arith.addi %mul3A_157, %add3A_195 : i32
      %dma_wait3A_197 = arith.constant 0 : i32
      %dma_wait3A_198 = tpu.memref_slice %arg7[%add3A_196, %dma_wait3A_197] : memref<25x100xi32, #tpu.memory_space<vmem>> -> memref<1x100xi32, #tpu.memory_space<vmem>>
      %dma_wait3A_199 = tpu.memref_squeeze %dma_wait3A_198 : memref<1x100xi32, #tpu.memory_space<vmem>> -> memref<100xi32, #tpu.memory_space<vmem>>
      %dma_wait3A_200 = arith.constant 0 : i32
      %dma_wait3A_201 = arith.constant 0 : i32
      %dma_wait3A_202 = tpu.memref_slice %arg2[%dma_wait3A_200, %dma_wait3A_201] : memref<10000x128xf32, #tpu.memory_space<hbm>> -> memref<10000x128xf32, #tpu.memory_space<hbm>>
      tpu.wait_indirect_dma semaphore(%arg15 : memref<!tpu.dma_semaphore, #tpu.memory_space<semaphore_mem>>) src(%dma_wait3A_202 : memref<10000x128xf32, #tpu.memory_space<hbm>>) dst(%arg11 : memref<100x128xf32, #tpu.memory_space<vmem>>)
      %add3A_203 = arith.constant 2 : i32
      %add3A_204 = arith.addi %mul3A_157, %add3A_203 : i32
      "tpu.region"() ({
        %run_scoped3A_214 = tpu.sem_alloc : memref<!tpu.dma_semaphore, #tpu.memory_space<semaphore_mem>>
        %dma_start3A_215 = arith.constant 0 : i32
        %dma_start3A_216 = tpu.memref_slice %arg8[%add3A_204, %dma_start3A_215] : memref<25x100xi32, #tpu.memory_space<vmem>> -> memref<1x100xi32, #tpu.memory_space<vmem>>
        %dma_start3A_217 = tpu.memref_squeeze %dma_start3A_216 : memref<1x100xi32, #tpu.memory_space<vmem>> -> memref<100xi32, #tpu.memory_space<vmem>>
        %dma_start3A_218 = arith.constant 0 : i32
        %dma_start3A_219 = arith.constant 0 : i32
        %dma_start3A_220 = tpu.memref_slice %arg12[%dma_start3A_218, %dma_start3A_219] : memref<10000x128xf32, #tpu.memory_space<vmem_shared>> -> memref<10000x128xf32, #tpu.memory_space<vmem_shared>>
        tpu.enqueue_indirect_dma source(%arg11 : memref<100x128xf32, #tpu.memory_space<vmem>>) target(%dma_start3A_220 : memref<10000x128xf32, #tpu.memory_space<vmem_shared>>) offsets(%dma_start3A_217 : memref<100xi32, #tpu.memory_space<vmem>>) semaphore(%run_scoped3A_214 : memref<!tpu.dma_semaphore, #tpu.memory_space<semaphore_mem>>) {add = true}
        %dma_wait3A_221 = arith.constant 0 : i32
        %dma_wait3A_222 = tpu.memref_slice %arg8[%add3A_204, %dma_wait3A_221] : memref<25x100xi32, #tpu.memory_space<vmem>> -> memref<1x100xi32, #tpu.memory_space<vmem>>
        %dma_wait3A_223 = tpu.memref_squeeze %dma_wait3A_222 : memref<1x100xi32, #tpu.memory_space<vmem>> -> memref<100xi32, #tpu.memory_space<vmem>>
        %dma_wait3A_224 = arith.constant 0 : i32
        %dma_wait3A_225 = arith.constant 0 : i32
        %dma_wait3A_226 = tpu.memref_slice %arg12[%dma_wait3A_224, %dma_wait3A_225] : memref<10000x128xf32, #tpu.memory_space<vmem_shared>> -> memref<10000x128xf32, #tpu.memory_space<vmem_shared>>
        tpu.wait_indirect_dma semaphore(%run_scoped3A_214 : memref<!tpu.dma_semaphore, #tpu.memory_space<semaphore_mem>>) src(%arg11 : memref<100x128xf32, #tpu.memory_space<vmem>>) dst(%dma_wait3A_226 : memref<10000x128xf32, #tpu.memory_space<vmem_shared>>)
        tpu.yield
      }) : () -> ()
      %add3A_205 = arith.constant 2 : i32
      %add3A_206 = arith.addi %mul3A_157, %add3A_205 : i32
      %add3A_207 = arith.constant 3 : i32
      %add3A_208 = arith.addi %add3A_206, %add3A_207 : i32
      %lt3A_209 = arith.constant 25 : i32
      %lt3A_210 = arith.cmpi slt, %add3A_208, %lt3A_209 : i32
      %convert_element_type3A_211 = arith.extui %lt3A_210 : i1 to i32
      %cond3A_212 = arith.constant 0 : i32
      %cond3A_213 = arith.cmpi ne, %convert_element_type3A_211, %cond3A_212 : i32
      scf.if %cond3A_213 {
        %add3A_214 = arith.constant 2 : i32
        %add3A_215 = arith.addi %mul3A_157, %add3A_214 : i32
        %add3A_216 = arith.constant 3 : i32
        %add3A_217 = arith.addi %add3A_215, %add3A_216 : i32
        %dma_start3A_218 = arith.constant 0 : i32
        %dma_start3A_219 = tpu.memref_slice %arg7[%add3A_217, %dma_start3A_218] : memref<25x100xi32, #tpu.memory_space<vmem>> -> memref<1x100xi32, #tpu.memory_space<vmem>>
        %dma_start3A_220 = tpu.memref_squeeze %dma_start3A_219 : memref<1x100xi32, #tpu.memory_space<vmem>> -> memref<100xi32, #tpu.memory_space<vmem>>
        %dma_start3A_221 = arith.constant 0 : i32
        %dma_start3A_222 = arith.constant 0 : i32
        %dma_start3A_223 = tpu.memref_slice %arg2[%dma_start3A_221, %dma_start3A_222] : memref<10000x128xf32, #tpu.memory_space<hbm>> -> memref<10000x128xf32, #tpu.memory_space<hbm>>
        tpu.enqueue_indirect_dma source(%dma_start3A_223 : memref<10000x128xf32, #tpu.memory_space<hbm>>) target(%arg11 : memref<100x128xf32, #tpu.memory_space<vmem>>) offsets(%dma_start3A_220 : memref<100xi32, #tpu.memory_space<vmem>>) semaphore(%arg15 : memref<!tpu.dma_semaphore, #tpu.memory_space<semaphore_mem>>)
      } else {
      }
    }
    %scan3A_30 = arith.constant 8 : i32
    %dma_wait3A = arith.constant 24 : i32
    %dma_wait3A_31 = arith.constant 0 : i32
    %dma_wait3A_32 = tpu.memref_slice %arg7[%dma_wait3A, %dma_wait3A_31] : memref<25x100xi32, #tpu.memory_space<vmem>> -> memref<1x100xi32, #tpu.memory_space<vmem>>
    %dma_wait3A_33 = tpu.memref_squeeze %dma_wait3A_32 : memref<1x100xi32, #tpu.memory_space<vmem>> -> memref<100xi32, #tpu.memory_space<vmem>>
    %dma_wait3A_34 = arith.constant 0 : i32
    %dma_wait3A_35 = arith.constant 0 : i32
    %dma_wait3A_36 = tpu.memref_slice %arg2[%dma_wait3A_34, %dma_wait3A_35] : memref<10000x128xf32, #tpu.memory_space<hbm>> -> memref<10000x128xf32, #tpu.memory_space<hbm>>
    tpu.wait_indirect_dma semaphore(%arg13 : memref<!tpu.dma_semaphore, #tpu.memory_space<semaphore_mem>>) src(%dma_wait3A_36 : memref<10000x128xf32, #tpu.memory_space<hbm>>) dst(%arg9 : memref<100x128xf32, #tpu.memory_space<vmem>>)
    %run_scoped3A_37 = arith.constant 24 : i32
    "tpu.region"() ({
      %run_scoped3A_155 = tpu.sem_alloc : memref<!tpu.dma_semaphore, #tpu.memory_space<semaphore_mem>>
      %dma_start3A_156 = arith.constant 0 : i32
      %dma_start3A_157 = tpu.memref_slice %arg8[%run_scoped3A_37, %dma_start3A_156] : memref<25x100xi32, #tpu.memory_space<vmem>> -> memref<1x100xi32, #tpu.memory_space<vmem>>
      %dma_start3A_158 = tpu.memref_squeeze %dma_start3A_157 : memref<1x100xi32, #tpu.memory_space<vmem>> -> memref<100xi32, #tpu.memory_space<vmem>>
      %dma_start3A_159 = arith.constant 0 : i32
      %dma_start3A_160 = arith.constant 0 : i32
      %dma_start3A_161 = tpu.memref_slice %arg12[%dma_start3A_159, %dma_start3A_160] : memref<10000x128xf32, #tpu.memory_space<vmem_shared>> -> memref<10000x128xf32, #tpu.memory_space<vmem_shared>>
      tpu.enqueue_indirect_dma source(%arg9 : memref<100x128xf32, #tpu.memory_space<vmem>>) target(%dma_start3A_161 : memref<10000x128xf32, #tpu.memory_space<vmem_shared>>) offsets(%dma_start3A_158 : memref<100xi32, #tpu.memory_space<vmem>>) semaphore(%run_scoped3A_155 : memref<!tpu.dma_semaphore, #tpu.memory_space<semaphore_mem>>) {add = true}
      %dma_wait3A_162 = arith.constant 0 : i32
      %dma_wait3A_163 = tpu.memref_slice %arg8[%run_scoped3A_37, %dma_wait3A_162] : memref<25x100xi32, #tpu.memory_space<vmem>> -> memref<1x100xi32, #tpu.memory_space<vmem>>
      %dma_wait3A_164 = tpu.memref_squeeze %dma_wait3A_163 : memref<1x100xi32, #tpu.memory_space<vmem>> -> memref<100xi32, #tpu.memory_space<vmem>>
      %dma_wait3A_165 = arith.constant 0 : i32
      %dma_wait3A_166 = arith.constant 0 : i32
      %dma_wait3A_167 = tpu.memref_slice %arg12[%dma_wait3A_165, %dma_wait3A_166] : memref<10000x128xf32, #tpu.memory_space<vmem_shared>> -> memref<10000x128xf32, #tpu.memory_space<vmem_shared>>
      tpu.wait_indirect_dma semaphore(%run_scoped3A_155 : memref<!tpu.dma_semaphore, #tpu.memory_space<semaphore_mem>>) src(%arg9 : memref<100x128xf32, #tpu.memory_space<vmem>>) dst(%dma_wait3A_167 : memref<10000x128xf32, #tpu.memory_space<vmem_shared>>)
      tpu.yield
    }) : () -> ()
    %run_scoped3A_38 = arith.constant 1 : i32
    "tpu.region"() ({
      %run_scoped3A_155 = tpu.sem_alloc : memref<!tpu.dma_semaphore, #tpu.memory_space<semaphore_mem>>
      %dma_start3A_156 = arith.constant 0 : i32
      %dma_start3A_157 = arith.constant 0 : i32
      %dma_start3A_158 = tpu.memref_slice %arg3[%add3A, %run_scoped3A_38, %dma_start3A_156, %dma_start3A_157] : memref<32x4x25x100xi32, #tpu.memory_space<hbm>> -> memref<1x1x25x100xi32, #tpu.memory_space<hbm>>
      %dma_start3A_159 = tpu.memref_squeeze %dma_start3A_158 : memref<1x1x25x100xi32, #tpu.memory_space<hbm>> -> memref<25x100xi32, #tpu.memory_space<hbm>>
      %dma_start3A_160 = arith.constant 0 : i32
      %dma_start3A_161 = arith.constant 0 : i32
      %dma_start3A_162 = tpu.memref_slice %arg3[%add3A, %run_scoped3A_38, %dma_start3A_160, %dma_start3A_161] : memref<32x4x25x100xi32, #tpu.memory_space<hbm>> -> memref<1x1x25x100xi32, #tpu.memory_space<hbm>>
      %dma_start3A_163 = tpu.memref_squeeze %dma_start3A_162 : memref<1x1x25x100xi32, #tpu.memory_space<hbm>> -> memref<25x100xi32, #tpu.memory_space<hbm>>
      tpu.enqueue_dma source(%dma_start3A_163 : memref<25x100xi32, #tpu.memory_space<hbm>>) target(%arg7 : memref<25x100xi32, #tpu.memory_space<vmem>>) target_semaphore(%run_scoped3A_155 : memref<!tpu.dma_semaphore, #tpu.memory_space<semaphore_mem>>)
      %dma_wait3A_164 = arith.constant 0 : i32
      %dma_wait3A_165 = arith.constant 0 : i32
      %dma_wait3A_166 = tpu.memref_slice %arg3[%add3A, %run_scoped3A_38, %dma_wait3A_164, %dma_wait3A_165] : memref<32x4x25x100xi32, #tpu.memory_space<hbm>> -> memref<1x1x25x100xi32, #tpu.memory_space<hbm>>
      %dma_wait3A_167 = tpu.memref_squeeze %dma_wait3A_166 : memref<1x1x25x100xi32, #tpu.memory_space<hbm>> -> memref<25x100xi32, #tpu.memory_space<hbm>>
      %dma_wait3A_168 = arith.constant 0 : i32
      %dma_wait3A_169 = arith.constant 0 : i32
      %dma_wait3A_170 = tpu.memref_slice %arg3[%add3A, %run_scoped3A_38, %dma_wait3A_168, %dma_wait3A_169] : memref<32x4x25x100xi32, #tpu.memory_space<hbm>> -> memref<1x1x25x100xi32, #tpu.memory_space<hbm>>
      %dma_wait3A_171 = tpu.memref_squeeze %dma_wait3A_170 : memref<1x1x25x100xi32, #tpu.memory_space<hbm>> -> memref<25x100xi32, #tpu.memory_space<hbm>>
      tpu.wait_dma2 semaphore(%run_scoped3A_155 : memref<!tpu.dma_semaphore, #tpu.memory_space<semaphore_mem>>) src(%dma_wait3A_171 : memref<25x100xi32, #tpu.memory_space<hbm>>) dst(%arg7 : memref<25x100xi32, #tpu.memory_space<vmem>>)
      tpu.yield
    }) : () -> ()
    %run_scoped3A_39 = arith.constant 1 : i32
    "tpu.region"() ({
      %run_scoped3A_155 = tpu.sem_alloc : memref<!tpu.dma_semaphore, #tpu.memory_space<semaphore_mem>>
      %dma_start3A_156 = arith.constant 0 : i32
      %dma_start3A_157 = arith.constant 0 : i32
      %dma_start3A_158 = tpu.memref_slice %arg4[%add3A, %run_scoped3A_39, %dma_start3A_156, %dma_start3A_157] : memref<32x4x25x100xi32, #tpu.memory_space<hbm>> -> memref<1x1x25x100xi32, #tpu.memory_space<hbm>>
      %dma_start3A_159 = tpu.memref_squeeze %dma_start3A_158 : memref<1x1x25x100xi32, #tpu.memory_space<hbm>> -> memref<25x100xi32, #tpu.memory_space<hbm>>
      %dma_start3A_160 = arith.constant 0 : i32
      %dma_start3A_161 = arith.constant 0 : i32
      %dma_start3A_162 = tpu.memref_slice %arg4[%add3A, %run_scoped3A_39, %dma_start3A_160, %dma_start3A_161] : memref<32x4x25x100xi32, #tpu.memory_space<hbm>> -> memref<1x1x25x100xi32, #tpu.memory_space<hbm>>
      %dma_start3A_163 = tpu.memref_squeeze %dma_start3A_162 : memref<1x1x25x100xi32, #tpu.memory_space<hbm>> -> memref<25x100xi32, #tpu.memory_space<hbm>>
      tpu.enqueue_dma source(%dma_start3A_163 : memref<25x100xi32, #tpu.memory_space<hbm>>) target(%arg8 : memref<25x100xi32, #tpu.memory_space<vmem>>) target_semaphore(%run_scoped3A_155 : memref<!tpu.dma_semaphore, #tpu.memory_space<semaphore_mem>>)
      %dma_wait3A_164 = arith.constant 0 : i32
      %dma_wait3A_165 = arith.constant 0 : i32
      %dma_wait3A_166 = tpu.memref_slice %arg4[%add3A, %run_scoped3A_39, %dma_wait3A_164, %dma_wait3A_165] : memref<32x4x25x100xi32, #tpu.memory_space<hbm>> -> memref<1x1x25x100xi32, #tpu.memory_space<hbm>>
      %dma_wait3A_167 = tpu.memref_squeeze %dma_wait3A_166 : memref<1x1x25x100xi32, #tpu.memory_space<hbm>> -> memref<25x100xi32, #tpu.memory_space<hbm>>
      %dma_wait3A_168 = arith.constant 0 : i32
      %dma_wait3A_169 = arith.constant 0 : i32
      %dma_wait3A_170 = tpu.memref_slice %arg4[%add3A, %run_scoped3A_39, %dma_wait3A_168, %dma_wait3A_169] : memref<32x4x25x100xi32, #tpu.memory_space<hbm>> -> memref<1x1x25x100xi32, #tpu.memory_space<hbm>>
      %dma_wait3A_171 = tpu.memref_squeeze %dma_wait3A_170 : memref<1x1x25x100xi32, #tpu.memory_space<hbm>> -> memref<25x100xi32, #tpu.memory_space<hbm>>
      tpu.wait_dma2 semaphore(%run_scoped3A_155 : memref<!tpu.dma_semaphore, #tpu.memory_space<semaphore_mem>>) src(%dma_wait3A_171 : memref<25x100xi32, #tpu.memory_space<hbm>>) dst(%arg8 : memref<25x100xi32, #tpu.memory_space<vmem>>)
      tpu.yield
    }) : () -> ()
    %dma_start3A_40 = arith.constant 0 : i32
    %dma_start3A_41 = arith.constant 0 : i32
    %dma_start3A_42 = tpu.memref_slice %arg7[%dma_start3A_40, %dma_start3A_41] : memref<25x100xi32, #tpu.memory_space<vmem>> -> memref<1x100xi32, #tpu.memory_space<vmem>>
    %dma_start3A_43 = tpu.memref_squeeze %dma_start3A_42 : memref<1x100xi32, #tpu.memory_space<vmem>> -> memref<100xi32, #tpu.memory_space<vmem>>
    %dma_start3A_44 = arith.constant 0 : i32
    %dma_start3A_45 = arith.constant 0 : i32
    %dma_start3A_46 = tpu.memref_slice %arg2[%dma_start3A_44, %dma_start3A_45] : memref<10000x128xf32, #tpu.memory_space<hbm>> -> memref<10000x128xf32, #tpu.memory_space<hbm>>
    tpu.enqueue_indirect_dma source(%dma_start3A_46 : memref<10000x128xf32, #tpu.memory_space<hbm>>) target(%arg9 : memref<100x128xf32, #tpu.memory_space<vmem>>) offsets(%dma_start3A_43 : memref<100xi32, #tpu.memory_space<vmem>>) semaphore(%arg13 : memref<!tpu.dma_semaphore, #tpu.memory_space<semaphore_mem>>)
    %dma_start3A_47 = arith.constant 1 : i32
    %dma_start3A_48 = arith.constant 0 : i32
    %dma_start3A_49 = tpu.memref_slice %arg7[%dma_start3A_47, %dma_start3A_48] : memref<25x100xi32, #tpu.memory_space<vmem>> -> memref<1x100xi32, #tpu.memory_space<vmem>>
    %dma_start3A_50 = tpu.memref_squeeze %dma_start3A_49 : memref<1x100xi32, #tpu.memory_space<vmem>> -> memref<100xi32, #tpu.memory_space<vmem>>
    %dma_start3A_51 = arith.constant 0 : i32
    %dma_start3A_52 = arith.constant 0 : i32
    %dma_start3A_53 = tpu.memref_slice %arg2[%dma_start3A_51, %dma_start3A_52] : memref<10000x128xf32, #tpu.memory_space<hbm>> -> memref<10000x128xf32, #tpu.memory_space<hbm>>
    tpu.enqueue_indirect_dma source(%dma_start3A_53 : memref<10000x128xf32, #tpu.memory_space<hbm>>) target(%arg10 : memref<100x128xf32, #tpu.memory_space<vmem>>) offsets(%dma_start3A_50 : memref<100xi32, #tpu.memory_space<vmem>>) semaphore(%arg14 : memref<!tpu.dma_semaphore, #tpu.memory_space<semaphore_mem>>)
    %dma_start3A_54 = arith.constant 2 : i32
    %dma_start3A_55 = arith.constant 0 : i32
    %dma_start3A_56 = tpu.memref_slice %arg7[%dma_start3A_54, %dma_start3A_55] : memref<25x100xi32, #tpu.memory_space<vmem>> -> memref<1x100xi32, #tpu.memory_space<vmem>>
    %dma_start3A_57 = tpu.memref_squeeze %dma_start3A_56 : memref<1x100xi32, #tpu.memory_space<vmem>> -> memref<100xi32, #tpu.memory_space<vmem>>
    %dma_start3A_58 = arith.constant 0 : i32
    %dma_start3A_59 = arith.constant 0 : i32
    %dma_start3A_60 = tpu.memref_slice %arg2[%dma_start3A_58, %dma_start3A_59] : memref<10000x128xf32, #tpu.memory_space<hbm>> -> memref<10000x128xf32, #tpu.memory_space<hbm>>
    tpu.enqueue_indirect_dma source(%dma_start3A_60 : memref<10000x128xf32, #tpu.memory_space<hbm>>) target(%arg11 : memref<100x128xf32, #tpu.memory_space<vmem>>) offsets(%dma_start3A_57 : memref<100xi32, #tpu.memory_space<vmem>>) semaphore(%arg15 : memref<!tpu.dma_semaphore, #tpu.memory_space<semaphore_mem>>)
    %scan3A_61 = arith.constant 0 : i32
    %scan3A_62 = arith.constant 0 : i32
    %scan3A_63 = arith.constant 8 : i32
    %scan3A_64 = arith.addi %scan3A_62, %scan3A_63 : i32
    %scan3A_65 = arith.constant 1 : i32
    scf.for %scan3A_155 = %scan3A_62 to %scan3A_64 step %scan3A_65  : i32 {
      %mul3A_156 = arith.constant 3 : i32
      %mul3A_157 = arith.muli %scan3A_155, %mul3A_156 : i32
      %add3A_158 = arith.constant 0 : i32
      %add3A_159 = arith.addi %mul3A_157, %add3A_158 : i32
      %dma_wait3A_160 = arith.constant 0 : i32
      %dma_wait3A_161 = tpu.memref_slice %arg7[%add3A_159, %dma_wait3A_160] : memref<25x100xi32, #tpu.memory_space<vmem>> -> memref<1x100xi32, #tpu.memory_space<vmem>>
      %dma_wait3A_162 = tpu.memref_squeeze %dma_wait3A_161 : memref<1x100xi32, #tpu.memory_space<vmem>> -> memref<100xi32, #tpu.memory_space<vmem>>
      %dma_wait3A_163 = arith.constant 0 : i32
      %dma_wait3A_164 = arith.constant 0 : i32
      %dma_wait3A_165 = tpu.memref_slice %arg2[%dma_wait3A_163, %dma_wait3A_164] : memref<10000x128xf32, #tpu.memory_space<hbm>> -> memref<10000x128xf32, #tpu.memory_space<hbm>>
      tpu.wait_indirect_dma semaphore(%arg13 : memref<!tpu.dma_semaphore, #tpu.memory_space<semaphore_mem>>) src(%dma_wait3A_165 : memref<10000x128xf32, #tpu.memory_space<hbm>>) dst(%arg9 : memref<100x128xf32, #tpu.memory_space<vmem>>)
      %add3A_166 = arith.constant 0 : i32
      %add3A_167 = arith.addi %mul3A_157, %add3A_166 : i32
      "tpu.region"() ({
        %run_scoped3A_214 = tpu.sem_alloc : memref<!tpu.dma_semaphore, #tpu.memory_space<semaphore_mem>>
        %dma_start3A_215 = arith.constant 0 : i32
        %dma_start3A_216 = tpu.memref_slice %arg8[%add3A_167, %dma_start3A_215] : memref<25x100xi32, #tpu.memory_space<vmem>> -> memref<1x100xi32, #tpu.memory_space<vmem>>
        %dma_start3A_217 = tpu.memref_squeeze %dma_start3A_216 : memref<1x100xi32, #tpu.memory_space<vmem>> -> memref<100xi32, #tpu.memory_space<vmem>>
        %dma_start3A_218 = arith.constant 0 : i32
        %dma_start3A_219 = arith.constant 0 : i32
        %dma_start3A_220 = tpu.memref_slice %arg12[%dma_start3A_218, %dma_start3A_219] : memref<10000x128xf32, #tpu.memory_space<vmem_shared>> -> memref<10000x128xf32, #tpu.memory_space<vmem_shared>>
        tpu.enqueue_indirect_dma source(%arg9 : memref<100x128xf32, #tpu.memory_space<vmem>>) target(%dma_start3A_220 : memref<10000x128xf32, #tpu.memory_space<vmem_shared>>) offsets(%dma_start3A_217 : memref<100xi32, #tpu.memory_space<vmem>>) semaphore(%run_scoped3A_214 : memref<!tpu.dma_semaphore, #tpu.memory_space<semaphore_mem>>) {add = true}
        %dma_wait3A_221 = arith.constant 0 : i32
        %dma_wait3A_222 = tpu.memref_slice %arg8[%add3A_167, %dma_wait3A_221] : memref<25x100xi32, #tpu.memory_space<vmem>> -> memref<1x100xi32, #tpu.memory_space<vmem>>
        %dma_wait3A_223 = tpu.memref_squeeze %dma_wait3A_222 : memref<1x100xi32, #tpu.memory_space<vmem>> -> memref<100xi32, #tpu.memory_space<vmem>>
        %dma_wait3A_224 = arith.constant 0 : i32
        %dma_wait3A_225 = arith.constant 0 : i32
        %dma_wait3A_226 = tpu.memref_slice %arg12[%dma_wait3A_224, %dma_wait3A_225] : memref<10000x128xf32, #tpu.memory_space<vmem_shared>> -> memref<10000x128xf32, #tpu.memory_space<vmem_shared>>
        tpu.wait_indirect_dma semaphore(%run_scoped3A_214 : memref<!tpu.dma_semaphore, #tpu.memory_space<semaphore_mem>>) src(%arg9 : memref<100x128xf32, #tpu.memory_space<vmem>>) dst(%dma_wait3A_226 : memref<10000x128xf32, #tpu.memory_space<vmem_shared>>)
        tpu.yield
      }) : () -> ()
      %add3A_168 = arith.constant 0 : i32
      %add3A_169 = arith.addi %mul3A_157, %add3A_168 : i32
      %add3A_170 = arith.constant 3 : i32
      %add3A_171 = arith.addi %add3A_169, %add3A_170 : i32
      %lt3A = arith.constant 25 : i32
      %lt3A_172 = arith.cmpi slt, %add3A_171, %lt3A : i32
      %convert_element_type3A_173 = arith.extui %lt3A_172 : i1 to i32
      %cond3A_174 = arith.constant 0 : i32
      %cond3A_175 = arith.cmpi ne, %convert_element_type3A_173, %cond3A_174 : i32
      scf.if %cond3A_175 {
        %add3A_214 = arith.constant 0 : i32
        %add3A_215 = arith.addi %mul3A_157, %add3A_214 : i32
        %add3A_216 = arith.constant 3 : i32
        %add3A_217 = arith.addi %add3A_215, %add3A_216 : i32
        %dma_start3A_218 = arith.constant 0 : i32
        %dma_start3A_219 = tpu.memref_slice %arg7[%add3A_217, %dma_start3A_218] : memref<25x100xi32, #tpu.memory_space<vmem>> -> memref<1x100xi32, #tpu.memory_space<vmem>>
        %dma_start3A_220 = tpu.memref_squeeze %dma_start3A_219 : memref<1x100xi32, #tpu.memory_space<vmem>> -> memref<100xi32, #tpu.memory_space<vmem>>
        %dma_start3A_221 = arith.constant 0 : i32
        %dma_start3A_222 = arith.constant 0 : i32
        %dma_start3A_223 = tpu.memref_slice %arg2[%dma_start3A_221, %dma_start3A_222] : memref<10000x128xf32, #tpu.memory_space<hbm>> -> memref<10000x128xf32, #tpu.memory_space<hbm>>
        tpu.enqueue_indirect_dma source(%dma_start3A_223 : memref<10000x128xf32, #tpu.memory_space<hbm>>) target(%arg9 : memref<100x128xf32, #tpu.memory_space<vmem>>) offsets(%dma_start3A_220 : memref<100xi32, #tpu.memory_space<vmem>>) semaphore(%arg13 : memref<!tpu.dma_semaphore, #tpu.memory_space<semaphore_mem>>)
      } else {
      }
      %add3A_176 = arith.constant 1 : i32
      %add3A_177 = arith.addi %mul3A_157, %add3A_176 : i32
      %dma_wait3A_178 = arith.constant 0 : i32
      %dma_wait3A_179 = tpu.memref_slice %arg7[%add3A_177, %dma_wait3A_178] : memref<25x100xi32, #tpu.memory_space<vmem>> -> memref<1x100xi32, #tpu.memory_space<vmem>>
      %dma_wait3A_180 = tpu.memref_squeeze %dma_wait3A_179 : memref<1x100xi32, #tpu.memory_space<vmem>> -> memref<100xi32, #tpu.memory_space<vmem>>
      %dma_wait3A_181 = arith.constant 0 : i32
      %dma_wait3A_182 = arith.constant 0 : i32
      %dma_wait3A_183 = tpu.memref_slice %arg2[%dma_wait3A_181, %dma_wait3A_182] : memref<10000x128xf32, #tpu.memory_space<hbm>> -> memref<10000x128xf32, #tpu.memory_space<hbm>>
      tpu.wait_indirect_dma semaphore(%arg14 : memref<!tpu.dma_semaphore, #tpu.memory_space<semaphore_mem>>) src(%dma_wait3A_183 : memref<10000x128xf32, #tpu.memory_space<hbm>>) dst(%arg10 : memref<100x128xf32, #tpu.memory_space<vmem>>)
      %add3A_184 = arith.constant 1 : i32
      %add3A_185 = arith.addi %mul3A_157, %add3A_184 : i32
      "tpu.region"() ({
        %run_scoped3A_214 = tpu.sem_alloc : memref<!tpu.dma_semaphore, #tpu.memory_space<semaphore_mem>>
        %dma_start3A_215 = arith.constant 0 : i32
        %dma_start3A_216 = tpu.memref_slice %arg8[%add3A_185, %dma_start3A_215] : memref<25x100xi32, #tpu.memory_space<vmem>> -> memref<1x100xi32, #tpu.memory_space<vmem>>
        %dma_start3A_217 = tpu.memref_squeeze %dma_start3A_216 : memref<1x100xi32, #tpu.memory_space<vmem>> -> memref<100xi32, #tpu.memory_space<vmem>>
        %dma_start3A_218 = arith.constant 0 : i32
        %dma_start3A_219 = arith.constant 0 : i32
        %dma_start3A_220 = tpu.memref_slice %arg12[%dma_start3A_218, %dma_start3A_219] : memref<10000x128xf32, #tpu.memory_space<vmem_shared>> -> memref<10000x128xf32, #tpu.memory_space<vmem_shared>>
        tpu.enqueue_indirect_dma source(%arg10 : memref<100x128xf32, #tpu.memory_space<vmem>>) target(%dma_start3A_220 : memref<10000x128xf32, #tpu.memory_space<vmem_shared>>) offsets(%dma_start3A_217 : memref<100xi32, #tpu.memory_space<vmem>>) semaphore(%run_scoped3A_214 : memref<!tpu.dma_semaphore, #tpu.memory_space<semaphore_mem>>) {add = true}
        %dma_wait3A_221 = arith.constant 0 : i32
        %dma_wait3A_222 = tpu.memref_slice %arg8[%add3A_185, %dma_wait3A_221] : memref<25x100xi32, #tpu.memory_space<vmem>> -> memref<1x100xi32, #tpu.memory_space<vmem>>
        %dma_wait3A_223 = tpu.memref_squeeze %dma_wait3A_222 : memref<1x100xi32, #tpu.memory_space<vmem>> -> memref<100xi32, #tpu.memory_space<vmem>>
        %dma_wait3A_224 = arith.constant 0 : i32
        %dma_wait3A_225 = arith.constant 0 : i32
        %dma_wait3A_226 = tpu.memref_slice %arg12[%dma_wait3A_224, %dma_wait3A_225] : memref<10000x128xf32, #tpu.memory_space<vmem_shared>> -> memref<10000x128xf32, #tpu.memory_space<vmem_shared>>
        tpu.wait_indirect_dma semaphore(%run_scoped3A_214 : memref<!tpu.dma_semaphore, #tpu.memory_space<semaphore_mem>>) src(%arg10 : memref<100x128xf32, #tpu.memory_space<vmem>>) dst(%dma_wait3A_226 : memref<10000x128xf32, #tpu.memory_space<vmem_shared>>)
        tpu.yield
      }) : () -> ()
      %add3A_186 = arith.constant 1 : i32
      %add3A_187 = arith.addi %mul3A_157, %add3A_186 : i32
      %add3A_188 = arith.constant 3 : i32
      %add3A_189 = arith.addi %add3A_187, %add3A_188 : i32
      %lt3A_190 = arith.constant 25 : i32
      %lt3A_191 = arith.cmpi slt, %add3A_189, %lt3A_190 : i32
      %convert_element_type3A_192 = arith.extui %lt3A_191 : i1 to i32
      %cond3A_193 = arith.constant 0 : i32
      %cond3A_194 = arith.cmpi ne, %convert_element_type3A_192, %cond3A_193 : i32
      scf.if %cond3A_194 {
        %add3A_214 = arith.constant 1 : i32
        %add3A_215 = arith.addi %mul3A_157, %add3A_214 : i32
        %add3A_216 = arith.constant 3 : i32
        %add3A_217 = arith.addi %add3A_215, %add3A_216 : i32
        %dma_start3A_218 = arith.constant 0 : i32
        %dma_start3A_219 = tpu.memref_slice %arg7[%add3A_217, %dma_start3A_218] : memref<25x100xi32, #tpu.memory_space<vmem>> -> memref<1x100xi32, #tpu.memory_space<vmem>>
        %dma_start3A_220 = tpu.memref_squeeze %dma_start3A_219 : memref<1x100xi32, #tpu.memory_space<vmem>> -> memref<100xi32, #tpu.memory_space<vmem>>
        %dma_start3A_221 = arith.constant 0 : i32
        %dma_start3A_222 = arith.constant 0 : i32
        %dma_start3A_223 = tpu.memref_slice %arg2[%dma_start3A_221, %dma_start3A_222] : memref<10000x128xf32, #tpu.memory_space<hbm>> -> memref<10000x128xf32, #tpu.memory_space<hbm>>
        tpu.enqueue_indirect_dma source(%dma_start3A_223 : memref<10000x128xf32, #tpu.memory_space<hbm>>) target(%arg10 : memref<100x128xf32, #tpu.memory_space<vmem>>) offsets(%dma_start3A_220 : memref<100xi32, #tpu.memory_space<vmem>>) semaphore(%arg14 : memref<!tpu.dma_semaphore, #tpu.memory_space<semaphore_mem>>)
      } else {
      }
      %add3A_195 = arith.constant 2 : i32
      %add3A_196 = arith.addi %mul3A_157, %add3A_195 : i32
      %dma_wait3A_197 = arith.constant 0 : i32
      %dma_wait3A_198 = tpu.memref_slice %arg7[%add3A_196, %dma_wait3A_197] : memref<25x100xi32, #tpu.memory_space<vmem>> -> memref<1x100xi32, #tpu.memory_space<vmem>>
      %dma_wait3A_199 = tpu.memref_squeeze %dma_wait3A_198 : memref<1x100xi32, #tpu.memory_space<vmem>> -> memref<100xi32, #tpu.memory_space<vmem>>
      %dma_wait3A_200 = arith.constant 0 : i32
      %dma_wait3A_201 = arith.constant 0 : i32
      %dma_wait3A_202 = tpu.memref_slice %arg2[%dma_wait3A_200, %dma_wait3A_201] : memref<10000x128xf32, #tpu.memory_space<hbm>> -> memref<10000x128xf32, #tpu.memory_space<hbm>>
      tpu.wait_indirect_dma semaphore(%arg15 : memref<!tpu.dma_semaphore, #tpu.memory_space<semaphore_mem>>) src(%dma_wait3A_202 : memref<10000x128xf32, #tpu.memory_space<hbm>>) dst(%arg11 : memref<100x128xf32, #tpu.memory_space<vmem>>)
      %add3A_203 = arith.constant 2 : i32
      %add3A_204 = arith.addi %mul3A_157, %add3A_203 : i32
      "tpu.region"() ({
        %run_scoped3A_214 = tpu.sem_alloc : memref<!tpu.dma_semaphore, #tpu.memory_space<semaphore_mem>>
        %dma_start3A_215 = arith.constant 0 : i32
        %dma_start3A_216 = tpu.memref_slice %arg8[%add3A_204, %dma_start3A_215] : memref<25x100xi32, #tpu.memory_space<vmem>> -> memref<1x100xi32, #tpu.memory_space<vmem>>
        %dma_start3A_217 = tpu.memref_squeeze %dma_start3A_216 : memref<1x100xi32, #tpu.memory_space<vmem>> -> memref<100xi32, #tpu.memory_space<vmem>>
        %dma_start3A_218 = arith.constant 0 : i32
        %dma_start3A_219 = arith.constant 0 : i32
        %dma_start3A_220 = tpu.memref_slice %arg12[%dma_start3A_218, %dma_start3A_219] : memref<10000x128xf32, #tpu.memory_space<vmem_shared>> -> memref<10000x128xf32, #tpu.memory_space<vmem_shared>>
        tpu.enqueue_indirect_dma source(%arg11 : memref<100x128xf32, #tpu.memory_space<vmem>>) target(%dma_start3A_220 : memref<10000x128xf32, #tpu.memory_space<vmem_shared>>) offsets(%dma_start3A_217 : memref<100xi32, #tpu.memory_space<vmem>>) semaphore(%run_scoped3A_214 : memref<!tpu.dma_semaphore, #tpu.memory_space<semaphore_mem>>) {add = true}
        %dma_wait3A_221 = arith.constant 0 : i32
        %dma_wait3A_222 = tpu.memref_slice %arg8[%add3A_204, %dma_wait3A_221] : memref<25x100xi32, #tpu.memory_space<vmem>> -> memref<1x100xi32, #tpu.memory_space<vmem>>
        %dma_wait3A_223 = tpu.memref_squeeze %dma_wait3A_222 : memref<1x100xi32, #tpu.memory_space<vmem>> -> memref<100xi32, #tpu.memory_space<vmem>>
        %dma_wait3A_224 = arith.constant 0 : i32
        %dma_wait3A_225 = arith.constant 0 : i32
        %dma_wait3A_226 = tpu.memref_slice %arg12[%dma_wait3A_224, %dma_wait3A_225] : memref<10000x128xf32, #tpu.memory_space<vmem_shared>> -> memref<10000x128xf32, #tpu.memory_space<vmem_shared>>
        tpu.wait_indirect_dma semaphore(%run_scoped3A_214 : memref<!tpu.dma_semaphore, #tpu.memory_space<semaphore_mem>>) src(%arg11 : memref<100x128xf32, #tpu.memory_space<vmem>>) dst(%dma_wait3A_226 : memref<10000x128xf32, #tpu.memory_space<vmem_shared>>)
        tpu.yield
      }) : () -> ()
      %add3A_205 = arith.constant 2 : i32
      %add3A_206 = arith.addi %mul3A_157, %add3A_205 : i32
      %add3A_207 = arith.constant 3 : i32
      %add3A_208 = arith.addi %add3A_206, %add3A_207 : i32
      %lt3A_209 = arith.constant 25 : i32
      %lt3A_210 = arith.cmpi slt, %add3A_208, %lt3A_209 : i32
      %convert_element_type3A_211 = arith.extui %lt3A_210 : i1 to i32
      %cond3A_212 = arith.constant 0 : i32
      %cond3A_213 = arith.cmpi ne, %convert_element_type3A_211, %cond3A_212 : i32
      scf.if %cond3A_213 {
        %add3A_214 = arith.constant 2 : i32
        %add3A_215 = arith.addi %mul3A_157, %add3A_214 : i32
        %add3A_216 = arith.constant 3 : i32
        %add3A_217 = arith.addi %add3A_215, %add3A_216 : i32
        %dma_start3A_218 = arith.constant 0 : i32
        %dma_start3A_219 = tpu.memref_slice %arg7[%add3A_217, %dma_start3A_218] : memref<25x100xi32, #tpu.memory_space<vmem>> -> memref<1x100xi32, #tpu.memory_space<vmem>>
        %dma_start3A_220 = tpu.memref_squeeze %dma_start3A_219 : memref<1x100xi32, #tpu.memory_space<vmem>> -> memref<100xi32, #tpu.memory_space<vmem>>
        %dma_start3A_221 = arith.constant 0 : i32
        %dma_start3A_222 = arith.constant 0 : i32
        %dma_start3A_223 = tpu.memref_slice %arg2[%dma_start3A_221, %dma_start3A_222] : memref<10000x128xf32, #tpu.memory_space<hbm>> -> memref<10000x128xf32, #tpu.memory_space<hbm>>
        tpu.enqueue_indirect_dma source(%dma_start3A_223 : memref<10000x128xf32, #tpu.memory_space<hbm>>) target(%arg11 : memref<100x128xf32, #tpu.memory_space<vmem>>) offsets(%dma_start3A_220 : memref<100xi32, #tpu.memory_space<vmem>>) semaphore(%arg15 : memref<!tpu.dma_semaphore, #tpu.memory_space<semaphore_mem>>)
      } else {
      }
    }
    %scan3A_66 = arith.constant 8 : i32
    %dma_wait3A_67 = arith.constant 24 : i32
    %dma_wait3A_68 = arith.constant 0 : i32
    %dma_wait3A_69 = tpu.memref_slice %arg7[%dma_wait3A_67, %dma_wait3A_68] : memref<25x100xi32, #tpu.memory_space<vmem>> -> memref<1x100xi32, #tpu.memory_space<vmem>>
    %dma_wait3A_70 = tpu.memref_squeeze %dma_wait3A_69 : memref<1x100xi32, #tpu.memory_space<vmem>> -> memref<100xi32, #tpu.memory_space<vmem>>
    %dma_wait3A_71 = arith.constant 0 : i32
    %dma_wait3A_72 = arith.constant 0 : i32
    %dma_wait3A_73 = tpu.memref_slice %arg2[%dma_wait3A_71, %dma_wait3A_72] : memref<10000x128xf32, #tpu.memory_space<hbm>> -> memref<10000x128xf32, #tpu.memory_space<hbm>>
    tpu.wait_indirect_dma semaphore(%arg13 : memref<!tpu.dma_semaphore, #tpu.memory_space<semaphore_mem>>) src(%dma_wait3A_73 : memref<10000x128xf32, #tpu.memory_space<hbm>>) dst(%arg9 : memref<100x128xf32, #tpu.memory_space<vmem>>)
    %run_scoped3A_74 = arith.constant 24 : i32
    "tpu.region"() ({
      %run_scoped3A_155 = tpu.sem_alloc : memref<!tpu.dma_semaphore, #tpu.memory_space<semaphore_mem>>
      %dma_start3A_156 = arith.constant 0 : i32
      %dma_start3A_157 = tpu.memref_slice %arg8[%run_scoped3A_74, %dma_start3A_156] : memref<25x100xi32, #tpu.memory_space<vmem>> -> memref<1x100xi32, #tpu.memory_space<vmem>>
      %dma_start3A_158 = tpu.memref_squeeze %dma_start3A_157 : memref<1x100xi32, #tpu.memory_space<vmem>> -> memref<100xi32, #tpu.memory_space<vmem>>
      %dma_start3A_159 = arith.constant 0 : i32
      %dma_start3A_160 = arith.constant 0 : i32
      %dma_start3A_161 = tpu.memref_slice %arg12[%dma_start3A_159, %dma_start3A_160] : memref<10000x128xf32, #tpu.memory_space<vmem_shared>> -> memref<10000x128xf32, #tpu.memory_space<vmem_shared>>
      tpu.enqueue_indirect_dma source(%arg9 : memref<100x128xf32, #tpu.memory_space<vmem>>) target(%dma_start3A_161 : memref<10000x128xf32, #tpu.memory_space<vmem_shared>>) offsets(%dma_start3A_158 : memref<100xi32, #tpu.memory_space<vmem>>) semaphore(%run_scoped3A_155 : memref<!tpu.dma_semaphore, #tpu.memory_space<semaphore_mem>>) {add = true}
      %dma_wait3A_162 = arith.constant 0 : i32
      %dma_wait3A_163 = tpu.memref_slice %arg8[%run_scoped3A_74, %dma_wait3A_162] : memref<25x100xi32, #tpu.memory_space<vmem>> -> memref<1x100xi32, #tpu.memory_space<vmem>>
      %dma_wait3A_164 = tpu.memref_squeeze %dma_wait3A_163 : memref<1x100xi32, #tpu.memory_space<vmem>> -> memref<100xi32, #tpu.memory_space<vmem>>
      %dma_wait3A_165 = arith.constant 0 : i32
      %dma_wait3A_166 = arith.constant 0 : i32
      %dma_wait3A_167 = tpu.memref_slice %arg12[%dma_wait3A_165, %dma_wait3A_166] : memref<10000x128xf32, #tpu.memory_space<vmem_shared>> -> memref<10000x128xf32, #tpu.memory_space<vmem_shared>>
      tpu.wait_indirect_dma semaphore(%run_scoped3A_155 : memref<!tpu.dma_semaphore, #tpu.memory_space<semaphore_mem>>) src(%arg9 : memref<100x128xf32, #tpu.memory_space<vmem>>) dst(%dma_wait3A_167 : memref<10000x128xf32, #tpu.memory_space<vmem_shared>>)
      tpu.yield
    }) : () -> ()
    %run_scoped3A_75 = arith.constant 2 : i32
    "tpu.region"() ({
      %run_scoped3A_155 = tpu.sem_alloc : memref<!tpu.dma_semaphore, #tpu.memory_space<semaphore_mem>>
      %dma_start3A_156 = arith.constant 0 : i32
      %dma_start3A_157 = arith.constant 0 : i32
      %dma_start3A_158 = tpu.memref_slice %arg3[%add3A, %run_scoped3A_75, %dma_start3A_156, %dma_start3A_157] : memref<32x4x25x100xi32, #tpu.memory_space<hbm>> -> memref<1x1x25x100xi32, #tpu.memory_space<hbm>>
      %dma_start3A_159 = tpu.memref_squeeze %dma_start3A_158 : memref<1x1x25x100xi32, #tpu.memory_space<hbm>> -> memref<25x100xi32, #tpu.memory_space<hbm>>
      %dma_start3A_160 = arith.constant 0 : i32
      %dma_start3A_161 = arith.constant 0 : i32
      %dma_start3A_162 = tpu.memref_slice %arg3[%add3A, %run_scoped3A_75, %dma_start3A_160, %dma_start3A_161] : memref<32x4x25x100xi32, #tpu.memory_space<hbm>> -> memref<1x1x25x100xi32, #tpu.memory_space<hbm>>
      %dma_start3A_163 = tpu.memref_squeeze %dma_start3A_162 : memref<1x1x25x100xi32, #tpu.memory_space<hbm>> -> memref<25x100xi32, #tpu.memory_space<hbm>>
      tpu.enqueue_dma source(%dma_start3A_163 : memref<25x100xi32, #tpu.memory_space<hbm>>) target(%arg7 : memref<25x100xi32, #tpu.memory_space<vmem>>) target_semaphore(%run_scoped3A_155 : memref<!tpu.dma_semaphore, #tpu.memory_space<semaphore_mem>>)
      %dma_wait3A_164 = arith.constant 0 : i32
      %dma_wait3A_165 = arith.constant 0 : i32
      %dma_wait3A_166 = tpu.memref_slice %arg3[%add3A, %run_scoped3A_75, %dma_wait3A_164, %dma_wait3A_165] : memref<32x4x25x100xi32, #tpu.memory_space<hbm>> -> memref<1x1x25x100xi32, #tpu.memory_space<hbm>>
      %dma_wait3A_167 = tpu.memref_squeeze %dma_wait3A_166 : memref<1x1x25x100xi32, #tpu.memory_space<hbm>> -> memref<25x100xi32, #tpu.memory_space<hbm>>
      %dma_wait3A_168 = arith.constant 0 : i32
      %dma_wait3A_169 = arith.constant 0 : i32
      %dma_wait3A_170 = tpu.memref_slice %arg3[%add3A, %run_scoped3A_75, %dma_wait3A_168, %dma_wait3A_169] : memref<32x4x25x100xi32, #tpu.memory_space<hbm>> -> memref<1x1x25x100xi32, #tpu.memory_space<hbm>>
      %dma_wait3A_171 = tpu.memref_squeeze %dma_wait3A_170 : memref<1x1x25x100xi32, #tpu.memory_space<hbm>> -> memref<25x100xi32, #tpu.memory_space<hbm>>
      tpu.wait_dma2 semaphore(%run_scoped3A_155 : memref<!tpu.dma_semaphore, #tpu.memory_space<semaphore_mem>>) src(%dma_wait3A_171 : memref<25x100xi32, #tpu.memory_space<hbm>>) dst(%arg7 : memref<25x100xi32, #tpu.memory_space<vmem>>)
      tpu.yield
    }) : () -> ()
    %run_scoped3A_76 = arith.constant 2 : i32
    "tpu.region"() ({
      %run_scoped3A_155 = tpu.sem_alloc : memref<!tpu.dma_semaphore, #tpu.memory_space<semaphore_mem>>
      %dma_start3A_156 = arith.constant 0 : i32
      %dma_start3A_157 = arith.constant 0 : i32
      %dma_start3A_158 = tpu.memref_slice %arg4[%add3A, %run_scoped3A_76, %dma_start3A_156, %dma_start3A_157] : memref<32x4x25x100xi32, #tpu.memory_space<hbm>> -> memref<1x1x25x100xi32, #tpu.memory_space<hbm>>
      %dma_start3A_159 = tpu.memref_squeeze %dma_start3A_158 : memref<1x1x25x100xi32, #tpu.memory_space<hbm>> -> memref<25x100xi32, #tpu.memory_space<hbm>>
      %dma_start3A_160 = arith.constant 0 : i32
      %dma_start3A_161 = arith.constant 0 : i32
      %dma_start3A_162 = tpu.memref_slice %arg4[%add3A, %run_scoped3A_76, %dma_start3A_160, %dma_start3A_161] : memref<32x4x25x100xi32, #tpu.memory_space<hbm>> -> memref<1x1x25x100xi32, #tpu.memory_space<hbm>>
      %dma_start3A_163 = tpu.memref_squeeze %dma_start3A_162 : memref<1x1x25x100xi32, #tpu.memory_space<hbm>> -> memref<25x100xi32, #tpu.memory_space<hbm>>
      tpu.enqueue_dma source(%dma_start3A_163 : memref<25x100xi32, #tpu.memory_space<hbm>>) target(%arg8 : memref<25x100xi32, #tpu.memory_space<vmem>>) target_semaphore(%run_scoped3A_155 : memref<!tpu.dma_semaphore, #tpu.memory_space<semaphore_mem>>)
      %dma_wait3A_164 = arith.constant 0 : i32
      %dma_wait3A_165 = arith.constant 0 : i32
      %dma_wait3A_166 = tpu.memref_slice %arg4[%add3A, %run_scoped3A_76, %dma_wait3A_164, %dma_wait3A_165] : memref<32x4x25x100xi32, #tpu.memory_space<hbm>> -> memref<1x1x25x100xi32, #tpu.memory_space<hbm>>
      %dma_wait3A_167 = tpu.memref_squeeze %dma_wait3A_166 : memref<1x1x25x100xi32, #tpu.memory_space<hbm>> -> memref<25x100xi32, #tpu.memory_space<hbm>>
      %dma_wait3A_168 = arith.constant 0 : i32
      %dma_wait3A_169 = arith.constant 0 : i32
      %dma_wait3A_170 = tpu.memref_slice %arg4[%add3A, %run_scoped3A_76, %dma_wait3A_168, %dma_wait3A_169] : memref<32x4x25x100xi32, #tpu.memory_space<hbm>> -> memref<1x1x25x100xi32, #tpu.memory_space<hbm>>
      %dma_wait3A_171 = tpu.memref_squeeze %dma_wait3A_170 : memref<1x1x25x100xi32, #tpu.memory_space<hbm>> -> memref<25x100xi32, #tpu.memory_space<hbm>>
      tpu.wait_dma2 semaphore(%run_scoped3A_155 : memref<!tpu.dma_semaphore, #tpu.memory_space<semaphore_mem>>) src(%dma_wait3A_171 : memref<25x100xi32, #tpu.memory_space<hbm>>) dst(%arg8 : memref<25x100xi32, #tpu.memory_space<vmem>>)
      tpu.yield
    }) : () -> ()
    %dma_start3A_77 = arith.constant 0 : i32
    %dma_start3A_78 = arith.constant 0 : i32
    %dma_start3A_79 = tpu.memref_slice %arg7[%dma_start3A_77, %dma_start3A_78] : memref<25x100xi32, #tpu.memory_space<vmem>> -> memref<1x100xi32, #tpu.memory_space<vmem>>
    %dma_start3A_80 = tpu.memref_squeeze %dma_start3A_79 : memref<1x100xi32, #tpu.memory_space<vmem>> -> memref<100xi32, #tpu.memory_space<vmem>>
    %dma_start3A_81 = arith.constant 0 : i32
    %dma_start3A_82 = arith.constant 0 : i32
    %dma_start3A_83 = tpu.memref_slice %arg2[%dma_start3A_81, %dma_start3A_82] : memref<10000x128xf32, #tpu.memory_space<hbm>> -> memref<10000x128xf32, #tpu.memory_space<hbm>>
    tpu.enqueue_indirect_dma source(%dma_start3A_83 : memref<10000x128xf32, #tpu.memory_space<hbm>>) target(%arg9 : memref<100x128xf32, #tpu.memory_space<vmem>>) offsets(%dma_start3A_80 : memref<100xi32, #tpu.memory_space<vmem>>) semaphore(%arg13 : memref<!tpu.dma_semaphore, #tpu.memory_space<semaphore_mem>>)
    %dma_start3A_84 = arith.constant 1 : i32
    %dma_start3A_85 = arith.constant 0 : i32
    %dma_start3A_86 = tpu.memref_slice %arg7[%dma_start3A_84, %dma_start3A_85] : memref<25x100xi32, #tpu.memory_space<vmem>> -> memref<1x100xi32, #tpu.memory_space<vmem>>
    %dma_start3A_87 = tpu.memref_squeeze %dma_start3A_86 : memref<1x100xi32, #tpu.memory_space<vmem>> -> memref<100xi32, #tpu.memory_space<vmem>>
    %dma_start3A_88 = arith.constant 0 : i32
    %dma_start3A_89 = arith.constant 0 : i32
    %dma_start3A_90 = tpu.memref_slice %arg2[%dma_start3A_88, %dma_start3A_89] : memref<10000x128xf32, #tpu.memory_space<hbm>> -> memref<10000x128xf32, #tpu.memory_space<hbm>>
    tpu.enqueue_indirect_dma source(%dma_start3A_90 : memref<10000x128xf32, #tpu.memory_space<hbm>>) target(%arg10 : memref<100x128xf32, #tpu.memory_space<vmem>>) offsets(%dma_start3A_87 : memref<100xi32, #tpu.memory_space<vmem>>) semaphore(%arg14 : memref<!tpu.dma_semaphore, #tpu.memory_space<semaphore_mem>>)
    %dma_start3A_91 = arith.constant 2 : i32
    %dma_start3A_92 = arith.constant 0 : i32
    %dma_start3A_93 = tpu.memref_slice %arg7[%dma_start3A_91, %dma_start3A_92] : memref<25x100xi32, #tpu.memory_space<vmem>> -> memref<1x100xi32, #tpu.memory_space<vmem>>
    %dma_start3A_94 = tpu.memref_squeeze %dma_start3A_93 : memref<1x100xi32, #tpu.memory_space<vmem>> -> memref<100xi32, #tpu.memory_space<vmem>>
    %dma_start3A_95 = arith.constant 0 : i32
    %dma_start3A_96 = arith.constant 0 : i32
    %dma_start3A_97 = tpu.memref_slice %arg2[%dma_start3A_95, %dma_start3A_96] : memref<10000x128xf32, #tpu.memory_space<hbm>> -> memref<10000x128xf32, #tpu.memory_space<hbm>>
    tpu.enqueue_indirect_dma source(%dma_start3A_97 : memref<10000x128xf32, #tpu.memory_space<hbm>>) target(%arg11 : memref<100x128xf32, #tpu.memory_space<vmem>>) offsets(%dma_start3A_94 : memref<100xi32, #tpu.memory_space<vmem>>) semaphore(%arg15 : memref<!tpu.dma_semaphore, #tpu.memory_space<semaphore_mem>>)
    %scan3A_98 = arith.constant 0 : i32
    %scan3A_99 = arith.constant 0 : i32
    %scan3A_100 = arith.constant 8 : i32
    %scan3A_101 = arith.addi %scan3A_99, %scan3A_100 : i32
    %scan3A_102 = arith.constant 1 : i32
    scf.for %scan3A_155 = %scan3A_99 to %scan3A_101 step %scan3A_102  : i32 {
      %mul3A_156 = arith.constant 3 : i32
      %mul3A_157 = arith.muli %scan3A_155, %mul3A_156 : i32
      %add3A_158 = arith.constant 0 : i32
      %add3A_159 = arith.addi %mul3A_157, %add3A_158 : i32
      %dma_wait3A_160 = arith.constant 0 : i32
      %dma_wait3A_161 = tpu.memref_slice %arg7[%add3A_159, %dma_wait3A_160] : memref<25x100xi32, #tpu.memory_space<vmem>> -> memref<1x100xi32, #tpu.memory_space<vmem>>
      %dma_wait3A_162 = tpu.memref_squeeze %dma_wait3A_161 : memref<1x100xi32, #tpu.memory_space<vmem>> -> memref<100xi32, #tpu.memory_space<vmem>>
      %dma_wait3A_163 = arith.constant 0 : i32
      %dma_wait3A_164 = arith.constant 0 : i32
      %dma_wait3A_165 = tpu.memref_slice %arg2[%dma_wait3A_163, %dma_wait3A_164] : memref<10000x128xf32, #tpu.memory_space<hbm>> -> memref<10000x128xf32, #tpu.memory_space<hbm>>
      tpu.wait_indirect_dma semaphore(%arg13 : memref<!tpu.dma_semaphore, #tpu.memory_space<semaphore_mem>>) src(%dma_wait3A_165 : memref<10000x128xf32, #tpu.memory_space<hbm>>) dst(%arg9 : memref<100x128xf32, #tpu.memory_space<vmem>>)
      %add3A_166 = arith.constant 0 : i32
      %add3A_167 = arith.addi %mul3A_157, %add3A_166 : i32
      "tpu.region"() ({
        %run_scoped3A_214 = tpu.sem_alloc : memref<!tpu.dma_semaphore, #tpu.memory_space<semaphore_mem>>
        %dma_start3A_215 = arith.constant 0 : i32
        %dma_start3A_216 = tpu.memref_slice %arg8[%add3A_167, %dma_start3A_215] : memref<25x100xi32, #tpu.memory_space<vmem>> -> memref<1x100xi32, #tpu.memory_space<vmem>>
        %dma_start3A_217 = tpu.memref_squeeze %dma_start3A_216 : memref<1x100xi32, #tpu.memory_space<vmem>> -> memref<100xi32, #tpu.memory_space<vmem>>
        %dma_start3A_218 = arith.constant 0 : i32
        %dma_start3A_219 = arith.constant 0 : i32
        %dma_start3A_220 = tpu.memref_slice %arg12[%dma_start3A_218, %dma_start3A_219] : memref<10000x128xf32, #tpu.memory_space<vmem_shared>> -> memref<10000x128xf32, #tpu.memory_space<vmem_shared>>
        tpu.enqueue_indirect_dma source(%arg9 : memref<100x128xf32, #tpu.memory_space<vmem>>) target(%dma_start3A_220 : memref<10000x128xf32, #tpu.memory_space<vmem_shared>>) offsets(%dma_start3A_217 : memref<100xi32, #tpu.memory_space<vmem>>) semaphore(%run_scoped3A_214 : memref<!tpu.dma_semaphore, #tpu.memory_space<semaphore_mem>>) {add = true}
        %dma_wait3A_221 = arith.constant 0 : i32
        %dma_wait3A_222 = tpu.memref_slice %arg8[%add3A_167, %dma_wait3A_221] : memref<25x100xi32, #tpu.memory_space<vmem>> -> memref<1x100xi32, #tpu.memory_space<vmem>>
        %dma_wait3A_223 = tpu.memref_squeeze %dma_wait3A_222 : memref<1x100xi32, #tpu.memory_space<vmem>> -> memref<100xi32, #tpu.memory_space<vmem>>
        %dma_wait3A_224 = arith.constant 0 : i32
        %dma_wait3A_225 = arith.constant 0 : i32
        %dma_wait3A_226 = tpu.memref_slice %arg12[%dma_wait3A_224, %dma_wait3A_225] : memref<10000x128xf32, #tpu.memory_space<vmem_shared>> -> memref<10000x128xf32, #tpu.memory_space<vmem_shared>>
        tpu.wait_indirect_dma semaphore(%run_scoped3A_214 : memref<!tpu.dma_semaphore, #tpu.memory_space<semaphore_mem>>) src(%arg9 : memref<100x128xf32, #tpu.memory_space<vmem>>) dst(%dma_wait3A_226 : memref<10000x128xf32, #tpu.memory_space<vmem_shared>>)
        tpu.yield
      }) : () -> ()
      %add3A_168 = arith.constant 0 : i32
      %add3A_169 = arith.addi %mul3A_157, %add3A_168 : i32
      %add3A_170 = arith.constant 3 : i32
      %add3A_171 = arith.addi %add3A_169, %add3A_170 : i32
      %lt3A = arith.constant 25 : i32
      %lt3A_172 = arith.cmpi slt, %add3A_171, %lt3A : i32
      %convert_element_type3A_173 = arith.extui %lt3A_172 : i1 to i32
      %cond3A_174 = arith.constant 0 : i32
      %cond3A_175 = arith.cmpi ne, %convert_element_type3A_173, %cond3A_174 : i32
      scf.if %cond3A_175 {
        %add3A_214 = arith.constant 0 : i32
        %add3A_215 = arith.addi %mul3A_157, %add3A_214 : i32
        %add3A_216 = arith.constant 3 : i32
        %add3A_217 = arith.addi %add3A_215, %add3A_216 : i32
        %dma_start3A_218 = arith.constant 0 : i32
        %dma_start3A_219 = tpu.memref_slice %arg7[%add3A_217, %dma_start3A_218] : memref<25x100xi32, #tpu.memory_space<vmem>> -> memref<1x100xi32, #tpu.memory_space<vmem>>
        %dma_start3A_220 = tpu.memref_squeeze %dma_start3A_219 : memref<1x100xi32, #tpu.memory_space<vmem>> -> memref<100xi32, #tpu.memory_space<vmem>>
        %dma_start3A_221 = arith.constant 0 : i32
        %dma_start3A_222 = arith.constant 0 : i32
        %dma_start3A_223 = tpu.memref_slice %arg2[%dma_start3A_221, %dma_start3A_222] : memref<10000x128xf32, #tpu.memory_space<hbm>> -> memref<10000x128xf32, #tpu.memory_space<hbm>>
        tpu.enqueue_indirect_dma source(%dma_start3A_223 : memref<10000x128xf32, #tpu.memory_space<hbm>>) target(%arg9 : memref<100x128xf32, #tpu.memory_space<vmem>>) offsets(%dma_start3A_220 : memref<100xi32, #tpu.memory_space<vmem>>) semaphore(%arg13 : memref<!tpu.dma_semaphore, #tpu.memory_space<semaphore_mem>>)
      } else {
      }
      %add3A_176 = arith.constant 1 : i32
      %add3A_177 = arith.addi %mul3A_157, %add3A_176 : i32
      %dma_wait3A_178 = arith.constant 0 : i32
      %dma_wait3A_179 = tpu.memref_slice %arg7[%add3A_177, %dma_wait3A_178] : memref<25x100xi32, #tpu.memory_space<vmem>> -> memref<1x100xi32, #tpu.memory_space<vmem>>
      %dma_wait3A_180 = tpu.memref_squeeze %dma_wait3A_179 : memref<1x100xi32, #tpu.memory_space<vmem>> -> memref<100xi32, #tpu.memory_space<vmem>>
      %dma_wait3A_181 = arith.constant 0 : i32
      %dma_wait3A_182 = arith.constant 0 : i32
      %dma_wait3A_183 = tpu.memref_slice %arg2[%dma_wait3A_181, %dma_wait3A_182] : memref<10000x128xf32, #tpu.memory_space<hbm>> -> memref<10000x128xf32, #tpu.memory_space<hbm>>
      tpu.wait_indirect_dma semaphore(%arg14 : memref<!tpu.dma_semaphore, #tpu.memory_space<semaphore_mem>>) src(%dma_wait3A_183 : memref<10000x128xf32, #tpu.memory_space<hbm>>) dst(%arg10 : memref<100x128xf32, #tpu.memory_space<vmem>>)
      %add3A_184 = arith.constant 1 : i32
      %add3A_185 = arith.addi %mul3A_157, %add3A_184 : i32
      "tpu.region"() ({
        %run_scoped3A_214 = tpu.sem_alloc : memref<!tpu.dma_semaphore, #tpu.memory_space<semaphore_mem>>
        %dma_start3A_215 = arith.constant 0 : i32
        %dma_start3A_216 = tpu.memref_slice %arg8[%add3A_185, %dma_start3A_215] : memref<25x100xi32, #tpu.memory_space<vmem>> -> memref<1x100xi32, #tpu.memory_space<vmem>>
        %dma_start3A_217 = tpu.memref_squeeze %dma_start3A_216 : memref<1x100xi32, #tpu.memory_space<vmem>> -> memref<100xi32, #tpu.memory_space<vmem>>
        %dma_start3A_218 = arith.constant 0 : i32
        %dma_start3A_219 = arith.constant 0 : i32
        %dma_start3A_220 = tpu.memref_slice %arg12[%dma_start3A_218, %dma_start3A_219] : memref<10000x128xf32, #tpu.memory_space<vmem_shared>> -> memref<10000x128xf32, #tpu.memory_space<vmem_shared>>
        tpu.enqueue_indirect_dma source(%arg10 : memref<100x128xf32, #tpu.memory_space<vmem>>) target(%dma_start3A_220 : memref<10000x128xf32, #tpu.memory_space<vmem_shared>>) offsets(%dma_start3A_217 : memref<100xi32, #tpu.memory_space<vmem>>) semaphore(%run_scoped3A_214 : memref<!tpu.dma_semaphore, #tpu.memory_space<semaphore_mem>>) {add = true}
        %dma_wait3A_221 = arith.constant 0 : i32
        %dma_wait3A_222 = tpu.memref_slice %arg8[%add3A_185, %dma_wait3A_221] : memref<25x100xi32, #tpu.memory_space<vmem>> -> memref<1x100xi32, #tpu.memory_space<vmem>>
        %dma_wait3A_223 = tpu.memref_squeeze %dma_wait3A_222 : memref<1x100xi32, #tpu.memory_space<vmem>> -> memref<100xi32, #tpu.memory_space<vmem>>
        %dma_wait3A_224 = arith.constant 0 : i32
        %dma_wait3A_225 = arith.constant 0 : i32
        %dma_wait3A_226 = tpu.memref_slice %arg12[%dma_wait3A_224, %dma_wait3A_225] : memref<10000x128xf32, #tpu.memory_space<vmem_shared>> -> memref<10000x128xf32, #tpu.memory_space<vmem_shared>>
        tpu.wait_indirect_dma semaphore(%run_scoped3A_214 : memref<!tpu.dma_semaphore, #tpu.memory_space<semaphore_mem>>) src(%arg10 : memref<100x128xf32, #tpu.memory_space<vmem>>) dst(%dma_wait3A_226 : memref<10000x128xf32, #tpu.memory_space<vmem_shared>>)
        tpu.yield
      }) : () -> ()
      %add3A_186 = arith.constant 1 : i32
      %add3A_187 = arith.addi %mul3A_157, %add3A_186 : i32
      %add3A_188 = arith.constant 3 : i32
      %add3A_189 = arith.addi %add3A_187, %add3A_188 : i32
      %lt3A_190 = arith.constant 25 : i32
      %lt3A_191 = arith.cmpi slt, %add3A_189, %lt3A_190 : i32
      %convert_element_type3A_192 = arith.extui %lt3A_191 : i1 to i32
      %cond3A_193 = arith.constant 0 : i32
      %cond3A_194 = arith.cmpi ne, %convert_element_type3A_192, %cond3A_193 : i32
      scf.if %cond3A_194 {
        %add3A_214 = arith.constant 1 : i32
        %add3A_215 = arith.addi %mul3A_157, %add3A_214 : i32
        %add3A_216 = arith.constant 3 : i32
        %add3A_217 = arith.addi %add3A_215, %add3A_216 : i32
        %dma_start3A_218 = arith.constant 0 : i32
        %dma_start3A_219 = tpu.memref_slice %arg7[%add3A_217, %dma_start3A_218] : memref<25x100xi32, #tpu.memory_space<vmem>> -> memref<1x100xi32, #tpu.memory_space<vmem>>
        %dma_start3A_220 = tpu.memref_squeeze %dma_start3A_219 : memref<1x100xi32, #tpu.memory_space<vmem>> -> memref<100xi32, #tpu.memory_space<vmem>>
        %dma_start3A_221 = arith.constant 0 : i32
        %dma_start3A_222 = arith.constant 0 : i32
        %dma_start3A_223 = tpu.memref_slice %arg2[%dma_start3A_221, %dma_start3A_222] : memref<10000x128xf32, #tpu.memory_space<hbm>> -> memref<10000x128xf32, #tpu.memory_space<hbm>>
        tpu.enqueue_indirect_dma source(%dma_start3A_223 : memref<10000x128xf32, #tpu.memory_space<hbm>>) target(%arg10 : memref<100x128xf32, #tpu.memory_space<vmem>>) offsets(%dma_start3A_220 : memref<100xi32, #tpu.memory_space<vmem>>) semaphore(%arg14 : memref<!tpu.dma_semaphore, #tpu.memory_space<semaphore_mem>>)
      } else {
      }
      %add3A_195 = arith.constant 2 : i32
      %add3A_196 = arith.addi %mul3A_157, %add3A_195 : i32
      %dma_wait3A_197 = arith.constant 0 : i32
      %dma_wait3A_198 = tpu.memref_slice %arg7[%add3A_196, %dma_wait3A_197] : memref<25x100xi32, #tpu.memory_space<vmem>> -> memref<1x100xi32, #tpu.memory_space<vmem>>
      %dma_wait3A_199 = tpu.memref_squeeze %dma_wait3A_198 : memref<1x100xi32, #tpu.memory_space<vmem>> -> memref<100xi32, #tpu.memory_space<vmem>>
      %dma_wait3A_200 = arith.constant 0 : i32
      %dma_wait3A_201 = arith.constant 0 : i32
      %dma_wait3A_202 = tpu.memref_slice %arg2[%dma_wait3A_200, %dma_wait3A_201] : memref<10000x128xf32, #tpu.memory_space<hbm>> -> memref<10000x128xf32, #tpu.memory_space<hbm>>
      tpu.wait_indirect_dma semaphore(%arg15 : memref<!tpu.dma_semaphore, #tpu.memory_space<semaphore_mem>>) src(%dma_wait3A_202 : memref<10000x128xf32, #tpu.memory_space<hbm>>) dst(%arg11 : memref<100x128xf32, #tpu.memory_space<vmem>>)
      %add3A_203 = arith.constant 2 : i32
      %add3A_204 = arith.addi %mul3A_157, %add3A_203 : i32
      "tpu.region"() ({
        %run_scoped3A_214 = tpu.sem_alloc : memref<!tpu.dma_semaphore, #tpu.memory_space<semaphore_mem>>
        %dma_start3A_215 = arith.constant 0 : i32
        %dma_start3A_216 = tpu.memref_slice %arg8[%add3A_204, %dma_start3A_215] : memref<25x100xi32, #tpu.memory_space<vmem>> -> memref<1x100xi32, #tpu.memory_space<vmem>>
        %dma_start3A_217 = tpu.memref_squeeze %dma_start3A_216 : memref<1x100xi32, #tpu.memory_space<vmem>> -> memref<100xi32, #tpu.memory_space<vmem>>
        %dma_start3A_218 = arith.constant 0 : i32
        %dma_start3A_219 = arith.constant 0 : i32
        %dma_start3A_220 = tpu.memref_slice %arg12[%dma_start3A_218, %dma_start3A_219] : memref<10000x128xf32, #tpu.memory_space<vmem_shared>> -> memref<10000x128xf32, #tpu.memory_space<vmem_shared>>
        tpu.enqueue_indirect_dma source(%arg11 : memref<100x128xf32, #tpu.memory_space<vmem>>) target(%dma_start3A_220 : memref<10000x128xf32, #tpu.memory_space<vmem_shared>>) offsets(%dma_start3A_217 : memref<100xi32, #tpu.memory_space<vmem>>) semaphore(%run_scoped3A_214 : memref<!tpu.dma_semaphore, #tpu.memory_space<semaphore_mem>>) {add = true}
        %dma_wait3A_221 = arith.constant 0 : i32
        %dma_wait3A_222 = tpu.memref_slice %arg8[%add3A_204, %dma_wait3A_221] : memref<25x100xi32, #tpu.memory_space<vmem>> -> memref<1x100xi32, #tpu.memory_space<vmem>>
        %dma_wait3A_223 = tpu.memref_squeeze %dma_wait3A_222 : memref<1x100xi32, #tpu.memory_space<vmem>> -> memref<100xi32, #tpu.memory_space<vmem>>
        %dma_wait3A_224 = arith.constant 0 : i32
        %dma_wait3A_225 = arith.constant 0 : i32
        %dma_wait3A_226 = tpu.memref_slice %arg12[%dma_wait3A_224, %dma_wait3A_225] : memref<10000x128xf32, #tpu.memory_space<vmem_shared>> -> memref<10000x128xf32, #tpu.memory_space<vmem_shared>>
        tpu.wait_indirect_dma semaphore(%run_scoped3A_214 : memref<!tpu.dma_semaphore, #tpu.memory_space<semaphore_mem>>) src(%arg11 : memref<100x128xf32, #tpu.memory_space<vmem>>) dst(%dma_wait3A_226 : memref<10000x128xf32, #tpu.memory_space<vmem_shared>>)
        tpu.yield
      }) : () -> ()
      %add3A_205 = arith.constant 2 : i32
      %add3A_206 = arith.addi %mul3A_157, %add3A_205 : i32
      %add3A_207 = arith.constant 3 : i32
      %add3A_208 = arith.addi %add3A_206, %add3A_207 : i32
      %lt3A_209 = arith.constant 25 : i32
      %lt3A_210 = arith.cmpi slt, %add3A_208, %lt3A_209 : i32
      %convert_element_type3A_211 = arith.extui %lt3A_210 : i1 to i32
      %cond3A_212 = arith.constant 0 : i32
      %cond3A_213 = arith.cmpi ne, %convert_element_type3A_211, %cond3A_212 : i32
      scf.if %cond3A_213 {
        %add3A_214 = arith.constant 2 : i32
        %add3A_215 = arith.addi %mul3A_157, %add3A_214 : i32
        %add3A_216 = arith.constant 3 : i32
        %add3A_217 = arith.addi %add3A_215, %add3A_216 : i32
        %dma_start3A_218 = arith.constant 0 : i32
        %dma_start3A_219 = tpu.memref_slice %arg7[%add3A_217, %dma_start3A_218] : memref<25x100xi32, #tpu.memory_space<vmem>> -> memref<1x100xi32, #tpu.memory_space<vmem>>
        %dma_start3A_220 = tpu.memref_squeeze %dma_start3A_219 : memref<1x100xi32, #tpu.memory_space<vmem>> -> memref<100xi32, #tpu.memory_space<vmem>>
        %dma_start3A_221 = arith.constant 0 : i32
        %dma_start3A_222 = arith.constant 0 : i32
        %dma_start3A_223 = tpu.memref_slice %arg2[%dma_start3A_221, %dma_start3A_222] : memref<10000x128xf32, #tpu.memory_space<hbm>> -> memref<10000x128xf32, #tpu.memory_space<hbm>>
        tpu.enqueue_indirect_dma source(%dma_start3A_223 : memref<10000x128xf32, #tpu.memory_space<hbm>>) target(%arg11 : memref<100x128xf32, #tpu.memory_space<vmem>>) offsets(%dma_start3A_220 : memref<100xi32, #tpu.memory_space<vmem>>) semaphore(%arg15 : memref<!tpu.dma_semaphore, #tpu.memory_space<semaphore_mem>>)
      } else {
      }
    }
    %scan3A_103 = arith.constant 8 : i32
    %dma_wait3A_104 = arith.constant 24 : i32
    %dma_wait3A_105 = arith.constant 0 : i32
    %dma_wait3A_106 = tpu.memref_slice %arg7[%dma_wait3A_104, %dma_wait3A_105] : memref<25x100xi32, #tpu.memory_space<vmem>> -> memref<1x100xi32, #tpu.memory_space<vmem>>
    %dma_wait3A_107 = tpu.memref_squeeze %dma_wait3A_106 : memref<1x100xi32, #tpu.memory_space<vmem>> -> memref<100xi32, #tpu.memory_space<vmem>>
    %dma_wait3A_108 = arith.constant 0 : i32
    %dma_wait3A_109 = arith.constant 0 : i32
    %dma_wait3A_110 = tpu.memref_slice %arg2[%dma_wait3A_108, %dma_wait3A_109] : memref<10000x128xf32, #tpu.memory_space<hbm>> -> memref<10000x128xf32, #tpu.memory_space<hbm>>
    tpu.wait_indirect_dma semaphore(%arg13 : memref<!tpu.dma_semaphore, #tpu.memory_space<semaphore_mem>>) src(%dma_wait3A_110 : memref<10000x128xf32, #tpu.memory_space<hbm>>) dst(%arg9 : memref<100x128xf32, #tpu.memory_space<vmem>>)
    %run_scoped3A_111 = arith.constant 24 : i32
    "tpu.region"() ({
      %run_scoped3A_155 = tpu.sem_alloc : memref<!tpu.dma_semaphore, #tpu.memory_space<semaphore_mem>>
      %dma_start3A_156 = arith.constant 0 : i32
      %dma_start3A_157 = tpu.memref_slice %arg8[%run_scoped3A_111, %dma_start3A_156] : memref<25x100xi32, #tpu.memory_space<vmem>> -> memref<1x100xi32, #tpu.memory_space<vmem>>
      %dma_start3A_158 = tpu.memref_squeeze %dma_start3A_157 : memref<1x100xi32, #tpu.memory_space<vmem>> -> memref<100xi32, #tpu.memory_space<vmem>>
      %dma_start3A_159 = arith.constant 0 : i32
      %dma_start3A_160 = arith.constant 0 : i32
      %dma_start3A_161 = tpu.memref_slice %arg12[%dma_start3A_159, %dma_start3A_160] : memref<10000x128xf32, #tpu.memory_space<vmem_shared>> -> memref<10000x128xf32, #tpu.memory_space<vmem_shared>>
      tpu.enqueue_indirect_dma source(%arg9 : memref<100x128xf32, #tpu.memory_space<vmem>>) target(%dma_start3A_161 : memref<10000x128xf32, #tpu.memory_space<vmem_shared>>) offsets(%dma_start3A_158 : memref<100xi32, #tpu.memory_space<vmem>>) semaphore(%run_scoped3A_155 : memref<!tpu.dma_semaphore, #tpu.memory_space<semaphore_mem>>) {add = true}
      %dma_wait3A_162 = arith.constant 0 : i32
      %dma_wait3A_163 = tpu.memref_slice %arg8[%run_scoped3A_111, %dma_wait3A_162] : memref<25x100xi32, #tpu.memory_space<vmem>> -> memref<1x100xi32, #tpu.memory_space<vmem>>
      %dma_wait3A_164 = tpu.memref_squeeze %dma_wait3A_163 : memref<1x100xi32, #tpu.memory_space<vmem>> -> memref<100xi32, #tpu.memory_space<vmem>>
      %dma_wait3A_165 = arith.constant 0 : i32
      %dma_wait3A_166 = arith.constant 0 : i32
      %dma_wait3A_167 = tpu.memref_slice %arg12[%dma_wait3A_165, %dma_wait3A_166] : memref<10000x128xf32, #tpu.memory_space<vmem_shared>> -> memref<10000x128xf32, #tpu.memory_space<vmem_shared>>
      tpu.wait_indirect_dma semaphore(%run_scoped3A_155 : memref<!tpu.dma_semaphore, #tpu.memory_space<semaphore_mem>>) src(%arg9 : memref<100x128xf32, #tpu.memory_space<vmem>>) dst(%dma_wait3A_167 : memref<10000x128xf32, #tpu.memory_space<vmem_shared>>)
      tpu.yield
    }) : () -> ()
    %run_scoped3A_112 = arith.constant 3 : i32
    "tpu.region"() ({
      %run_scoped3A_155 = tpu.sem_alloc : memref<!tpu.dma_semaphore, #tpu.memory_space<semaphore_mem>>
      %dma_start3A_156 = arith.constant 0 : i32
      %dma_start3A_157 = arith.constant 0 : i32
      %dma_start3A_158 = tpu.memref_slice %arg3[%add3A, %run_scoped3A_112, %dma_start3A_156, %dma_start3A_157] : memref<32x4x25x100xi32, #tpu.memory_space<hbm>> -> memref<1x1x25x100xi32, #tpu.memory_space<hbm>>
      %dma_start3A_159 = tpu.memref_squeeze %dma_start3A_158 : memref<1x1x25x100xi32, #tpu.memory_space<hbm>> -> memref<25x100xi32, #tpu.memory_space<hbm>>
      %dma_start3A_160 = arith.constant 0 : i32
      %dma_start3A_161 = arith.constant 0 : i32
      %dma_start3A_162 = tpu.memref_slice %arg3[%add3A, %run_scoped3A_112, %dma_start3A_160, %dma_start3A_161] : memref<32x4x25x100xi32, #tpu.memory_space<hbm>> -> memref<1x1x25x100xi32, #tpu.memory_space<hbm>>
      %dma_start3A_163 = tpu.memref_squeeze %dma_start3A_162 : memref<1x1x25x100xi32, #tpu.memory_space<hbm>> -> memref<25x100xi32, #tpu.memory_space<hbm>>
      tpu.enqueue_dma source(%dma_start3A_163 : memref<25x100xi32, #tpu.memory_space<hbm>>) target(%arg7 : memref<25x100xi32, #tpu.memory_space<vmem>>) target_semaphore(%run_scoped3A_155 : memref<!tpu.dma_semaphore, #tpu.memory_space<semaphore_mem>>)
      %dma_wait3A_164 = arith.constant 0 : i32
      %dma_wait3A_165 = arith.constant 0 : i32
      %dma_wait3A_166 = tpu.memref_slice %arg3[%add3A, %run_scoped3A_112, %dma_wait3A_164, %dma_wait3A_165] : memref<32x4x25x100xi32, #tpu.memory_space<hbm>> -> memref<1x1x25x100xi32, #tpu.memory_space<hbm>>
      %dma_wait3A_167 = tpu.memref_squeeze %dma_wait3A_166 : memref<1x1x25x100xi32, #tpu.memory_space<hbm>> -> memref<25x100xi32, #tpu.memory_space<hbm>>
      %dma_wait3A_168 = arith.constant 0 : i32
      %dma_wait3A_169 = arith.constant 0 : i32
      %dma_wait3A_170 = tpu.memref_slice %arg3[%add3A, %run_scoped3A_112, %dma_wait3A_168, %dma_wait3A_169] : memref<32x4x25x100xi32, #tpu.memory_space<hbm>> -> memref<1x1x25x100xi32, #tpu.memory_space<hbm>>
      %dma_wait3A_171 = tpu.memref_squeeze %dma_wait3A_170 : memref<1x1x25x100xi32, #tpu.memory_space<hbm>> -> memref<25x100xi32, #tpu.memory_space<hbm>>
      tpu.wait_dma2 semaphore(%run_scoped3A_155 : memref<!tpu.dma_semaphore, #tpu.memory_space<semaphore_mem>>) src(%dma_wait3A_171 : memref<25x100xi32, #tpu.memory_space<hbm>>) dst(%arg7 : memref<25x100xi32, #tpu.memory_space<vmem>>)
      tpu.yield
    }) : () -> ()
    %run_scoped3A_113 = arith.constant 3 : i32
    "tpu.region"() ({
      %run_scoped3A_155 = tpu.sem_alloc : memref<!tpu.dma_semaphore, #tpu.memory_space<semaphore_mem>>
      %dma_start3A_156 = arith.constant 0 : i32
      %dma_start3A_157 = arith.constant 0 : i32
      %dma_start3A_158 = tpu.memref_slice %arg4[%add3A, %run_scoped3A_113, %dma_start3A_156, %dma_start3A_157] : memref<32x4x25x100xi32, #tpu.memory_space<hbm>> -> memref<1x1x25x100xi32, #tpu.memory_space<hbm>>
      %dma_start3A_159 = tpu.memref_squeeze %dma_start3A_158 : memref<1x1x25x100xi32, #tpu.memory_space<hbm>> -> memref<25x100xi32, #tpu.memory_space<hbm>>
      %dma_start3A_160 = arith.constant 0 : i32
      %dma_start3A_161 = arith.constant 0 : i32
      %dma_start3A_162 = tpu.memref_slice %arg4[%add3A, %run_scoped3A_113, %dma_start3A_160, %dma_start3A_161] : memref<32x4x25x100xi32, #tpu.memory_space<hbm>> -> memref<1x1x25x100xi32, #tpu.memory_space<hbm>>
      %dma_start3A_163 = tpu.memref_squeeze %dma_start3A_162 : memref<1x1x25x100xi32, #tpu.memory_space<hbm>> -> memref<25x100xi32, #tpu.memory_space<hbm>>
      tpu.enqueue_dma source(%dma_start3A_163 : memref<25x100xi32, #tpu.memory_space<hbm>>) target(%arg8 : memref<25x100xi32, #tpu.memory_space<vmem>>) target_semaphore(%run_scoped3A_155 : memref<!tpu.dma_semaphore, #tpu.memory_space<semaphore_mem>>)
      %dma_wait3A_164 = arith.constant 0 : i32
      %dma_wait3A_165 = arith.constant 0 : i32
      %dma_wait3A_166 = tpu.memref_slice %arg4[%add3A, %run_scoped3A_113, %dma_wait3A_164, %dma_wait3A_165] : memref<32x4x25x100xi32, #tpu.memory_space<hbm>> -> memref<1x1x25x100xi32, #tpu.memory_space<hbm>>
      %dma_wait3A_167 = tpu.memref_squeeze %dma_wait3A_166 : memref<1x1x25x100xi32, #tpu.memory_space<hbm>> -> memref<25x100xi32, #tpu.memory_space<hbm>>
      %dma_wait3A_168 = arith.constant 0 : i32
      %dma_wait3A_169 = arith.constant 0 : i32
      %dma_wait3A_170 = tpu.memref_slice %arg4[%add3A, %run_scoped3A_113, %dma_wait3A_168, %dma_wait3A_169] : memref<32x4x25x100xi32, #tpu.memory_space<hbm>> -> memref<1x1x25x100xi32, #tpu.memory_space<hbm>>
      %dma_wait3A_171 = tpu.memref_squeeze %dma_wait3A_170 : memref<1x1x25x100xi32, #tpu.memory_space<hbm>> -> memref<25x100xi32, #tpu.memory_space<hbm>>
      tpu.wait_dma2 semaphore(%run_scoped3A_155 : memref<!tpu.dma_semaphore, #tpu.memory_space<semaphore_mem>>) src(%dma_wait3A_171 : memref<25x100xi32, #tpu.memory_space<hbm>>) dst(%arg8 : memref<25x100xi32, #tpu.memory_space<vmem>>)
      tpu.yield
    }) : () -> ()
    %dma_start3A_114 = arith.constant 0 : i32
    %dma_start3A_115 = arith.constant 0 : i32
    %dma_start3A_116 = tpu.memref_slice %arg7[%dma_start3A_114, %dma_start3A_115] : memref<25x100xi32, #tpu.memory_space<vmem>> -> memref<1x100xi32, #tpu.memory_space<vmem>>
    %dma_start3A_117 = tpu.memref_squeeze %dma_start3A_116 : memref<1x100xi32, #tpu.memory_space<vmem>> -> memref<100xi32, #tpu.memory_space<vmem>>
    %dma_start3A_118 = arith.constant 0 : i32
    %dma_start3A_119 = arith.constant 0 : i32
    %dma_start3A_120 = tpu.memref_slice %arg2[%dma_start3A_118, %dma_start3A_119] : memref<10000x128xf32, #tpu.memory_space<hbm>> -> memref<10000x128xf32, #tpu.memory_space<hbm>>
    tpu.enqueue_indirect_dma source(%dma_start3A_120 : memref<10000x128xf32, #tpu.memory_space<hbm>>) target(%arg9 : memref<100x128xf32, #tpu.memory_space<vmem>>) offsets(%dma_start3A_117 : memref<100xi32, #tpu.memory_space<vmem>>) semaphore(%arg13 : memref<!tpu.dma_semaphore, #tpu.memory_space<semaphore_mem>>)
    %dma_start3A_121 = arith.constant 1 : i32
    %dma_start3A_122 = arith.constant 0 : i32
    %dma_start3A_123 = tpu.memref_slice %arg7[%dma_start3A_121, %dma_start3A_122] : memref<25x100xi32, #tpu.memory_space<vmem>> -> memref<1x100xi32, #tpu.memory_space<vmem>>
    %dma_start3A_124 = tpu.memref_squeeze %dma_start3A_123 : memref<1x100xi32, #tpu.memory_space<vmem>> -> memref<100xi32, #tpu.memory_space<vmem>>
    %dma_start3A_125 = arith.constant 0 : i32
    %dma_start3A_126 = arith.constant 0 : i32
    %dma_start3A_127 = tpu.memref_slice %arg2[%dma_start3A_125, %dma_start3A_126] : memref<10000x128xf32, #tpu.memory_space<hbm>> -> memref<10000x128xf32, #tpu.memory_space<hbm>>
    tpu.enqueue_indirect_dma source(%dma_start3A_127 : memref<10000x128xf32, #tpu.memory_space<hbm>>) target(%arg10 : memref<100x128xf32, #tpu.memory_space<vmem>>) offsets(%dma_start3A_124 : memref<100xi32, #tpu.memory_space<vmem>>) semaphore(%arg14 : memref<!tpu.dma_semaphore, #tpu.memory_space<semaphore_mem>>)
    %dma_start3A_128 = arith.constant 2 : i32
    %dma_start3A_129 = arith.constant 0 : i32
    %dma_start3A_130 = tpu.memref_slice %arg7[%dma_start3A_128, %dma_start3A_129] : memref<25x100xi32, #tpu.memory_space<vmem>> -> memref<1x100xi32, #tpu.memory_space<vmem>>
    %dma_start3A_131 = tpu.memref_squeeze %dma_start3A_130 : memref<1x100xi32, #tpu.memory_space<vmem>> -> memref<100xi32, #tpu.memory_space<vmem>>
    %dma_start3A_132 = arith.constant 0 : i32
    %dma_start3A_133 = arith.constant 0 : i32
    %dma_start3A_134 = tpu.memref_slice %arg2[%dma_start3A_132, %dma_start3A_133] : memref<10000x128xf32, #tpu.memory_space<hbm>> -> memref<10000x128xf32, #tpu.memory_space<hbm>>
    tpu.enqueue_indirect_dma source(%dma_start3A_134 : memref<10000x128xf32, #tpu.memory_space<hbm>>) target(%arg11 : memref<100x128xf32, #tpu.memory_space<vmem>>) offsets(%dma_start3A_131 : memref<100xi32, #tpu.memory_space<vmem>>) semaphore(%arg15 : memref<!tpu.dma_semaphore, #tpu.memory_space<semaphore_mem>>)
    %scan3A_135 = arith.constant 0 : i32
    %scan3A_136 = arith.constant 0 : i32
    %scan3A_137 = arith.constant 8 : i32
    %scan3A_138 = arith.addi %scan3A_136, %scan3A_137 : i32
    %scan3A_139 = arith.constant 1 : i32
    scf.for %scan3A_155 = %scan3A_136 to %scan3A_138 step %scan3A_139  : i32 {
      %mul3A_156 = arith.constant 3 : i32
      %mul3A_157 = arith.muli %scan3A_155, %mul3A_156 : i32
      %add3A_158 = arith.constant 0 : i32
      %add3A_159 = arith.addi %mul3A_157, %add3A_158 : i32
      %dma_wait3A_160 = arith.constant 0 : i32
      %dma_wait3A_161 = tpu.memref_slice %arg7[%add3A_159, %dma_wait3A_160] : memref<25x100xi32, #tpu.memory_space<vmem>> -> memref<1x100xi32, #tpu.memory_space<vmem>>
      %dma_wait3A_162 = tpu.memref_squeeze %dma_wait3A_161 : memref<1x100xi32, #tpu.memory_space<vmem>> -> memref<100xi32, #tpu.memory_space<vmem>>
      %dma_wait3A_163 = arith.constant 0 : i32
      %dma_wait3A_164 = arith.constant 0 : i32
      %dma_wait3A_165 = tpu.memref_slice %arg2[%dma_wait3A_163, %dma_wait3A_164] : memref<10000x128xf32, #tpu.memory_space<hbm>> -> memref<10000x128xf32, #tpu.memory_space<hbm>>
      tpu.wait_indirect_dma semaphore(%arg13 : memref<!tpu.dma_semaphore, #tpu.memory_space<semaphore_mem>>) src(%dma_wait3A_165 : memref<10000x128xf32, #tpu.memory_space<hbm>>) dst(%arg9 : memref<100x128xf32, #tpu.memory_space<vmem>>)
      %add3A_166 = arith.constant 0 : i32
      %add3A_167 = arith.addi %mul3A_157, %add3A_166 : i32
      "tpu.region"() ({
        %run_scoped3A_214 = tpu.sem_alloc : memref<!tpu.dma_semaphore, #tpu.memory_space<semaphore_mem>>
        %dma_start3A_215 = arith.constant 0 : i32
        %dma_start3A_216 = tpu.memref_slice %arg8[%add3A_167, %dma_start3A_215] : memref<25x100xi32, #tpu.memory_space<vmem>> -> memref<1x100xi32, #tpu.memory_space<vmem>>
        %dma_start3A_217 = tpu.memref_squeeze %dma_start3A_216 : memref<1x100xi32, #tpu.memory_space<vmem>> -> memref<100xi32, #tpu.memory_space<vmem>>
        %dma_start3A_218 = arith.constant 0 : i32
        %dma_start3A_219 = arith.constant 0 : i32
        %dma_start3A_220 = tpu.memref_slice %arg12[%dma_start3A_218, %dma_start3A_219] : memref<10000x128xf32, #tpu.memory_space<vmem_shared>> -> memref<10000x128xf32, #tpu.memory_space<vmem_shared>>
        tpu.enqueue_indirect_dma source(%arg9 : memref<100x128xf32, #tpu.memory_space<vmem>>) target(%dma_start3A_220 : memref<10000x128xf32, #tpu.memory_space<vmem_shared>>) offsets(%dma_start3A_217 : memref<100xi32, #tpu.memory_space<vmem>>) semaphore(%run_scoped3A_214 : memref<!tpu.dma_semaphore, #tpu.memory_space<semaphore_mem>>) {add = true}
        %dma_wait3A_221 = arith.constant 0 : i32
        %dma_wait3A_222 = tpu.memref_slice %arg8[%add3A_167, %dma_wait3A_221] : memref<25x100xi32, #tpu.memory_space<vmem>> -> memref<1x100xi32, #tpu.memory_space<vmem>>
        %dma_wait3A_223 = tpu.memref_squeeze %dma_wait3A_222 : memref<1x100xi32, #tpu.memory_space<vmem>> -> memref<100xi32, #tpu.memory_space<vmem>>
        %dma_wait3A_224 = arith.constant 0 : i32
        %dma_wait3A_225 = arith.constant 0 : i32
        %dma_wait3A_226 = tpu.memref_slice %arg12[%dma_wait3A_224, %dma_wait3A_225] : memref<10000x128xf32, #tpu.memory_space<vmem_shared>> -> memref<10000x128xf32, #tpu.memory_space<vmem_shared>>
        tpu.wait_indirect_dma semaphore(%run_scoped3A_214 : memref<!tpu.dma_semaphore, #tpu.memory_space<semaphore_mem>>) src(%arg9 : memref<100x128xf32, #tpu.memory_space<vmem>>) dst(%dma_wait3A_226 : memref<10000x128xf32, #tpu.memory_space<vmem_shared>>)
        tpu.yield
      }) : () -> ()
      %add3A_168 = arith.constant 0 : i32
      %add3A_169 = arith.addi %mul3A_157, %add3A_168 : i32
      %add3A_170 = arith.constant 3 : i32
      %add3A_171 = arith.addi %add3A_169, %add3A_170 : i32
      %lt3A = arith.constant 25 : i32
      %lt3A_172 = arith.cmpi slt, %add3A_171, %lt3A : i32
      %convert_element_type3A_173 = arith.extui %lt3A_172 : i1 to i32
      %cond3A_174 = arith.constant 0 : i32
      %cond3A_175 = arith.cmpi ne, %convert_element_type3A_173, %cond3A_174 : i32
      scf.if %cond3A_175 {
        %add3A_214 = arith.constant 0 : i32
        %add3A_215 = arith.addi %mul3A_157, %add3A_214 : i32
        %add3A_216 = arith.constant 3 : i32
        %add3A_217 = arith.addi %add3A_215, %add3A_216 : i32
        %dma_start3A_218 = arith.constant 0 : i32
        %dma_start3A_219 = tpu.memref_slice %arg7[%add3A_217, %dma_start3A_218] : memref<25x100xi32, #tpu.memory_space<vmem>> -> memref<1x100xi32, #tpu.memory_space<vmem>>
        %dma_start3A_220 = tpu.memref_squeeze %dma_start3A_219 : memref<1x100xi32, #tpu.memory_space<vmem>> -> memref<100xi32, #tpu.memory_space<vmem>>
        %dma_start3A_221 = arith.constant 0 : i32
        %dma_start3A_222 = arith.constant 0 : i32
        %dma_start3A_223 = tpu.memref_slice %arg2[%dma_start3A_221, %dma_start3A_222] : memref<10000x128xf32, #tpu.memory_space<hbm>> -> memref<10000x128xf32, #tpu.memory_space<hbm>>
        tpu.enqueue_indirect_dma source(%dma_start3A_223 : memref<10000x128xf32, #tpu.memory_space<hbm>>) target(%arg9 : memref<100x128xf32, #tpu.memory_space<vmem>>) offsets(%dma_start3A_220 : memref<100xi32, #tpu.memory_space<vmem>>) semaphore(%arg13 : memref<!tpu.dma_semaphore, #tpu.memory_space<semaphore_mem>>)
      } else {
      }
      %add3A_176 = arith.constant 1 : i32
      %add3A_177 = arith.addi %mul3A_157, %add3A_176 : i32
      %dma_wait3A_178 = arith.constant 0 : i32
      %dma_wait3A_179 = tpu.memref_slice %arg7[%add3A_177, %dma_wait3A_178] : memref<25x100xi32, #tpu.memory_space<vmem>> -> memref<1x100xi32, #tpu.memory_space<vmem>>
      %dma_wait3A_180 = tpu.memref_squeeze %dma_wait3A_179 : memref<1x100xi32, #tpu.memory_space<vmem>> -> memref<100xi32, #tpu.memory_space<vmem>>
      %dma_wait3A_181 = arith.constant 0 : i32
      %dma_wait3A_182 = arith.constant 0 : i32
      %dma_wait3A_183 = tpu.memref_slice %arg2[%dma_wait3A_181, %dma_wait3A_182] : memref<10000x128xf32, #tpu.memory_space<hbm>> -> memref<10000x128xf32, #tpu.memory_space<hbm>>
      tpu.wait_indirect_dma semaphore(%arg14 : memref<!tpu.dma_semaphore, #tpu.memory_space<semaphore_mem>>) src(%dma_wait3A_183 : memref<10000x128xf32, #tpu.memory_space<hbm>>) dst(%arg10 : memref<100x128xf32, #tpu.memory_space<vmem>>)
      %add3A_184 = arith.constant 1 : i32
      %add3A_185 = arith.addi %mul3A_157, %add3A_184 : i32
      "tpu.region"() ({
        %run_scoped3A_214 = tpu.sem_alloc : memref<!tpu.dma_semaphore, #tpu.memory_space<semaphore_mem>>
        %dma_start3A_215 = arith.constant 0 : i32
        %dma_start3A_216 = tpu.memref_slice %arg8[%add3A_185, %dma_start3A_215] : memref<25x100xi32, #tpu.memory_space<vmem>> -> memref<1x100xi32, #tpu.memory_space<vmem>>
        %dma_start3A_217 = tpu.memref_squeeze %dma_start3A_216 : memref<1x100xi32, #tpu.memory_space<vmem>> -> memref<100xi32, #tpu.memory_space<vmem>>
        %dma_start3A_218 = arith.constant 0 : i32
        %dma_start3A_219 = arith.constant 0 : i32
        %dma_start3A_220 = tpu.memref_slice %arg12[%dma_start3A_218, %dma_start3A_219] : memref<10000x128xf32, #tpu.memory_space<vmem_shared>> -> memref<10000x128xf32, #tpu.memory_space<vmem_shared>>
        tpu.enqueue_indirect_dma source(%arg10 : memref<100x128xf32, #tpu.memory_space<vmem>>) target(%dma_start3A_220 : memref<10000x128xf32, #tpu.memory_space<vmem_shared>>) offsets(%dma_start3A_217 : memref<100xi32, #tpu.memory_space<vmem>>) semaphore(%run_scoped3A_214 : memref<!tpu.dma_semaphore, #tpu.memory_space<semaphore_mem>>) {add = true}
        %dma_wait3A_221 = arith.constant 0 : i32
        %dma_wait3A_222 = tpu.memref_slice %arg8[%add3A_185, %dma_wait3A_221] : memref<25x100xi32, #tpu.memory_space<vmem>> -> memref<1x100xi32, #tpu.memory_space<vmem>>
        %dma_wait3A_223 = tpu.memref_squeeze %dma_wait3A_222 : memref<1x100xi32, #tpu.memory_space<vmem>> -> memref<100xi32, #tpu.memory_space<vmem>>
        %dma_wait3A_224 = arith.constant 0 : i32
        %dma_wait3A_225 = arith.constant 0 : i32
        %dma_wait3A_226 = tpu.memref_slice %arg12[%dma_wait3A_224, %dma_wait3A_225] : memref<10000x128xf32, #tpu.memory_space<vmem_shared>> -> memref<10000x128xf32, #tpu.memory_space<vmem_shared>>
        tpu.wait_indirect_dma semaphore(%run_scoped3A_214 : memref<!tpu.dma_semaphore, #tpu.memory_space<semaphore_mem>>) src(%arg10 : memref<100x128xf32, #tpu.memory_space<vmem>>) dst(%dma_wait3A_226 : memref<10000x128xf32, #tpu.memory_space<vmem_shared>>)
        tpu.yield
      }) : () -> ()
      %add3A_186 = arith.constant 1 : i32
      %add3A_187 = arith.addi %mul3A_157, %add3A_186 : i32
      %add3A_188 = arith.constant 3 : i32
      %add3A_189 = arith.addi %add3A_187, %add3A_188 : i32
      %lt3A_190 = arith.constant 25 : i32
      %lt3A_191 = arith.cmpi slt, %add3A_189, %lt3A_190 : i32
      %convert_element_type3A_192 = arith.extui %lt3A_191 : i1 to i32
      %cond3A_193 = arith.constant 0 : i32
      %cond3A_194 = arith.cmpi ne, %convert_element_type3A_192, %cond3A_193 : i32
      scf.if %cond3A_194 {
        %add3A_214 = arith.constant 1 : i32
        %add3A_215 = arith.addi %mul3A_157, %add3A_214 : i32
        %add3A_216 = arith.constant 3 : i32
        %add3A_217 = arith.addi %add3A_215, %add3A_216 : i32
        %dma_start3A_218 = arith.constant 0 : i32
        %dma_start3A_219 = tpu.memref_slice %arg7[%add3A_217, %dma_start3A_218] : memref<25x100xi32, #tpu.memory_space<vmem>> -> memref<1x100xi32, #tpu.memory_space<vmem>>
        %dma_start3A_220 = tpu.memref_squeeze %dma_start3A_219 : memref<1x100xi32, #tpu.memory_space<vmem>> -> memref<100xi32, #tpu.memory_space<vmem>>
        %dma_start3A_221 = arith.constant 0 : i32
        %dma_start3A_222 = arith.constant 0 : i32
        %dma_start3A_223 = tpu.memref_slice %arg2[%dma_start3A_221, %dma_start3A_222] : memref<10000x128xf32, #tpu.memory_space<hbm>> -> memref<10000x128xf32, #tpu.memory_space<hbm>>
        tpu.enqueue_indirect_dma source(%dma_start3A_223 : memref<10000x128xf32, #tpu.memory_space<hbm>>) target(%arg10 : memref<100x128xf32, #tpu.memory_space<vmem>>) offsets(%dma_start3A_220 : memref<100xi32, #tpu.memory_space<vmem>>) semaphore(%arg14 : memref<!tpu.dma_semaphore, #tpu.memory_space<semaphore_mem>>)
      } else {
      }
      %add3A_195 = arith.constant 2 : i32
      %add3A_196 = arith.addi %mul3A_157, %add3A_195 : i32
      %dma_wait3A_197 = arith.constant 0 : i32
      %dma_wait3A_198 = tpu.memref_slice %arg7[%add3A_196, %dma_wait3A_197] : memref<25x100xi32, #tpu.memory_space<vmem>> -> memref<1x100xi32, #tpu.memory_space<vmem>>
      %dma_wait3A_199 = tpu.memref_squeeze %dma_wait3A_198 : memref<1x100xi32, #tpu.memory_space<vmem>> -> memref<100xi32, #tpu.memory_space<vmem>>
      %dma_wait3A_200 = arith.constant 0 : i32
      %dma_wait3A_201 = arith.constant 0 : i32
      %dma_wait3A_202 = tpu.memref_slice %arg2[%dma_wait3A_200, %dma_wait3A_201] : memref<10000x128xf32, #tpu.memory_space<hbm>> -> memref<10000x128xf32, #tpu.memory_space<hbm>>
      tpu.wait_indirect_dma semaphore(%arg15 : memref<!tpu.dma_semaphore, #tpu.memory_space<semaphore_mem>>) src(%dma_wait3A_202 : memref<10000x128xf32, #tpu.memory_space<hbm>>) dst(%arg11 : memref<100x128xf32, #tpu.memory_space<vmem>>)
      %add3A_203 = arith.constant 2 : i32
      %add3A_204 = arith.addi %mul3A_157, %add3A_203 : i32
      "tpu.region"() ({
        %run_scoped3A_214 = tpu.sem_alloc : memref<!tpu.dma_semaphore, #tpu.memory_space<semaphore_mem>>
        %dma_start3A_215 = arith.constant 0 : i32
        %dma_start3A_216 = tpu.memref_slice %arg8[%add3A_204, %dma_start3A_215] : memref<25x100xi32, #tpu.memory_space<vmem>> -> memref<1x100xi32, #tpu.memory_space<vmem>>
        %dma_start3A_217 = tpu.memref_squeeze %dma_start3A_216 : memref<1x100xi32, #tpu.memory_space<vmem>> -> memref<100xi32, #tpu.memory_space<vmem>>
        %dma_start3A_218 = arith.constant 0 : i32
        %dma_start3A_219 = arith.constant 0 : i32
        %dma_start3A_220 = tpu.memref_slice %arg12[%dma_start3A_218, %dma_start3A_219] : memref<10000x128xf32, #tpu.memory_space<vmem_shared>> -> memref<10000x128xf32, #tpu.memory_space<vmem_shared>>
        tpu.enqueue_indirect_dma source(%arg11 : memref<100x128xf32, #tpu.memory_space<vmem>>) target(%dma_start3A_220 : memref<10000x128xf32, #tpu.memory_space<vmem_shared>>) offsets(%dma_start3A_217 : memref<100xi32, #tpu.memory_space<vmem>>) semaphore(%run_scoped3A_214 : memref<!tpu.dma_semaphore, #tpu.memory_space<semaphore_mem>>) {add = true}
        %dma_wait3A_221 = arith.constant 0 : i32
        %dma_wait3A_222 = tpu.memref_slice %arg8[%add3A_204, %dma_wait3A_221] : memref<25x100xi32, #tpu.memory_space<vmem>> -> memref<1x100xi32, #tpu.memory_space<vmem>>
        %dma_wait3A_223 = tpu.memref_squeeze %dma_wait3A_222 : memref<1x100xi32, #tpu.memory_space<vmem>> -> memref<100xi32, #tpu.memory_space<vmem>>
        %dma_wait3A_224 = arith.constant 0 : i32
        %dma_wait3A_225 = arith.constant 0 : i32
        %dma_wait3A_226 = tpu.memref_slice %arg12[%dma_wait3A_224, %dma_wait3A_225] : memref<10000x128xf32, #tpu.memory_space<vmem_shared>> -> memref<10000x128xf32, #tpu.memory_space<vmem_shared>>
        tpu.wait_indirect_dma semaphore(%run_scoped3A_214 : memref<!tpu.dma_semaphore, #tpu.memory_space<semaphore_mem>>) src(%arg11 : memref<100x128xf32, #tpu.memory_space<vmem>>) dst(%dma_wait3A_226 : memref<10000x128xf32, #tpu.memory_space<vmem_shared>>)
        tpu.yield
      }) : () -> ()
      %add3A_205 = arith.constant 2 : i32
      %add3A_206 = arith.addi %mul3A_157, %add3A_205 : i32
      %add3A_207 = arith.constant 3 : i32
      %add3A_208 = arith.addi %add3A_206, %add3A_207 : i32
      %lt3A_209 = arith.constant 25 : i32
      %lt3A_210 = arith.cmpi slt, %add3A_208, %lt3A_209 : i32
      %convert_element_type3A_211 = arith.extui %lt3A_210 : i1 to i32
      %cond3A_212 = arith.constant 0 : i32
      %cond3A_213 = arith.cmpi ne, %convert_element_type3A_211, %cond3A_212 : i32
      scf.if %cond3A_213 {
        %add3A_214 = arith.constant 2 : i32
        %add3A_215 = arith.addi %mul3A_157, %add3A_214 : i32
        %add3A_216 = arith.constant 3 : i32
        %add3A_217 = arith.addi %add3A_215, %add3A_216 : i32
        %dma_start3A_218 = arith.constant 0 : i32
        %dma_start3A_219 = tpu.memref_slice %arg7[%add3A_217, %dma_start3A_218] : memref<25x100xi32, #tpu.memory_space<vmem>> -> memref<1x100xi32, #tpu.memory_space<vmem>>
        %dma_start3A_220 = tpu.memref_squeeze %dma_start3A_219 : memref<1x100xi32, #tpu.memory_space<vmem>> -> memref<100xi32, #tpu.memory_space<vmem>>
        %dma_start3A_221 = arith.constant 0 : i32
        %dma_start3A_222 = arith.constant 0 : i32
        %dma_start3A_223 = tpu.memref_slice %arg2[%dma_start3A_221, %dma_start3A_222] : memref<10000x128xf32, #tpu.memory_space<hbm>> -> memref<10000x128xf32, #tpu.memory_space<hbm>>
        tpu.enqueue_indirect_dma source(%dma_start3A_223 : memref<10000x128xf32, #tpu.memory_space<hbm>>) target(%arg11 : memref<100x128xf32, #tpu.memory_space<vmem>>) offsets(%dma_start3A_220 : memref<100xi32, #tpu.memory_space<vmem>>) semaphore(%arg15 : memref<!tpu.dma_semaphore, #tpu.memory_space<semaphore_mem>>)
      } else {
      }
    }
    %scan3A_140 = arith.constant 8 : i32
    %dma_wait3A_141 = arith.constant 24 : i32
    %dma_wait3A_142 = arith.constant 0 : i32
    %dma_wait3A_143 = tpu.memref_slice %arg7[%dma_wait3A_141, %dma_wait3A_142] : memref<25x100xi32, #tpu.memory_space<vmem>> -> memref<1x100xi32, #tpu.memory_space<vmem>>
    %dma_wait3A_144 = tpu.memref_squeeze %dma_wait3A_143 : memref<1x100xi32, #tpu.memory_space<vmem>> -> memref<100xi32, #tpu.memory_space<vmem>>
    %dma_wait3A_145 = arith.constant 0 : i32
    %dma_wait3A_146 = arith.constant 0 : i32
    %dma_wait3A_147 = tpu.memref_slice %arg2[%dma_wait3A_145, %dma_wait3A_146] : memref<10000x128xf32, #tpu.memory_space<hbm>> -> memref<10000x128xf32, #tpu.memory_space<hbm>>
    tpu.wait_indirect_dma semaphore(%arg13 : memref<!tpu.dma_semaphore, #tpu.memory_space<semaphore_mem>>) src(%dma_wait3A_147 : memref<10000x128xf32, #tpu.memory_space<hbm>>) dst(%arg9 : memref<100x128xf32, #tpu.memory_space<vmem>>)
    %run_scoped3A_148 = arith.constant 24 : i32
    "tpu.region"() ({
      %run_scoped3A_155 = tpu.sem_alloc : memref<!tpu.dma_semaphore, #tpu.memory_space<semaphore_mem>>
      %dma_start3A_156 = arith.constant 0 : i32
      %dma_start3A_157 = tpu.memref_slice %arg8[%run_scoped3A_148, %dma_start3A_156] : memref<25x100xi32, #tpu.memory_space<vmem>> -> memref<1x100xi32, #tpu.memory_space<vmem>>
      %dma_start3A_158 = tpu.memref_squeeze %dma_start3A_157 : memref<1x100xi32, #tpu.memory_space<vmem>> -> memref<100xi32, #tpu.memory_space<vmem>>
      %dma_start3A_159 = arith.constant 0 : i32
      %dma_start3A_160 = arith.constant 0 : i32
      %dma_start3A_161 = tpu.memref_slice %arg12[%dma_start3A_159, %dma_start3A_160] : memref<10000x128xf32, #tpu.memory_space<vmem_shared>> -> memref<10000x128xf32, #tpu.memory_space<vmem_shared>>
      tpu.enqueue_indirect_dma source(%arg9 : memref<100x128xf32, #tpu.memory_space<vmem>>) target(%dma_start3A_161 : memref<10000x128xf32, #tpu.memory_space<vmem_shared>>) offsets(%dma_start3A_158 : memref<100xi32, #tpu.memory_space<vmem>>) semaphore(%run_scoped3A_155 : memref<!tpu.dma_semaphore, #tpu.memory_space<semaphore_mem>>) {add = true}
      %dma_wait3A_162 = arith.constant 0 : i32
      %dma_wait3A_163 = tpu.memref_slice %arg8[%run_scoped3A_148, %dma_wait3A_162] : memref<25x100xi32, #tpu.memory_space<vmem>> -> memref<1x100xi32, #tpu.memory_space<vmem>>
      %dma_wait3A_164 = tpu.memref_squeeze %dma_wait3A_163 : memref<1x100xi32, #tpu.memory_space<vmem>> -> memref<100xi32, #tpu.memory_space<vmem>>
      %dma_wait3A_165 = arith.constant 0 : i32
      %dma_wait3A_166 = arith.constant 0 : i32
      %dma_wait3A_167 = tpu.memref_slice %arg12[%dma_wait3A_165, %dma_wait3A_166] : memref<10000x128xf32, #tpu.memory_space<vmem_shared>> -> memref<10000x128xf32, #tpu.memory_space<vmem_shared>>
      tpu.wait_indirect_dma semaphore(%run_scoped3A_155 : memref<!tpu.dma_semaphore, #tpu.memory_space<semaphore_mem>>) src(%arg9 : memref<100x128xf32, #tpu.memory_space<vmem>>) dst(%dma_wait3A_167 : memref<10000x128xf32, #tpu.memory_space<vmem_shared>>)
      tpu.yield
    }) : () -> ()
    %barrier3A_149 = arith.constant 0 : index
    tpu.barrier barrier_id(%barrier3A_149)
    "tpu.region"() ({
      %run_scoped3A_155 = tpu.sem_alloc : memref<!tpu.dma_semaphore, #tpu.memory_space<semaphore_mem>>
      %dma_start3A_156 = arith.constant 0 : i32
      %dma_start3A_157 = tpu.memref_slice %arg6[%arg0, %mul3A_2, %dma_start3A_156] : memref<2x10000x128xf32, #tpu.memory_space<hbm>> -> memref<1x624x128xf32, #tpu.memory_space<hbm>>
      %dma_start3A_158 = tpu.memref_squeeze %dma_start3A_157 : memref<1x624x128xf32, #tpu.memory_space<hbm>> -> memref<624x128xf32, #tpu.memory_space<hbm>>
      %dma_start3A_159 = arith.constant 0 : i32
      %dma_start3A_160 = tpu.memref_slice %arg12[%mul3A_2, %dma_start3A_159] : memref<10000x128xf32, #tpu.memory_space<vmem_shared>> -> memref<624x128xf32, #tpu.memory_space<vmem_shared>>
      tpu.enqueue_dma source(%dma_start3A_160 : memref<624x128xf32, #tpu.memory_space<vmem_shared>>) target(%dma_start3A_158 : memref<624x128xf32, #tpu.memory_space<hbm>>) target_semaphore(%run_scoped3A_155 : memref<!tpu.dma_semaphore, #tpu.memory_space<semaphore_mem>>)
      %dma_wait3A_161 = arith.constant 0 : i32
      %dma_wait3A_162 = tpu.memref_slice %arg6[%arg0, %mul3A_2, %dma_wait3A_161] : memref<2x10000x128xf32, #tpu.memory_space<hbm>> -> memref<1x624x128xf32, #tpu.memory_space<hbm>>
      %dma_wait3A_163 = tpu.memref_squeeze %dma_wait3A_162 : memref<1x624x128xf32, #tpu.memory_space<hbm>> -> memref<624x128xf32, #tpu.memory_space<hbm>>
      %dma_wait3A_164 = arith.constant 0 : i32
      %dma_wait3A_165 = tpu.memref_slice %arg12[%mul3A_2, %dma_wait3A_164] : memref<10000x128xf32, #tpu.memory_space<vmem_shared>> -> memref<624x128xf32, #tpu.memory_space<vmem_shared>>
      tpu.wait_dma2 semaphore(%run_scoped3A_155 : memref<!tpu.dma_semaphore, #tpu.memory_space<semaphore_mem>>) src(%dma_wait3A_165 : memref<624x128xf32, #tpu.memory_space<vmem_shared>>) dst(%dma_wait3A_163 : memref<624x128xf32, #tpu.memory_space<hbm>>)
      tpu.yield
    }) : () -> ()
    %eq3A_150 = arith.constant 15 : i32
    %eq3A_151 = arith.cmpi eq, %arg1, %eq3A_150 : i32
    %convert_element_type3A_152 = arith.extui %eq3A_151 : i1 to i32
    %cond3A_153 = arith.constant 0 : i32
    %cond3A_154 = arith.cmpi ne, %convert_element_type3A_152, %cond3A_153 : i32
    scf.if %cond3A_154 {
      "tpu.region"() ({
        %run_scoped3A_155 = tpu.sem_alloc : memref<!tpu.dma_semaphore, #tpu.memory_space<semaphore_mem>>
        %dma_start3A_156 = arith.constant 9984 : i32
        %dma_start3A_157 = arith.constant 0 : i32
        %dma_start3A_158 = tpu.memref_slice %arg6[%arg0, %dma_start3A_156, %dma_start3A_157] : memref<2x10000x128xf32, #tpu.memory_space<hbm>> -> memref<1x16x128xf32, #tpu.memory_space<hbm>>
        %dma_start3A_159 = tpu.memref_squeeze %dma_start3A_158 : memref<1x16x128xf32, #tpu.memory_space<hbm>> -> memref<16x128xf32, #tpu.memory_space<hbm>>
        %dma_start3A_160 = arith.constant 9984 : i32
        %dma_start3A_161 = arith.constant 0 : i32
        %dma_start3A_162 = tpu.memref_slice %arg12[%dma_start3A_160, %dma_start3A_161] : memref<10000x128xf32, #tpu.memory_space<vmem_shared>> -> memref<16x128xf32, #tpu.memory_space<vmem_shared>>
        tpu.enqueue_dma source(%dma_start3A_162 : memref<16x128xf32, #tpu.memory_space<vmem_shared>>) target(%dma_start3A_159 : memref<16x128xf32, #tpu.memory_space<hbm>>) target_semaphore(%run_scoped3A_155 : memref<!tpu.dma_semaphore, #tpu.memory_space<semaphore_mem>>)
        %dma_wait3A_163 = arith.constant 9984 : i32
        %dma_wait3A_164 = arith.constant 0 : i32
        %dma_wait3A_165 = tpu.memref_slice %arg6[%arg0, %dma_wait3A_163, %dma_wait3A_164] : memref<2x10000x128xf32, #tpu.memory_space<hbm>> -> memref<1x16x128xf32, #tpu.memory_space<hbm>>
        %dma_wait3A_166 = tpu.memref_squeeze %dma_wait3A_165 : memref<1x16x128xf32, #tpu.memory_space<hbm>> -> memref<16x128xf32, #tpu.memory_space<hbm>>
        %dma_wait3A_167 = arith.constant 9984 : i32
        %dma_wait3A_168 = arith.constant 0 : i32
        %dma_wait3A_169 = tpu.memref_slice %arg12[%dma_wait3A_167, %dma_wait3A_168] : memref<10000x128xf32, #tpu.memory_space<vmem_shared>> -> memref<16x128xf32, #tpu.memory_space<vmem_shared>>
        tpu.wait_dma2 semaphore(%run_scoped3A_155 : memref<!tpu.dma_semaphore, #tpu.memory_space<semaphore_mem>>) src(%dma_wait3A_169 : memref<16x128xf32, #tpu.memory_space<vmem_shared>>) dst(%dma_wait3A_166 : memref<16x128xf32, #tpu.memory_space<hbm>>)
        tpu.yield
      }) : () -> ()
    } else {
    }
    return
  }
}

module attributes {stable_mosaic.version = 14 : i64} {
  func.func @_mm_body(%arg0: i32, %arg1: memref<2x1000x128xf32, #tpu.memory_space<vmem>>, %arg2: memref<128x128xf32, #tpu.memory_space<vmem>>, %arg3: memref<1000x128xf32, #tpu.memory_space<vmem>>) attributes {dimension_semantics = [#tpu.dimension_semantics<arbitrary>], iteration_bounds = array<i64: 10>, scalar_prefetch = 0 : i64, scratch_operands = 0 : i64, tpu.core_type = #tpu.core_type<tc>, window_params = [{transform_indices = @transform_0, window_bounds = array<i64: 2, 1000, 128>}, {pipeline_mode = #tpu.pipeline_mode<synchronous>, transform_indices = @transform_1, window_bounds = array<i64: 128, 128>}, {transform_indices = @transform_2, window_bounds = array<i64: 1000, 128>}]} {
    %get3A = arith.constant 0 : index
    %get3A_0 = arith.constant 0 : index
    %get3A_1 = arith.constant 0 : index
    %get3A_2 = vector.load %arg1[%get3A, %get3A_0, %get3A_1] : memref<2x1000x128xf32, #tpu.memory_space<vmem>>, vector<1x1000x128xf32>
    %get3A_3 = vector.shape_cast %get3A_2 : vector<1x1000x128xf32> to vector<1000x128xf32>
    %get3A_4 = arith.constant 1 : index
    %get3A_5 = arith.constant 0 : index
    %get3A_6 = arith.constant 0 : index
    %get3A_7 = vector.load %arg1[%get3A_4, %get3A_5, %get3A_6] : memref<2x1000x128xf32, #tpu.memory_space<vmem>>, vector<1x1000x128xf32>
    %get3A_8 = vector.shape_cast %get3A_7 : vector<1x1000x128xf32> to vector<1000x128xf32>
    %add3A = arith.addf %get3A_3, %get3A_8 : vector<1000x128xf32>
    %get3A_9 = arith.constant 0 : index
    %get3A_10 = arith.constant 0 : index
    %get3A_11 = vector.load %arg2[%get3A_9, %get3A_10] : memref<128x128xf32, #tpu.memory_space<vmem>>, vector<128x128xf32>
    %dot_general3A = arith.constant dense<0.000000e+00> : vector<1000x128xf32>
    %dot_general3A_12 = tpu.matmul %add3A, %get3A_11, %dot_general3A {dimension_numbers = #tpu.dot_dimension_numbers<[1], [0], [0], [1], [0, 0, 1, 1], [], []>, transpose_lhs_hint = false} : vector<1000x128xf32>, vector<128x128xf32>, vector<1000x128xf32> -> vector<1000x128xf32>
    %swap3A = arith.constant 0 : index
    %swap3A_13 = arith.constant 0 : index
    %swap3A_14 = vector.load %arg3[%swap3A, %swap3A_13] : memref<1000x128xf32, #tpu.memory_space<vmem>>, vector<1000x128xf32>
    tpu.vector_store %arg3[%swap3A, %swap3A_13], %dot_general3A_12 {strides = array<i32>} : memref<1000x128xf32, #tpu.memory_space<vmem>>, vector<1000x128xf32>,
    return
  }
  func.func @transform_0(%arg0: i32) -> (i32, i32, i32) {
    %c0_i32 = arith.constant 0 : i32
    %c0_i32_0 = arith.constant 0 : i32
    %c0_i32_1 = arith.constant 0 : i32
    return %c0_i32, %arg0, %c0_i32_0 : i32, i32, i32
  }
  func.func @transform_1(%arg0: i32) -> (i32, i32) {
    %c0_i32 = arith.constant 0 : i32
    %c0_i32_0 = arith.constant 0 : i32
    %c0_i32_1 = arith.constant 0 : i32
    return %c0_i32, %c0_i32_0 : i32, i32
  }
  func.func @transform_2(%arg0: i32) -> (i32, i32) {
    %c0_i32 = arith.constant 0 : i32
    %c0_i32_0 = arith.constant 0 : i32
    return %arg0, %c0_i32 : i32, i32
  }
}

</mosaic_0001>

<sc_bundles>
// kernel: kernel.4.cloned.1.call-start
scs
__scs_entry_jumppad:
0x0: {  	(pc) =	sbr.rel $0x88, $3  }
0x1: {  	(tag) =	ssettag $0x0;
	lr =	simm.s32 $0x1  }
0x2: {  	[smem:$0x3F9E] =	sst lr;
	_ =	strace $0xD0000000  }
0x3: {  	_ = 	snop  }
0x4: {  	_ = 	snop  }
0x5: {  	_ = 	snop  }
0x6: {  	_ = 	snop  }
0x7: {  	_ = 	snop  }
__scs_overlays_trampoline_lowered:
0x8: {  	[smem:$0x3FAD] =	sst s0  }
0x9: {  	[smem:$0x3FAE] =	sst s1  }
0xa: {  	[smem:$0x3FAF] =	sst s2  }
0xb: {  	[smem:$0x3FB0] =	sst s3  }
0xc: {  	[smem:$0x3FB1] =	sst s4  }
0xd: {  	[smem:$0x3FB2] =	sst s5  }
0xe: {  	[smem:$0x3FB3] =	sst s6  }
0xf: {  	[smem:$0x3FB4] =	sst s7  }
0x10: {  	[smem:$0x3FB5] =	sst s8  }
0x11: {  	[smem:$0x3FB6] =	sst s9;
	s0 =	simm.s32 @!p0 $0x0  }
0x12: {  	s1 =	sld [smem:$0x3F9C];
	s0 =	simm.s32 @p0 $0x1  }
0x13: {  	[smem:$0x3FB7] =	sst s0;
	s0 =	simm.s32 @!p1 $0x0  }
0x14: {  	s2 =	sld [smem:$0x3F9B];
	s0 =	simm.s32 @p1 $0x1  }
0x15: {  	[smem:$0x3FB8] =	sst s0;
	s0 =	simm.s32 @!p2 $0x0  }
0x16: {  	s3 =	sld [smem:$0x3FDB];
	s0 =	simm.s32 @p2 $0x1  }
0x17: {  	s4 =	simm.s32 $0x1BF5;
	[smem:$0x3FBA] =	sst s0  }
0x18: {  	s0 =	sld [smem:$0x3F9D];
	_ =	swait.ge [sflag:s4], $0x0  }
0x19: {  	s7 =	sld [smem:$0x3F9E]  }
0x1a: {  	s8 =	sadd.s32 $0xFFFFE003, lr  }
0x1b: {  	s9 =	sadd.s32 $0xFFFFFEF7, lr;
	s5 =	simm.s32 $0xFFFFFFFF;
	p2 =	slt.u32 s8, $0xFFFFF086  }
0x1c: {  	p1 =	slt.u32 s9, $0xF7A;
	s5 =	simm.s32 @!p2 $0x0  }
0x1d: {  	s5 =	simm.s32 @p1 $0x1;
	p0 =	seq.s32 s7, s2  }
0x1e: {  	s7 =	smul.u32 @!p0 $0xF7A, s2;
	p2 =	seq.s32 @!p0 s5, $0x0  }
0x1f: {  	s9 =	smul.u32 $0xF7A, s1;
	s8 =	simm.s32 @!p0 $0x1BF5;
	p2 =	por !p2, p0  }
0x20: {  	[sflag:s8] =	ssyncset.s32 @!p0 $0xFFFFF086;
	s6 =	sadd.s32 @!p0 s3, s7;
	s7 =	simm.s32 @!p0 $0x108  }
0x21: {  	s3 =	sadd.s32 s3, s9;
	s6 =	sadd.s32 @!p0 $0x88, s6;
	s7 =	simm.s32 @p2 $0x1082  }
0x22: {  	[simem:s7], [sflag:s8] =	dma.local @!p0 [hbm:s6], $0xF7A  }
0x23: {  	s9 =	sor.u32 $0xD0000000, s2;
	s6 =	simm.s32 $0x108;
	_ =	swait.ge @!p0 [sflag:s8], $0x0  }
0x24: {  	s3 =	sadd.s32 $0x88, s3;
	s6 =	simm.s32 @!p1 $0x1082;
	[sflag:s4] =	ssyncset.s32 $0xFFFFF086  }
0x25: {  	[simem:s6], [sflag:s4] =	dma.local [hbm:s3], $0xF7A  }
0x26: {  	[smem:$0x3F9E] =	sst s1;
	(tag) =	ssettag s2;
	_ =	strace s9  }
0x27: {  	s1 =	sld [smem:$0x3FAE]  }
0x28: {  	s2 =	sld [smem:$0x3FAF]  }
0x29: {  	s4 =	sld [smem:$0x3FB1]  }
0x2a: {  	p0 =	seq.s32 s5, $0x0;
	s5 =	sld [smem:$0x3FB2]  }
0x2b: {  	s6 =	sld [smem:$0x3FB3]  }
0x2c: {  	s7 =	sld [smem:$0x3FB4]  }
0x2d: {  	s3 =	simm.s32 $0x108;
	s8 =	sld [smem:$0x3FB5]  }
0x2e: {  	s3 =	simm.s32 @!p0 $0x1082;
	s9 =	sld [smem:$0x3FB6]  }
0x2f: {  	lr =	sadd.s32 s0, s3;
	s0 =	sld [smem:$0x3FAD]  }
0x30: {  	s3 =	sld [smem:$0x3FB0]  }
0x31: {  	[smem:$0x3FB9] =	sst s10  }
0x32: {  	s10 =	sld [smem:$0x3FB7];
	_ =	sdelay $0x3  }
0x33: {  	p0 =	seq.s32 s10, $0x1;
	s10 =	sld [smem:$0x3FB9];
	_ =	sdelay $0x3  }
0x34: {  	[smem:$0x3FB9] =	sst s10  }
0x35: {  	s10 =	sld [smem:$0x3FB8];
	_ =	sdelay $0x3  }
0x36: {  	p1 =	seq.s32 s10, $0x1;
	s10 =	sld [smem:$0x3FB9];
	_ =	sdelay $0x3  }
0x37: {  	[smem:$0x3FB9] =	sst s10  }
0x38: {  	s10 =	sld [smem:$0x3FBA]  }
0x39: {  	_ = 	snop;
	(pc) =	sbr.ind lr, $3  }
0x3a: {  	_ = 	snop  }
0x3b: {  	_ = 	snop  }
0x3c: {  	p2 =	seq.s32 s10, $0x1;
	s10 =	sld [smem:$0x3FB9]  }
0x3d: {  	_ =	shalt  }
0x3e: {  	_ =	shalt  }
0x3f: {  	_ =	shalt  }
0x40: {  	_ =	shalt  }
0x41: {  	_ =	shalt  }
0x42: {  	_ =	shalt  }
0x43: {  	_ =	shalt  }
0x44: {  	_ =	shalt  }
0x45: {  	_ =	shalt  }
0x46: {  	_ =	shalt  }
0x47: {  	_ =	shalt  }
0x48: {  	_ =	shalt  }
0x49: {  	_ =	shalt  }
0x4a: {  	_ =	shalt  }
0x4b: {  	_ =	shalt  }
0x4c: {  	_ =	shalt  }
0x4d: {  	_ =	shalt  }
0x4e: {  	_ =	shalt  }
0x4f: {  	_ =	shalt  }
0x50: {  	_ =	shalt  }
0x51: {  	_ =	shalt  }
0x52: {  	_ =	shalt  }
0x53: {  	_ =	shalt  }
0x54: {  	_ =	shalt  }
0x55: {  	_ =	shalt  }
0x56: {  	_ =	shalt  }
0x57: {  	_ =	shalt  }
0x58: {  	_ =	shalt  }
0x59: {  	_ =	shalt  }
0x5a: {  	_ =	shalt  }
0x5b: {  	_ =	shalt  }
0x5c: {  	_ =	shalt  }
0x5d: {  	_ =	shalt  }
0x5e: {  	_ =	shalt  }
0x5f: {  	_ =	shalt  }
0x60: {  	_ =	shalt  }
0x61: {  	_ =	shalt  }
0x62: {  	_ =	shalt  }
0x63: {  	_ =	shalt  }
0x64: {  	_ =	shalt  }
0x65: {  	_ =	shalt  }
0x66: {  	_ =	shalt  }
0x67: {  	_ =	shalt  }
0x68: {  	_ =	shalt  }
0x69: {  	_ =	shalt  }
0x6a: {  	_ =	shalt  }
0x6b: {  	_ =	shalt  }
0x6c: {  	_ =	shalt  }
0x6d: {  	_ =	shalt  }
0x6e: {  	_ =	shalt  }
0x6f: {  	_ =	shalt  }
0x70: {  	_ =	shalt  }
0x71: {  	_ =	shalt  }
0x72: {  	_ =	shalt  }
0x73: {  	_ =	shalt  }
0x74: {  	_ =	shalt  }
0x75: {  	_ =	shalt  }
0x76: {  	_ =	shalt  }
0x77: {  	_ =	shalt  }
0x78: {  	_ =	shalt  }
0x79: {  	_ =	shalt  }
0x7a: {  	_ =	shalt  }
0x7b: {  	_ =	shalt  }
0x7c: {  	_ =	shalt  }
0x7d: {  	_ =	shalt  }
0x7e: {  	_ =	shalt  }
0x7f: {  	_ =	shalt  }
0x80: {  	_ =	shalt  }
0x81: {  	_ =	shalt  }
0x82: {  	_ =	shalt  }
0x83: {  	_ =	shalt  }
0x84: {  	_ =	shalt  }
0x85: {  	_ =	shalt  }
0x86: {  	_ =	shalt  }
0x87: {  	_ =	shalt  }
.Lfunc_end0:
.L_simem_size_0:
called_computation_lowered:
.L_overlay_start_0:
0x88: {  	s2 =	sld [smem:$0x3FD9]  }
0x89: {  	s3 =	sld [smem:$0x3FFE];
	_ =	sdelay $0x1  }
0x8a: {  	s1 =	srdreg.scid  }
0x8b: {  	s0 =	sand.u32 $0x1, s1  }
0x8c: {  	s17 =	sshll.u32 s0, $0xA;
	s2 =	sadd.s32 s3, s2  }
0x8d: {  	s2 =	sadd.s32 s2, s17  }
0x8e: {  	[smem:$0x3FC5] =	sst s2  }
0x8f: {  	_ = 	snop  }
0x90: {  	s2 =	sld [smem:$0x3FC9]  }
0x91: {  	s18 =	sld [smem:$0x3FD0];
	(tm) =	ssettm $0x1  }
0x92: {  	s4 =	sld [smem:$0x3FFB];
	_ =	sdelay $0x3  }
0x93: {  	_ =	strace s4  }
0x94: {  	s4 =	sld [smem:$0x3FFC];
	_ =	sdelay $0x3  }
0x95: {  	_ =	strace s4  }
0x96: {  	s4 =	sld [smem:$0x3FFD];
	_ =	sdelay $0x3  }
0x97: {  	_ =	strace s4  }
0x98: {  	_ =	strace $0x8FFFFFFF  }
0x99: {  	s19 =	sld [smem:$0x3FDB];
	_ =	sdelay $0x1  }
0x9a: {  	s5 =	simm.s32 $_scs_section_size  }
0x9b: {  	s6 =	simm.s32 $_size__tile_overlayer_lowered;
	s7 =	simm.s32 $_tile_overlayer_lowered  }
0x9c: {  	s22 =	simm.s32 $0x1BFF;
	s21 =	sshll.u32 s7, $0x1;
	s4 =	sadd.s32 s5, s19  }
0x9d: {  	s8 =	simm.s32 $0x0;
	s20 =	sshll.u32 s6, $0x1;
	s6 =	sadd.s32 s21, s4  }
0x9e: {  	[timem:s8], [sflag:s22] =	dma.local [hbm:s6], s20  }
0x9f: {  	_ =	swait.ge [sflag:s22], s20  }
0xa0: {  	s5 =	ssub.s32 $0x0, s20;
	[sflag:s22] =	ssyncset.done $0x0  }
0xa1: {  	[sflag:s22] =	ssyncadd.s32 s5;
	_ =	sdelay $0x1  }
0xa2: {  	s23 =	simm.s32 $0x1B8B  }
0xa3: {  	_ =	swait.ge [sflag:s23], $0x1  }
0xa4: {  	[sflag:s23] =	ssyncset.done $0x0  }
0xa5: {  	s25 =	simm.s32 $0x1B8E;
	s24 =	sld [smem:$0x3FFE];
	[sflag:s23] =	ssyncadd.s32 $0xFFFFFFFF  }
0xa6: {  	s26 =	simm.s32 $execute0_lowered;
	[smem:$0x3FD2] =	sst s25  }
0xa7: {  	s6 =	sshll.u32 s26, $0x1;
	_ =	strace $0x80000046;
	[dreg:$0x1] =	wrdreg $0xFFFFFFFF  }
0xa8: {  	s28 =	simm.s32 $_size_execute0_lowered;
	s4 =	sadd.s32 s4, s6;
	[dreg:$0x0] =	wrdreg $0x0  }
0xa9: {  	s6 =	sshll.u32 s28, $0x1;
	[dreg:$0x2] =	wrdreg s4  }
0xaa: {  	[dreg:$0x3] =	wrdreg s6  }
0xab: {  	[dreg:$0x4] =	wrdreg $0xC0  }
0xac: {  	_ =	task [dreg:s8], $0x5FFFF  }
0xad: {  	[dreg:$0x1] =	wrdreg $0xFFFFFFFF  }
0xae: {  	[dreg:$0x0] =	wrdreg $0x60  }
0xaf: {  	[dreg:$0x2] =	wrdreg s2  }
0xb0: {  	[dreg:$0x3] =	wrdreg s24  }
0xb1: {  	[dreg:$0x4] =	wrdreg s18  }
0xb2: {  	[dreg:$0x5] =	wrdreg $0xBC000  }
0xb3: {  	[dreg:$0x6] =	wrdreg $0x9  }
0xb4: {  	_ =	task.clear_ibuf [dreg:s8], $0x7FFFF;
	_ =	strace $0x90000046  }
0xb5: {  	s29 =	simm.s32 $0x9;
	_ =	strace $0x80000048  }
0xb6: {  	_ =	swait.ge [sflag:s29], $0x1  }
0xb7: {  	[sflag:s29] =	ssyncadd.s32 $0xFFFFFFFF  }
0xb8: {  	_ =	strace $0x90000048  }
0xb9: {  	_ =	sfence  }
0xba: {  	s30 =	sld [smem:$0x0];
	_ =	sdelay $0x2  }
0xbb: {  	s31 =	sshll.u32 s1, $0xD;
	s1 =	sshrl.u32 s1, $0x2  }
0xbc: {  	s3 =	sand.u32 $0x4000, s31;
	s1 =	sadd.s32 s1, s30  }
0xbd: {  	s0 =	sor.u32 s3, s0;
	s1 =	sshll.u32 s1, $0x11  }
0xbe: {  	s0 =	sor.u32 s1, s0  }
0xbf: {  	s0 =	sadd.s32 $0x8F2B, s0  }
0xc0: {  	[sflag:s0] =	ssyncadd.remote.s32 $0x1  }
0xc1: {  	_ =	sfence.sel $0xFFFF  }
0xc2: {  	[dreg:$0x0] =	wrdreg $0xFFFFFFFF;
	(pc) =	sbr.abs _section_cstart, $3  }
0xc3: {  	[dreg:$0x1] =	wrdreg $0xFFFFFFFF  }
0xc4: {  	_ =	task.clear_ibuf [dreg:s8], $0x2FFFF;
	_ =	strace $0x9FFFFFFF  }
0xc5: {  	(tm) =	ssettm $0x7FFFFFFF  }
tec
execute0_lowered:
.L_overlay_start_1:
0x0: {  	(tag) =	ssettag $0x1  }
0x1: {  	s2 =	rddreg [dreg:$0x0]  }
0x2: {  	s1 =	rddreg [dreg:$0x1]  }
0x3: {  	s5 =	rddreg [dreg:$0x2]  }
0x4: {  	s11 =	stileid.u32;
	s3 =	rddreg [dreg:$0x3]  }
0x5: {  	s29 =	simm.s32 $0x0;
	s8 =	srdreg.scid;
	s0 =	smul.u32 $0x4E000, s11  }
0x6: {  	s6 =	smul.u32 $0x13800, s11;
	[smem:$0x7FF] =	sst s29;
	s9 =	sadd.s32 $0x10000, s1  }
0x7: {  	s18 =	sand.u32 $0x1, s8;
	s19 =	sadd.s32 $0x138000, s3;
	s20 =	sshll.u32 s11, $0xC  }
0x8: {  	_ =	strace $0x80000047;
	[dreg:$0x18] =	wrdreg s18;
	s0 =	sshrl.u32 s0, $0x2  }
0x9: {  	[dreg:$0x7] =	wrdreg s19;
	s4 =	sshrl.u32 s6, $0x3;
	s0 =	sadd.s32 s0, s3  }
0xa: {  	s10 =	sshll.u32 s18, $0xB;
	s17 =	sadd.s32 s5, s4;
	[dreg:$0x5] =	wrdreg s0  }
0xb: {  	s21 =	sor.u32 s10, s20;
	s5 =	sadd.s32 $0x27000, s5;
	[dreg:$0x6] =	wrdreg s17  }
0xc: {  	s22 =	sadd.s32 s9, s21;
	[dreg:$0x8] =	wrdreg s5  }
0xd: {  	s23 =	sadd.s32 s1, s21;
	s8 =	sor.u32 $0x200, s21;
	[dreg:$0x9] =	wrdreg s22  }
0xe: {  	[dreg:$0xa] =	wrdreg s23;
	s24 =	sadd.s32 s9, s8  }
0xf: {  	s26 =	sor.u32 $0x400, s21;
	s25 =	sadd.s32 s1, s8;
	[dreg:$0xb] =	wrdreg s24  }
0x10: {  	s28 =	sadd.s32 s9, s26;
	[dreg:$0xc] =	wrdreg s25  }
0x11: {  	s7 =	sadd.s32 s1, s26;
	[dreg:$0xd] =	wrdreg s28  }
0x12: {  	[dreg:$0xe] =	wrdreg s7  }
0x13: {  	s0 =	sor.u32 $0x600, s21;
	s15 =	rddreg [dreg:$0x5]  }
0x14: {  	s8 =	sadd.s32 s9, s0;
	s9 =	smul.u32 $0x138800, s18;
	s16 =	rddreg [dreg:$0x6]  }
0x15: {  	s10 =	sadd.s32 $0x20000, s1;
	s1 =	sadd.s32 s1, s0;
	[dreg:$0xf] =	wrdreg s8  }
0x16: {  	[dreg:$0x10] =	wrdreg s1;
	s13 =	sadd.s32 s6, s9  }
0x17: {  	s0 =	sshrl.u32 s15, $0x3;
	s14 =	sshrl.u32 s9, $0x3;
	s1 =	sshrl.u32 s13, $0x3  }
0x18: {  	[dreg:$0x16] =	wrdreg s0;
	s6 =	sadd.s32 s10, s14;
	s1 =	sadd.s32 s10, s1  }
0x19: {  	s12 =	sshll.u32 s11, $0x6;
	s17 =	sadd.s32 $0x27000, s6;
	[dreg:$0x11] =	wrdreg s1  }
0x1a: {  	s7 =	sor.u32 $0x1C04, s12;
	s6 =	simm.s32 $0x4;
	[dreg:$0x12] =	wrdreg s17  }
0x1b: {  	[spmem:s0], [sflag:s7] =	dma.local [hbm:s16], $0x2700  }
0x1c: {  	_ =	swait.ge [sflag:s6], $0x2700  }
0x1d: {  	p0 =	sne.s32 s11, $0xF;
	s0 =	rddreg [dreg:$0x7]  }
0x1e: {  	s8 =	rddreg [dreg:$0x8];
	[sflag:s6] =	ssyncset.done $0x0;
	s0 =	sshrl.u32 @!p0 s0, $0x3  }
0x1f: {  	s30 =	simm.s32 @!p0 $0x4;
	[sflag:s6] =	ssyncadd.s32 $0xFFFFD900;
	[dreg:$0x17] =	wrdreg s0  }
0x20: {  	[spmem:s0], [sflag:s7] =	dma.local @!p0 [hbm:s8], $0x100  }
0x21: {  	_ =	swait.ge @!p0 [sflag:s30], $0x100  }
0x22: {  	[sflag:s30] =	ssyncset.done @!p0 $0x0  }
0x23: {  	[sflag:s30] =	ssyncadd.s32 @!p0 $0xFFFFFF00  }
0x24: {  	[bflag:$0x0] =	sbarrier.arrive $0xFFFF  }
0x25: {  	s18 =	rddreg [dreg:$0x9]  }
0x26: {  	[tilespmem:s29], [sflag:$0x4] =	stream.linear.gather [hbm4b:s18+s29], $0xC80, $0x38;
	[tilespmem:$0x1F480] =	vst v63  }
0x27: {  	_ =	swait.ge [sflag:s6], $0xC80  }
0x28: {  	[sflag:s6] =	ssyncset.done $0x0  }
0x29: {  	s20 =	simm.s32 $0x1000;
	s19 =	rddreg [dreg:$0xa];
	[sflag:s6] =	ssyncadd.s32 $0xFFFFF380  }
0x2a: {  	[tilespmem:s20], [sflag:$0x4] =	stream.linear.gather [hbm4b:s19+s29], $0xC80, $0x38;
	[tilespmem:$0x1F480] =	vst v63  }
0x2b: {  	_ =	swait.ge [sflag:s6], $0xC80  }
0x2c: {  	[sflag:s6] =	ssyncset.done $0x0  }
0x2d: {  	s9 =	simm.s32 $0x64;
	s10 =	simm.s32 $0x2000;
	[sflag:s6] =	ssyncadd.s32 $0xFFFFF380  }
0x2e: {  	[tilespmem:s10], [sflag:$0x1] =	stream.indirect.gather [hbm4b:s2+s9], $0x80, s29, s9, $0xb8;
	[tilespmem:$0x1F480] =	vst v63  }
0x2f: {  	s22 =	simm.s32 $0x80;
	s12 =	simm.s32 $0x5400  }
0x30: {  	[tilespmem:s12], [sflag:$0x2] =	stream.indirect.gather [hbm4b:s2+s9], $0x80, s22, s9, $0xb8;
	[tilespmem:$0x1F480] =	vst v63  }
0x31: {  	s23 =	simm.s32 $0x100;
	s15 =	simm.s32 $0x1;
	s14 =	simm.s32 $0x8800  }
0x32: {  	[tilespmem:s14], [sflag:$0x3] =	stream.indirect.gather [hbm4b:s2+s9], $0x80, s23, s9, $0xb8;
	[tilespmem:$0x1F480] =	vst v63  }
0x33: {  	_ =	swait.ge [sflag:s15], $0x3200  }
0x34: {  	[sflag:s15] =	ssyncset.done $0x0  }
0x35: {  	s21 =	simm.s32 $0x1000;
	[sflag:s15] =	ssyncadd.s32 $0xFFFFCE00  }
0x36: {  	[spmem:s3] =	stream.indirect.scatter.add.f32 [tilespmem:s10], [sflag:$0x4], $0x80, s21, s9, $0xb8;
	[tilespmem:$0x1F480] =	vst v63  }
0x37: {  	_ =	swait.ge [sflag:s6], $0x3200  }
0x38: {  	[sflag:s6] =	ssyncset.done $0x0  }
0x39: {  	s24 =	simm.s32 $0x180;
	s17 =	simm.s32 $0x2;
	[sflag:s6] =	ssyncadd.s32 $0xFFFFCE00  }
0x3a: {  	[tilespmem:s10], [sflag:$0x1] =	stream.indirect.gather [hbm4b:s2+s9], $0x80, s24, s9, $0xb8;
	[tilespmem:$0x1F480] =	vst v63  }
0x3b: {  	_ =	swait.ge [sflag:s17], $0x3200  }
0x3c: {  	[sflag:s17] =	ssyncset.done $0x0  }
0x3d: {  	s25 =	simm.s32 $0x1080;
	[sflag:s17] =	ssyncadd.s32 $0xFFFFCE00  }
0x3e: {  	[spmem:s3] =	stream.indirect.scatter.add.f32 [tilespmem:s12], [sflag:$0x4], $0x80, s25, s9, $0xb8;
	[tilespmem:$0x1F480] =	vst v63  }
0x3f: {  	_ =	swait.ge [sflag:s6], $0x3200  }
0x40: {  	[sflag:s6] =	ssyncset.done $0x0  }
0x41: {  	s26 =	simm.s32 $0x200;
	s20 =	simm.s32 $0x3;
	[sflag:s6] =	ssyncadd.s32 $0xFFFFCE00  }
0x42: {  	[tilespmem:s12], [sflag:$0x2] =	stream.indirect.gather [hbm4b:s2+s9], $0x80, s26, s9, $0xb8;
	[tilespmem:$0x1F480] =	vst v63  }
0x43: {  	_ =	swait.ge [sflag:s20], $0x3200  }
0x44: {  	[sflag:s20] =	ssyncset.done $0x0  }
0x45: {  	s28 =	simm.s32 $0x1100;
	[sflag:s20] =	ssyncadd.s32 $0xFFFFCE00  }
0x46: {  	[spmem:s3] =	stream.indirect.scatter.add.f32 [tilespmem:s14], [sflag:$0x4], $0x80, s28, s9, $0xb8;
	[tilespmem:$0x1F480] =	vst v63  }
0x47: {  	_ =	swait.ge [sflag:s6], $0x3200  }
0x48: {  	[sflag:s6] =	ssyncset.done $0x0  }
0x49: {  	s1 =	simm.s32 $0x280;
	[sflag:s6] =	ssyncadd.s32 $0xFFFFCE00  }
0x4a: {  	[tilespmem:s14], [sflag:$0x3] =	stream.indirect.gather [hbm4b:s2+s9], $0x80, s1, s9, $0xb8;
	[tilespmem:$0x1F480] =	vst v63  }
0x4b: {  	_ =	swait.ge [sflag:s15], $0x3200  }
0x4c: {  	[sflag:s15] =	ssyncset.done $0x0  }
0x4d: {  	s4 =	simm.s32 $0x1180;
	[sflag:s15] =	ssyncadd.s32 $0xFFFFCE00  }
0x4e: {  	[spmem:s3] =	stream.indirect.scatter.add.f32 [tilespmem:s10], [sflag:$0x4], $0x80, s4, s9, $0xb8;
	[tilespmem:$0x1F480] =	vst v63  }
0x4f: {  	_ =	swait.ge [sflag:s6], $0x3200  }
0x50: {  	[sflag:s6] =	ssyncset.done $0x0  }
0x51: {  	s8 =	simm.s32 $0x300;
	[sflag:s6] =	ssyncadd.s32 $0xFFFFCE00  }
0x52: {  	[tilespmem:s10], [sflag:$0x1] =	stream.indirect.gather [hbm4b:s2+s9], $0x80, s8, s9, $0xb8;
	[tilespmem:$0x1F480] =	vst v63  }
0x53: {  	_ =	swait.ge [sflag:s17], $0x3200  }
0x54: {  	[sflag:s17] =	ssyncset.done $0x0  }
0x55: {  	s11 =	simm.s32 $0x1200;
	[sflag:s17] =	ssyncadd.s32 $0xFFFFCE00  }
0x56: {  	[spmem:s3] =	stream.indirect.scatter.add.f32 [tilespmem:s12], [sflag:$0x4], $0x80, s11, s9, $0xb8;
	[tilespmem:$0x1F480] =	vst v63  }
0x57: {  	_ =	swait.ge [sflag:s6], $0x3200  }
0x58: {  	[sflag:s6] =	ssyncset.done $0x0  }
0x59: {  	s13 =	simm.s32 $0x380;
	[sflag:s6] =	ssyncadd.s32 $0xFFFFCE00  }
0x5a: {  	[tilespmem:s12], [sflag:$0x2] =	stream.indirect.gather [hbm4b:s2+s9], $0x80, s13, s9, $0xb8;
	[tilespmem:$0x1F480] =	vst v63  }
0x5b: {  	_ =	swait.ge [sflag:s20], $0x3200  }
0x5c: {  	[sflag:s20] =	ssyncset.done $0x0  }
0x5d: {  	s16 =	simm.s32 $0x1280;
	[sflag:s20] =	ssyncadd.s32 $0xFFFFCE00  }
0x5e: {  	[spmem:s3] =	stream.indirect.scatter.add.f32 [tilespmem:s14], [sflag:$0x4], $0x80, s16, s9, $0xb8;
	[tilespmem:$0x1F480] =	vst v63  }
0x5f: {  	_ =	swait.ge [sflag:s6], $0x3200  }
0x60: {  	[sflag:s6] =	ssyncset.done $0x0  }
0x61: {  	s18 =	simm.s32 $0x400;
	[sflag:s6] =	ssyncadd.s32 $0xFFFFCE00  }
0x62: {  	[tilespmem:s14], [sflag:$0x3] =	stream.indirect.gather [hbm4b:s2+s9], $0x80, s18, s9, $0xb8;
	[tilespmem:$0x1F480] =	vst v63  }
0x63: {  	_ =	swait.ge [sflag:s15], $0x3200  }
0x64: {  	[sflag:s15] =	ssyncset.done $0x0  }
0x65: {  	s19 =	simm.s32 $0x1300;
	[sflag:s15] =	ssyncadd.s32 $0xFFFFCE00  }
0x66: {  	[spmem:s3] =	stream.indirect.scatter.add.f32 [tilespmem:s10], [sflag:$0x4], $0x80, s19, s9, $0xb8;
	[tilespmem:$0x1F480] =	vst v63  }
0x67: {  	_ =	swait.ge [sflag:s6], $0x3200  }
0x68: {  	[sflag:s6] =	ssyncset.done $0x0  }
0x69: {  	s21 =	simm.s32 $0x480;
	[sflag:s6] =	ssyncadd.s32 $0xFFFFCE00  }
0x6a: {  	[tilespmem:s10], [sflag:$0x1] =	stream.indirect.gather [hbm4b:s2+s9], $0x80, s21, s9, $0xb8;
	[tilespmem:$0x1F480] =	vst v63  }
0x6b: {  	_ =	swait.ge [sflag:s17], $0x3200  }
0x6c: {  	[sflag:s17] =	ssyncset.done $0x0  }
0x6d: {  	s22 =	simm.s32 $0x1380;
	[sflag:s17] =	ssyncadd.s32 $0xFFFFCE00  }
0x6e: {  	[spmem:s3] =	stream.indirect.scatter.add.f32 [tilespmem:s12], [sflag:$0x4], $0x80, s22, s9, $0xb8;
	[tilespmem:$0x1F480] =	vst v63  }
0x6f: {  	_ =	swait.ge [sflag:s6], $0x3200  }
0x70: {  	[sflag:s6] =	ssyncset.done $0x0  }
0x71: {  	s23 =	simm.s32 $0x500;
	[sflag:s6] =	ssyncadd.s32 $0xFFFFCE00  }
0x72: {  	[tilespmem:s12], [sflag:$0x2] =	stream.indirect.gather [hbm4b:s2+s9], $0x80, s23, s9, $0xb8;
	[tilespmem:$0x1F480] =	vst v63  }
0x73: {  	_ =	swait.ge [sflag:s20], $0x3200  }
0x74: {  	[sflag:s20] =	ssyncset.done $0x0  }
0x75: {  	s24 =	simm.s32 $0x1400;
	[sflag:s20] =	ssyncadd.s32 $0xFFFFCE00  }
0x76: {  	[spmem:s3] =	stream.indirect.scatter.add.f32 [tilespmem:s14], [sflag:$0x4], $0x80, s24, s9, $0xb8;
	[tilespmem:$0x1F480] =	vst v63  }
0x77: {  	_ =	swait.ge [sflag:s6], $0x3200  }
0x78: {  	[sflag:s6] =	ssyncset.done $0x0  }
0x79: {  	s25 =	simm.s32 $0x580;
	[sflag:s6] =	ssyncadd.s32 $0xFFFFCE00  }
0x7a: {  	[tilespmem:s14], [sflag:$0x3] =	stream.indirect.gather [hbm4b:s2+s9], $0x80, s25, s9, $0xb8;
	[tilespmem:$0x1F480] =	vst v63  }
0x7b: {  	_ =	swait.ge [sflag:s15], $0x3200  }
0x7c: {  	[sflag:s15] =	ssyncset.done $0x0  }
0x7d: {  	s26 =	simm.s32 $0x1480;
	[sflag:s15] =	ssyncadd.s32 $0xFFFFCE00  }
0x7e: {  	[spmem:s3] =	stream.indirect.scatter.add.f32 [tilespmem:s10], [sflag:$0x4], $0x80, s26, s9, $0xb8;
	[tilespmem:$0x1F480] =	vst v63  }
0x7f: {  	_ =	swait.ge [sflag:s6], $0x3200  }
0x80: {  	[sflag:s6] =	ssyncset.done $0x0  }
0x81: {  	s28 =	simm.s32 $0x600;
	[sflag:s6] =	ssyncadd.s32 $0xFFFFCE00  }
0x82: {  	[tilespmem:s10], [sflag:$0x1] =	stream.indirect.gather [hbm4b:s2+s9], $0x80, s28, s9, $0xb8;
	[tilespmem:$0x1F480] =	vst v63  }
0x83: {  	_ =	swait.ge [sflag:s17], $0x3200  }
0x84: {  	[sflag:s17] =	ssyncset.done $0x0  }
0x85: {  	s1 =	simm.s32 $0x1500;
	[sflag:s17] =	ssyncadd.s32 $0xFFFFCE00  }
0x86: {  	[spmem:s3] =	stream.indirect.scatter.add.f32 [tilespmem:s12], [sflag:$0x4], $0x80, s1, s9, $0xb8;
	[tilespmem:$0x1F480] =	vst v63  }
0x87: {  	_ =	swait.ge [sflag:s6], $0x3200  }
0x88: {  	[sflag:s6] =	ssyncset.done $0x0  }
0x89: {  	s4 =	simm.s32 $0x680;
	[sflag:s6] =	ssyncadd.s32 $0xFFFFCE00  }
0x8a: {  	[tilespmem:s12], [sflag:$0x2] =	stream.indirect.gather [hbm4b:s2+s9], $0x80, s4, s9, $0xb8;
	[tilespmem:$0x1F480] =	vst v63  }
0x8b: {  	_ =	swait.ge [sflag:s20], $0x3200  }
0x8c: {  	[sflag:s20] =	ssyncset.done $0x0  }
0x8d: {  	s8 =	simm.s32 $0x1580;
	[sflag:s20] =	ssyncadd.s32 $0xFFFFCE00  }
0x8e: {  	[spmem:s3] =	stream.indirect.scatter.add.f32 [tilespmem:s14], [sflag:$0x4], $0x80, s8, s9, $0xb8;
	[tilespmem:$0x1F480] =	vst v63  }
0x8f: {  	_ =	swait.ge [sflag:s6], $0x3200  }
0x90: {  	[sflag:s6] =	ssyncset.done $0x0  }
0x91: {  	s11 =	simm.s32 $0x700;
	[sflag:s6] =	ssyncadd.s32 $0xFFFFCE00  }
0x92: {  	[tilespmem:s14], [sflag:$0x3] =	stream.indirect.gather [hbm4b:s2+s9], $0x80, s11, s9, $0xb8;
	[tilespmem:$0x1F480] =	vst v63  }
0x93: {  	_ =	swait.ge [sflag:s15], $0x3200  }
0x94: {  	[sflag:s15] =	ssyncset.done $0x0  }
0x95: {  	s13 =	simm.s32 $0x1600;
	[sflag:s15] =	ssyncadd.s32 $0xFFFFCE00  }
0x96: {  	[spmem:s3] =	stream.indirect.scatter.add.f32 [tilespmem:s10], [sflag:$0x4], $0x80, s13, s9, $0xb8;
	[tilespmem:$0x1F480] =	vst v63  }
0x97: {  	_ =	swait.ge [sflag:s6], $0x3200  }
0x98: {  	[sflag:s6] =	ssyncset.done $0x0  }
0x99: {  	s16 =	simm.s32 $0x780;
	[sflag:s6] =	ssyncadd.s32 $0xFFFFCE00  }
0x9a: {  	[tilespmem:s10], [sflag:$0x1] =	stream.indirect.gather [hbm4b:s2+s9], $0x80, s16, s9, $0xb8;
	[tilespmem:$0x1F480] =	vst v63  }
0x9b: {  	_ =	swait.ge [sflag:s17], $0x3200  }
0x9c: {  	[sflag:s17] =	ssyncset.done $0x0  }
0x9d: {  	s18 =	simm.s32 $0x1680;
	[sflag:s17] =	ssyncadd.s32 $0xFFFFCE00  }
0x9e: {  	[spmem:s3] =	stream.indirect.scatter.add.f32 [tilespmem:s12], [sflag:$0x4], $0x80, s18, s9, $0xb8;
	[tilespmem:$0x1F480] =	vst v63  }
0x9f: {  	_ =	swait.ge [sflag:s6], $0x3200  }
0xa0: {  	[sflag:s6] =	ssyncset.done $0x0  }
0xa1: {  	s19 =	simm.s32 $0x800;
	[sflag:s6] =	ssyncadd.s32 $0xFFFFCE00  }
0xa2: {  	[tilespmem:s12], [sflag:$0x2] =	stream.indirect.gather [hbm4b:s2+s9], $0x80, s19, s9, $0xb8;
	[tilespmem:$0x1F480] =	vst v63  }
0xa3: {  	_ =	swait.ge [sflag:s20], $0x3200  }
0xa4: {  	[sflag:s20] =	ssyncset.done $0x0  }
0xa5: {  	s21 =	simm.s32 $0x1700;
	[sflag:s20] =	ssyncadd.s32 $0xFFFFCE00  }
0xa6: {  	[spmem:s3] =	stream.indirect.scatter.add.f32 [tilespmem:s14], [sflag:$0x4], $0x80, s21, s9, $0xb8;
	[tilespmem:$0x1F480] =	vst v63  }
0xa7: {  	_ =	swait.ge [sflag:s6], $0x3200  }
0xa8: {  	[sflag:s6] =	ssyncset.done $0x0  }
0xa9: {  	s22 =	simm.s32 $0x880;
	[sflag:s6] =	ssyncadd.s32 $0xFFFFCE00  }
0xaa: {  	[tilespmem:s14], [sflag:$0x3] =	stream.indirect.gather [hbm4b:s2+s9], $0x80, s22, s9, $0xb8;
	[tilespmem:$0x1F480] =	vst v63  }
0xab: {  	_ =	swait.ge [sflag:s15], $0x3200  }
0xac: {  	[sflag:s15] =	ssyncset.done $0x0  }
0xad: {  	s23 =	simm.s32 $0x1780;
	[sflag:s15] =	ssyncadd.s32 $0xFFFFCE00  }
0xae: {  	[spmem:s3] =	stream.indirect.scatter.add.f32 [tilespmem:s10], [sflag:$0x4], $0x80, s23, s9, $0xb8;
	[tilespmem:$0x1F480] =	vst v63  }
0xaf: {  	_ =	swait.ge [sflag:s6], $0x3200  }
0xb0: {  	[sflag:s6] =	ssyncset.done $0x0  }
0xb1: {  	s24 =	simm.s32 $0x900;
	[sflag:s6] =	ssyncadd.s32 $0xFFFFCE00  }
0xb2: {  	[tilespmem:s10], [sflag:$0x1] =	stream.indirect.gather [hbm4b:s2+s9], $0x80, s24, s9, $0xb8;
	[tilespmem:$0x1F480] =	vst v63  }
0xb3: {  	_ =	swait.ge [sflag:s17], $0x3200  }
0xb4: {  	[sflag:s17] =	ssyncset.done $0x0  }
0xb5: {  	s25 =	simm.s32 $0x1800;
	[sflag:s17] =	ssyncadd.s32 $0xFFFFCE00  }
0xb6: {  	[spmem:s3] =	stream.indirect.scatter.add.f32 [tilespmem:s12], [sflag:$0x4], $0x80, s25, s9, $0xb8;
	[tilespmem:$0x1F480] =	vst v63  }
0xb7: {  	_ =	swait.ge [sflag:s6], $0x3200  }
0xb8: {  	[sflag:s6] =	ssyncset.done $0x0  }
0xb9: {  	s26 =	simm.s32 $0x980;
	[sflag:s6] =	ssyncadd.s32 $0xFFFFCE00  }
0xba: {  	[tilespmem:s12], [sflag:$0x2] =	stream.indirect.gather [hbm4b:s2+s9], $0x80, s26, s9, $0xb8;
	[tilespmem:$0x1F480] =	vst v63  }
0xbb: {  	_ =	swait.ge [sflag:s20], $0x3200  }
0xbc: {  	[sflag:s20] =	ssyncset.done $0x0  }
0xbd: {  	s28 =	simm.s32 $0x1880;
	[sflag:s20] =	ssyncadd.s32 $0xFFFFCE00  }
0xbe: {  	[spmem:s3] =	stream.indirect.scatter.add.f32 [tilespmem:s14], [sflag:$0x4], $0x80, s28, s9, $0xb8;
	[tilespmem:$0x1F480] =	vst v63  }
0xbf: {  	_ =	swait.ge [sflag:s6], $0x3200  }
0xc0: {  	[sflag:s6] =	ssyncset.done $0x0  }
0xc1: {  	s1 =	simm.s32 $0xA00;
	[sflag:s6] =	ssyncadd.s32 $0xFFFFCE00  }
0xc2: {  	[tilespmem:s14], [sflag:$0x3] =	stream.indirect.gather [hbm4b:s2+s9], $0x80, s1, s9, $0xb8;
	[tilespmem:$0x1F480] =	vst v63  }
0xc3: {  	_ =	swait.ge [sflag:s15], $0x3200  }
0xc4: {  	[sflag:s15] =	ssyncset.done $0x0  }
0xc5: {  	s4 =	simm.s32 $0x1900;
	[sflag:s15] =	ssyncadd.s32 $0xFFFFCE00  }
0xc6: {  	[spmem:s3] =	stream.indirect.scatter.add.f32 [tilespmem:s10], [sflag:$0x4], $0x80, s4, s9, $0xb8;
	[tilespmem:$0x1F480] =	vst v63  }
0xc7: {  	_ =	swait.ge [sflag:s6], $0x3200  }
0xc8: {  	[sflag:s6] =	ssyncset.done $0x0  }
0xc9: {  	s8 =	simm.s32 $0xA80;
	[sflag:s6] =	ssyncadd.s32 $0xFFFFCE00  }
0xca: {  	[tilespmem:s10], [sflag:$0x1] =	stream.indirect.gather [hbm4b:s2+s9], $0x80, s8, s9, $0xb8;
	[tilespmem:$0x1F480] =	vst v63  }
0xcb: {  	_ =	swait.ge [sflag:s17], $0x3200  }
0xcc: {  	[sflag:s17] =	ssyncset.done $0x0  }
0xcd: {  	s11 =	simm.s32 $0x1980;
	[sflag:s17] =	ssyncadd.s32 $0xFFFFCE00  }
0xce: {  	[spmem:s3] =	stream.indirect.scatter.add.f32 [tilespmem:s12], [sflag:$0x4], $0x80, s11, s9, $0xb8;
	[tilespmem:$0x1F480] =	vst v63  }
0xcf: {  	_ =	swait.ge [sflag:s6], $0x3200  }
0xd0: {  	[sflag:s6] =	ssyncset.done $0x0  }
0xd1: {  	s13 =	simm.s32 $0xB00;
	[sflag:s6] =	ssyncadd.s32 $0xFFFFCE00  }
0xd2: {  	[tilespmem:s12], [sflag:$0x2] =	stream.indirect.gather [hbm4b:s2+s9], $0x80, s13, s9, $0xb8;
	[tilespmem:$0x1F480] =	vst v63  }
0xd3: {  	_ =	swait.ge [sflag:s20], $0x3200  }
0xd4: {  	[sflag:s20] =	ssyncset.done $0x0  }
0xd5: {  	s16 =	simm.s32 $0x1A00;
	[sflag:s20] =	ssyncadd.s32 $0xFFFFCE00  }
0xd6: {  	[spmem:s3] =	stream.indirect.scatter.add.f32 [tilespmem:s14], [sflag:$0x4], $0x80, s16, s9, $0xb8;
	[tilespmem:$0x1F480] =	vst v63  }
0xd7: {  	_ =	swait.ge [sflag:s6], $0x3200  }
0xd8: {  	[sflag:s6] =	ssyncset.done $0x0  }
0xd9: {  	s18 =	simm.s32 $0xB80;
	[sflag:s6] =	ssyncadd.s32 $0xFFFFCE00  }
0xda: {  	[tilespmem:s14], [sflag:$0x3] =	stream.indirect.gather [hbm4b:s2+s9], $0x80, s18, s9, $0xb8;
	[tilespmem:$0x1F480] =	vst v63  }
0xdb: {  	_ =	swait.ge [sflag:s15], $0x3200  }
0xdc: {  	[sflag:s15] =	ssyncset.done $0x0  }
0xdd: {  	s19 =	simm.s32 $0x1A80;
	[sflag:s15] =	ssyncadd.s32 $0xFFFFCE00  }
0xde: {  	[spmem:s3] =	stream.indirect.scatter.add.f32 [tilespmem:s10], [sflag:$0x4], $0x80, s19, s9, $0xb8;
	[tilespmem:$0x1F480] =	vst v63  }
0xdf: {  	_ =	swait.ge [sflag:s6], $0x3200  }
0xe0: {  	[sflag:s6] =	ssyncset.done $0x0  }
0xe1: {  	s21 =	simm.s32 $0xC00;
	[sflag:s6] =	ssyncadd.s32 $0xFFFFCE00  }
0xe2: {  	[tilespmem:s10], [sflag:$0x1] =	stream.indirect.gather [hbm4b:s2+s9], $0x80, s21, s9, $0xb8;
	[tilespmem:$0x1F480] =	vst v63  }
0xe3: {  	_ =	swait.ge [sflag:s17], $0x3200  }
0xe4: {  	[sflag:s17] =	ssyncset.done $0x0  }
0xe5: {  	s22 =	simm.s32 $0x1B00;
	[sflag:s17] =	ssyncadd.s32 $0xFFFFCE00  }
0xe6: {  	[spmem:s3] =	stream.indirect.scatter.add.f32 [tilespmem:s12], [sflag:$0x4], $0x80, s22, s9, $0xb8;
	[tilespmem:$0x1F480] =	vst v63  }
0xe7: {  	_ =	swait.ge [sflag:s6], $0x3200  }
0xe8: {  	[sflag:s6] =	ssyncset.done $0x0  }
0xe9: {  	[sflag:s6] =	ssyncadd.s32 $0xFFFFCE00  }
0xea: {  	_ =	swait.ge [sflag:s20], $0x3200  }
0xeb: {  	[sflag:s20] =	ssyncset.done $0x0  }
0xec: {  	s23 =	simm.s32 $0x1B80;
	[sflag:s20] =	ssyncadd.s32 $0xFFFFCE00  }
0xed: {  	[spmem:s3] =	stream.indirect.scatter.add.f32 [tilespmem:s14], [sflag:$0x4], $0x80, s23, s9, $0xb8;
	[tilespmem:$0x1F480] =	vst v63  }
0xee: {  	_ =	swait.ge [sflag:s6], $0x3200  }
0xef: {  	[sflag:s6] =	ssyncset.done $0x0  }
0xf0: {  	[sflag:s6] =	ssyncadd.s32 $0xFFFFCE00  }
0xf1: {  	_ =	swait.ge [sflag:s15], $0x3200  }
0xf2: {  	[sflag:s15] =	ssyncset.done $0x0  }
0xf3: {  	s24 =	simm.s32 $0x1C00;
	[sflag:s15] =	ssyncadd.s32 $0xFFFFCE00  }
0xf4: {  	[spmem:s3] =	stream.indirect.scatter.add.f32 [tilespmem:s10], [sflag:$0x4], $0x80, s24, s9, $0xb8;
	[tilespmem:$0x1F480] =	vst v63  }
0xf5: {  	_ =	swait.ge [sflag:s6], $0x3200  }
0xf6: {  	[sflag:s6] =	ssyncset.done $0x0  }
0xf7: {  	s25 =	rddreg [dreg:$0xb];
	[sflag:s6] =	ssyncadd.s32 $0xFFFFCE00  }
0xf8: {  	[tilespmem:s29], [sflag:$0x4] =	stream.linear.gather [hbm4b:s25+s29], $0xC80, $0x38;
	[tilespmem:$0x1F480] =	vst v63  }
0xf9: {  	_ =	swait.ge [sflag:s6], $0xC80  }
0xfa: {  	[sflag:s6] =	ssyncset.done $0x0  }
0xfb: {  	s5 =	simm.s32 $0x1000;
	s26 =	rddreg [dreg:$0xc];
	[sflag:s6] =	ssyncadd.s32 $0xFFFFF380  }
0xfc: {  	[tilespmem:s5], [sflag:$0x4] =	stream.linear.gather [hbm4b:s26+s29], $0xC80, $0x38;
	[tilespmem:$0x1F480] =	vst v63  }
0xfd: {  	_ =	swait.ge [sflag:s6], $0xC80  }
0xfe: {  	[sflag:s6] =	ssyncset.done $0x0  }
0xff: {  	[sflag:s6] =	ssyncadd.s32 $0xFFFFF380  }
0x100: {  	[tilespmem:s10], [sflag:$0x1] =	stream.indirect.gather [hbm4b:s2+s9], $0x80, s29, s9, $0xb8;
	[tilespmem:$0x1F480] =	vst v63  }
0x101: {  	s28 =	simm.s32 $0x80  }
0x102: {  	[tilespmem:s12], [sflag:$0x2] =	stream.indirect.gather [hbm4b:s2+s9], $0x80, s28, s9, $0xb8;
	[tilespmem:$0x1F480] =	vst v63  }
0x103: {  	s4 =	simm.s32 $0x100  }
0x104: {  	[tilespmem:s14], [sflag:$0x3] =	stream.indirect.gather [hbm4b:s2+s9], $0x80, s4, s9, $0xb8;
	[tilespmem:$0x1F480] =	vst v63  }
0x105: {  	_ =	swait.ge [sflag:s15], $0x3200  }
0x106: {  	[sflag:s15] =	ssyncset.done $0x0  }
0x107: {  	[sflag:s15] =	ssyncadd.s32 $0xFFFFCE00  }
0x108: {  	[spmem:s3] =	stream.indirect.scatter.add.f32 [tilespmem:s10], [sflag:$0x4], $0x80, s5, s9, $0xb8;
	[tilespmem:$0x1F480] =	vst v63  }
0x109: {  	_ =	swait.ge [sflag:s6], $0x3200  }
0x10a: {  	[sflag:s6] =	ssyncset.done $0x0  }
0x10b: {  	s5 =	simm.s32 $0x180;
	[sflag:s6] =	ssyncadd.s32 $0xFFFFCE00  }
0x10c: {  	[tilespmem:s10], [sflag:$0x1] =	stream.indirect.gather [hbm4b:s2+s9], $0x80, s5, s9, $0xb8;
	[tilespmem:$0x1F480] =	vst v63  }
0x10d: {  	_ =	swait.ge [sflag:s17], $0x3200  }
0x10e: {  	[sflag:s17] =	ssyncset.done $0x0  }
0x10f: {  	s8 =	simm.s32 $0x1080;
	[sflag:s17] =	ssyncadd.s32 $0xFFFFCE00  }
0x110: {  	[spmem:s3] =	stream.indirect.scatter.add.f32 [tilespmem:s12], [sflag:$0x4], $0x80, s8, s9, $0xb8;
	[tilespmem:$0x1F480] =	vst v63  }
0x111: {  	_ =	swait.ge [sflag:s6], $0x3200  }
0x112: {  	[sflag:s6] =	ssyncset.done $0x0  }
0x113: {  	s11 =	simm.s32 $0x200;
	[sflag:s6] =	ssyncadd.s32 $0xFFFFCE00  }
0x114: {  	[tilespmem:s12], [sflag:$0x2] =	stream.indirect.gather [hbm4b:s2+s9], $0x80, s11, s9, $0xb8;
	[tilespmem:$0x1F480] =	vst v63  }
0x115: {  	_ =	swait.ge [sflag:s20], $0x3200  }
0x116: {  	[sflag:s20] =	ssyncset.done $0x0  }
0x117: {  	s13 =	simm.s32 $0x1100;
	[sflag:s20] =	ssyncadd.s32 $0xFFFFCE00  }
0x118: {  	[spmem:s3] =	stream.indirect.scatter.add.f32 [tilespmem:s14], [sflag:$0x4], $0x80, s13, s9, $0xb8;
	[tilespmem:$0x1F480] =	vst v63  }
0x119: {  	_ =	swait.ge [sflag:s6], $0x3200  }
0x11a: {  	[sflag:s6] =	ssyncset.done $0x0  }
0x11b: {  	s16 =	simm.s32 $0x280;
	[sflag:s6] =	ssyncadd.s32 $0xFFFFCE00  }
0x11c: {  	[tilespmem:s14], [sflag:$0x3] =	stream.indirect.gather [hbm4b:s2+s9], $0x80, s16, s9, $0xb8;
	[tilespmem:$0x1F480] =	vst v63  }
0x11d: {  	_ =	swait.ge [sflag:s15], $0x3200  }
0x11e: {  	[sflag:s15] =	ssyncset.done $0x0  }
0x11f: {  	s18 =	simm.s32 $0x1180;
	[sflag:s15] =	ssyncadd.s32 $0xFFFFCE00  }
0x120: {  	[spmem:s3] =	stream.indirect.scatter.add.f32 [tilespmem:s10], [sflag:$0x4], $0x80, s18, s9, $0xb8;
	[tilespmem:$0x1F480] =	vst v63  }
0x121: {  	_ =	swait.ge [sflag:s6], $0x3200  }
0x122: {  	[sflag:s6] =	ssyncset.done $0x0  }
0x123: {  	s19 =	simm.s32 $0x300;
	[sflag:s6] =	ssyncadd.s32 $0xFFFFCE00  }
0x124: {  	[tilespmem:s10], [sflag:$0x1] =	stream.indirect.gather [hbm4b:s2+s9], $0x80, s19, s9, $0xb8;
	[tilespmem:$0x1F480] =	vst v63  }
0x125: {  	_ =	swait.ge [sflag:s17], $0x3200  }
0x126: {  	[sflag:s17] =	ssyncset.done $0x0  }
0x127: {  	s21 =	simm.s32 $0x1200;
	[sflag:s17] =	ssyncadd.s32 $0xFFFFCE00  }
0x128: {  	[spmem:s3] =	stream.indirect.scatter.add.f32 [tilespmem:s12], [sflag:$0x4], $0x80, s21, s9, $0xb8;
	[tilespmem:$0x1F480] =	vst v63  }
0x129: {  	_ =	swait.ge [sflag:s6], $0x3200  }
0x12a: {  	[sflag:s6] =	ssyncset.done $0x0  }
0x12b: {  	s22 =	simm.s32 $0x380;
	[sflag:s6] =	ssyncadd.s32 $0xFFFFCE00  }
0x12c: {  	[tilespmem:s12], [sflag:$0x2] =	stream.indirect.gather [hbm4b:s2+s9], $0x80, s22, s9, $0xb8;
	[tilespmem:$0x1F480] =	vst v63  }
0x12d: {  	_ =	swait.ge [sflag:s20], $0x3200  }
0x12e: {  	[sflag:s20] =	ssyncset.done $0x0  }
0x12f: {  	s23 =	simm.s32 $0x1280;
	[sflag:s20] =	ssyncadd.s32 $0xFFFFCE00  }
0x130: {  	[spmem:s3] =	stream.indirect.scatter.add.f32 [tilespmem:s14], [sflag:$0x4], $0x80, s23, s9, $0xb8;
	[tilespmem:$0x1F480] =	vst v63  }
0x131: {  	_ =	swait.ge [sflag:s6], $0x3200  }
0x132: {  	[sflag:s6] =	ssyncset.done $0x0  }
0x133: {  	s24 =	simm.s32 $0x400;
	[sflag:s6] =	ssyncadd.s32 $0xFFFFCE00  }
0x134: {  	[tilespmem:s14], [sflag:$0x3] =	stream.indirect.gather [hbm4b:s2+s9], $0x80, s24, s9, $0xb8;
	[tilespmem:$0x1F480] =	vst v63  }
0x135: {  	_ =	swait.ge [sflag:s15], $0x3200  }
0x136: {  	[sflag:s15] =	ssyncset.done $0x0  }
0x137: {  	s25 =	simm.s32 $0x1300;
	[sflag:s15] =	ssyncadd.s32 $0xFFFFCE00  }
0x138: {  	[spmem:s3] =	stream.indirect.scatter.add.f32 [tilespmem:s10], [sflag:$0x4], $0x80, s25, s9, $0xb8;
	[tilespmem:$0x1F480] =	vst v63  }
0x139: {  	_ =	swait.ge [sflag:s6], $0x3200  }
0x13a: {  	[sflag:s6] =	ssyncset.done $0x0  }
0x13b: {  	s26 =	simm.s32 $0x480;
	[sflag:s6] =	ssyncadd.s32 $0xFFFFCE00  }
0x13c: {  	[tilespmem:s10], [sflag:$0x1] =	stream.indirect.gather [hbm4b:s2+s9], $0x80, s26, s9, $0xb8;
	[tilespmem:$0x1F480] =	vst v63  }
0x13d: {  	_ =	swait.ge [sflag:s17], $0x3200  }
0x13e: {  	[sflag:s17] =	ssyncset.done $0x0  }
0x13f: {  	s28 =	simm.s32 $0x1380;
	[sflag:s17] =	ssyncadd.s32 $0xFFFFCE00  }
0x140: {  	[spmem:s3] =	stream.indirect.scatter.add.f32 [tilespmem:s12], [sflag:$0x4], $0x80, s28, s9, $0xb8;
	[tilespmem:$0x1F480] =	vst v63  }
0x141: {  	_ =	swait.ge [sflag:s6], $0x3200  }
0x142: {  	[sflag:s6] =	ssyncset.done $0x0  }
0x143: {  	s31 =	simm.s32 $0x500;
	[sflag:s6] =	ssyncadd.s32 $0xFFFFCE00  }
0x144: {  	[tilespmem:s12], [sflag:$0x2] =	stream.indirect.gather [hbm4b:s2+s9], $0x80, s31, s9, $0xb8;
	[tilespmem:$0x1F480] =	vst v63  }
0x145: {  	_ =	swait.ge [sflag:s20], $0x3200  }
0x146: {  	[sflag:s20] =	ssyncset.done $0x0  }
0x147: {  	s0 =	simm.s32 $0x1400;
	[sflag:s20] =	ssyncadd.s32 $0xFFFFCE00  }
0x148: {  	[spmem:s3] =	stream.indirect.scatter.add.f32 [tilespmem:s14], [sflag:$0x4], $0x80, s0, s9, $0xb8;
	[tilespmem:$0x1F480] =	vst v63  }
0x149: {  	_ =	swait.ge [sflag:s6], $0x3200  }
0x14a: {  	[sflag:s6] =	ssyncset.done $0x0  }
0x14b: {  	s0 =	simm.s32 $0x580;
	[sflag:s6] =	ssyncadd.s32 $0xFFFFCE00  }
0x14c: {  	[tilespmem:s14], [sflag:$0x3] =	stream.indirect.gather [hbm4b:s2+s9], $0x80, s0, s9, $0xb8;
	[tilespmem:$0x1F480] =	vst v63  }
0x14d: {  	_ =	swait.ge [sflag:s15], $0x3200  }
0x14e: {  	[sflag:s15] =	ssyncset.done $0x0  }
0x14f: {  	s0 =	simm.s32 $0x1480;
	[sflag:s15] =	ssyncadd.s32 $0xFFFFCE00  }
0x150: {  	[spmem:s3] =	stream.indirect.scatter.add.f32 [tilespmem:s10], [sflag:$0x4], $0x80, s0, s9, $0xb8;
	[tilespmem:$0x1F480] =	vst v63  }
0x151: {  	_ =	swait.ge [sflag:s6], $0x3200  }
0x152: {  	[sflag:s6] =	ssyncset.done $0x0  }
0x153: {  	s0 =	simm.s32 $0x600;
	[sflag:s6] =	ssyncadd.s32 $0xFFFFCE00  }
0x154: {  	[tilespmem:s10], [sflag:$0x1] =	stream.indirect.gather [hbm4b:s2+s9], $0x80, s0, s9, $0xb8;
	[tilespmem:$0x1F480] =	vst v63  }
0x155: {  	_ =	swait.ge [sflag:s17], $0x3200  }
0x156: {  	[sflag:s17] =	ssyncset.done $0x0  }
0x157: {  	s0 =	simm.s32 $0x1500;
	[sflag:s17] =	ssyncadd.s32 $0xFFFFCE00  }
0x158: {  	[spmem:s3] =	stream.indirect.scatter.add.f32 [tilespmem:s12], [sflag:$0x4], $0x80, s0, s9, $0xb8;
	[tilespmem:$0x1F480] =	vst v63  }
0x159: {  	_ =	swait.ge [sflag:s6], $0x3200  }
0x15a: {  	[sflag:s6] =	ssyncset.done $0x0  }
0x15b: {  	s0 =	simm.s32 $0x680;
	[sflag:s6] =	ssyncadd.s32 $0xFFFFCE00  }
0x15c: {  	[tilespmem:s12], [sflag:$0x2] =	stream.indirect.gather [hbm4b:s2+s9], $0x80, s0, s9, $0xb8;
	[tilespmem:$0x1F480] =	vst v63  }
0x15d: {  	_ =	swait.ge [sflag:s20], $0x3200  }
0x15e: {  	[sflag:s20] =	ssyncset.done $0x0  }
0x15f: {  	s0 =	simm.s32 $0x1580;
	[sflag:s20] =	ssyncadd.s32 $0xFFFFCE00  }
0x160: {  	[spmem:s3] =	stream.indirect.scatter.add.f32 [tilespmem:s14], [sflag:$0x4], $0x80, s0, s9, $0xb8;
	[tilespmem:$0x1F480] =	vst v63  }
0x161: {  	_ =	swait.ge [sflag:s6], $0x3200  }
0x162: {  	[sflag:s6] =	ssyncset.done $0x0  }
0x163: {  	s0 =	simm.s32 $0x700;
	[sflag:s6] =	ssyncadd.s32 $0xFFFFCE00  }
0x164: {  	[tilespmem:s14], [sflag:$0x3] =	stream.indirect.gather [hbm4b:s2+s9], $0x80, s0, s9, $0xb8;
	[tilespmem:$0x1F480] =	vst v63  }
0x165: {  	_ =	swait.ge [sflag:s15], $0x3200  }
0x166: {  	[sflag:s15] =	ssyncset.done $0x0  }
0x167: {  	s0 =	simm.s32 $0x1600;
	[sflag:s15] =	ssyncadd.s32 $0xFFFFCE00  }
0x168: {  	[spmem:s3] =	stream.indirect.scatter.add.f32 [tilespmem:s10], [sflag:$0x4], $0x80, s0, s9, $0xb8;
	[tilespmem:$0x1F480] =	vst v63  }
0x169: {  	_ =	swait.ge [sflag:s6], $0x3200  }
0x16a: {  	[sflag:s6] =	ssyncset.done $0x0  }
0x16b: {  	s0 =	simm.s32 $0x780;
	[sflag:s6] =	ssyncadd.s32 $0xFFFFCE00  }
0x16c: {  	[tilespmem:s10], [sflag:$0x1] =	stream.indirect.gather [hbm4b:s2+s9], $0x80, s0, s9, $0xb8;
	[tilespmem:$0x1F480] =	vst v63  }
0x16d: {  	_ =	swait.ge [sflag:s17], $0x3200  }
0x16e: {  	[sflag:s17] =	ssyncset.done $0x0  }
0x16f: {  	s0 =	simm.s32 $0x1680;
	[sflag:s17] =	ssyncadd.s32 $0xFFFFCE00  }
0x170: {  	[spmem:s3] =	stream.indirect.scatter.add.f32 [tilespmem:s12], [sflag:$0x4], $0x80, s0, s9, $0xb8;
	[tilespmem:$0x1F480] =	vst v63  }
0x171: {  	_ =	swait.ge [sflag:s6], $0x3200  }
0x172: {  	[sflag:s6] =	ssyncset.done $0x0  }
0x173: {  	s0 =	simm.s32 $0x800;
	[sflag:s6] =	ssyncadd.s32 $0xFFFFCE00  }
0x174: {  	[tilespmem:s12], [sflag:$0x2] =	stream.indirect.gather [hbm4b:s2+s9], $0x80, s0, s9, $0xb8;
	[tilespmem:$0x1F480] =	vst v63  }
0x175: {  	_ =	swait.ge [sflag:s20], $0x3200  }
0x176: {  	[sflag:s20] =	ssyncset.done $0x0  }
0x177: {  	s0 =	simm.s32 $0x1700;
	[sflag:s20] =	ssyncadd.s32 $0xFFFFCE00  }
0x178: {  	[spmem:s3] =	stream.indirect.scatter.add.f32 [tilespmem:s14], [sflag:$0x4], $0x80, s0, s9, $0xb8;
	[tilespmem:$0x1F480] =	vst v63  }
0x179: {  	_ =	swait.ge [sflag:s6], $0x3200  }
0x17a: {  	[sflag:s6] =	ssyncset.done $0x0  }
0x17b: {  	s0 =	simm.s32 $0x880;
	[sflag:s6] =	ssyncadd.s32 $0xFFFFCE00  }
0x17c: {  	[tilespmem:s14], [sflag:$0x3] =	stream.indirect.gather [hbm4b:s2+s9], $0x80, s0, s9, $0xb8;
	[tilespmem:$0x1F480] =	vst v63  }
0x17d: {  	_ =	swait.ge [sflag:s15], $0x3200  }
0x17e: {  	[sflag:s15] =	ssyncset.done $0x0  }
0x17f: {  	s0 =	simm.s32 $0x1780;
	[sflag:s15] =	ssyncadd.s32 $0xFFFFCE00  }
0x180: {  	[spmem:s3] =	stream.indirect.scatter.add.f32 [tilespmem:s10], [sflag:$0x4], $0x80, s0, s9, $0xb8;
	[tilespmem:$0x1F480] =	vst v63  }
0x181: {  	_ =	swait.ge [sflag:s6], $0x3200  }
0x182: {  	[sflag:s6] =	ssyncset.done $0x0  }
0x183: {  	s0 =	simm.s32 $0x900;
	[sflag:s6] =	ssyncadd.s32 $0xFFFFCE00  }
0x184: {  	[tilespmem:s10], [sflag:$0x1] =	stream.indirect.gather [hbm4b:s2+s9], $0x80, s0, s9, $0xb8;
	[tilespmem:$0x1F480] =	vst v63  }
0x185: {  	_ =	swait.ge [sflag:s17], $0x3200  }
0x186: {  	[sflag:s17] =	ssyncset.done $0x0  }
0x187: {  	s0 =	simm.s32 $0x1800;
	[sflag:s17] =	ssyncadd.s32 $0xFFFFCE00  }
0x188: {  	[spmem:s3] =	stream.indirect.scatter.add.f32 [tilespmem:s12], [sflag:$0x4], $0x80, s0, s9, $0xb8;
	[tilespmem:$0x1F480] =	vst v63  }
0x189: {  	_ =	swait.ge [sflag:s6], $0x3200  }
0x18a: {  	[sflag:s6] =	ssyncset.done $0x0  }
0x18b: {  	s0 =	simm.s32 $0x980;
	[sflag:s6] =	ssyncadd.s32 $0xFFFFCE00  }
0x18c: {  	[tilespmem:s12], [sflag:$0x2] =	stream.indirect.gather [hbm4b:s2+s9], $0x80, s0, s9, $0xb8;
	[tilespmem:$0x1F480] =	vst v63  }
0x18d: {  	_ =	swait.ge [sflag:s20], $0x3200  }
0x18e: {  	[sflag:s20] =	ssyncset.done $0x0  }
0x18f: {  	s0 =	simm.s32 $0x1880;
	[sflag:s20] =	ssyncadd.s32 $0xFFFFCE00  }
0x190: {  	[spmem:s3] =	stream.indirect.scatter.add.f32 [tilespmem:s14], [sflag:$0x4], $0x80, s0, s9, $0xb8;
	[tilespmem:$0x1F480] =	vst v63  }
0x191: {  	_ =	swait.ge [sflag:s6], $0x3200  }
0x192: {  	[sflag:s6] =	ssyncset.done $0x0  }
0x193: {  	s0 =	simm.s32 $0xA00;
	[sflag:s6] =	ssyncadd.s32 $0xFFFFCE00  }
0x194: {  	[tilespmem:s14], [sflag:$0x3] =	stream.indirect.gather [hbm4b:s2+s9], $0x80, s0, s9, $0xb8;
	[tilespmem:$0x1F480] =	vst v63  }
0x195: {  	_ =	swait.ge [sflag:s15], $0x3200  }
0x196: {  	[sflag:s15] =	ssyncset.done $0x0  }
0x197: {  	s0 =	simm.s32 $0x1900;
	[sflag:s15] =	ssyncadd.s32 $0xFFFFCE00  }
0x198: {  	[spmem:s3] =	stream.indirect.scatter.add.f32 [tilespmem:s10], [sflag:$0x4], $0x80, s0, s9, $0xb8;
	[tilespmem:$0x1F480] =	vst v63  }
0x199: {  	_ =	swait.ge [sflag:s6], $0x3200  }
0x19a: {  	[sflag:s6] =	ssyncset.done $0x0  }
0x19b: {  	s0 =	simm.s32 $0xA80;
	[sflag:s6] =	ssyncadd.s32 $0xFFFFCE00  }
0x19c: {  	[tilespmem:s10], [sflag:$0x1] =	stream.indirect.gather [hbm4b:s2+s9], $0x80, s0, s9, $0xb8;
	[tilespmem:$0x1F480] =	vst v63  }
0x19d: {  	_ =	swait.ge [sflag:s17], $0x3200  }
0x19e: {  	[sflag:s17] =	ssyncset.done $0x0  }
0x19f: {  	s0 =	simm.s32 $0x1980;
	[sflag:s17] =	ssyncadd.s32 $0xFFFFCE00  }
0x1a0: {  	[spmem:s3] =	stream.indirect.scatter.add.f32 [tilespmem:s12], [sflag:$0x4], $0x80, s0, s9, $0xb8;
	[tilespmem:$0x1F480] =	vst v63  }
0x1a1: {  	_ =	swait.ge [sflag:s6], $0x3200  }
0x1a2: {  	[sflag:s6] =	ssyncset.done $0x0  }
0x1a3: {  	s0 =	simm.s32 $0xB00;
	[sflag:s6] =	ssyncadd.s32 $0xFFFFCE00  }
0x1a4: {  	[tilespmem:s12], [sflag:$0x2] =	stream.indirect.gather [hbm4b:s2+s9], $0x80, s0, s9, $0xb8;
	[tilespmem:$0x1F480] =	vst v63  }
0x1a5: {  	_ =	swait.ge [sflag:s20], $0x3200  }
0x1a6: {  	[sflag:s20] =	ssyncset.done $0x0  }
0x1a7: {  	s0 =	simm.s32 $0x1A00;
	[sflag:s20] =	ssyncadd.s32 $0xFFFFCE00  }
0x1a8: {  	[spmem:s3] =	stream.indirect.scatter.add.f32 [tilespmem:s14], [sflag:$0x4], $0x80, s0, s9, $0xb8;
	[tilespmem:$0x1F480] =	vst v63  }
0x1a9: {  	_ =	swait.ge [sflag:s6], $0x3200  }
0x1aa: {  	[sflag:s6] =	ssyncset.done $0x0  }
0x1ab: {  	s0 =	simm.s32 $0xB80;
	[sflag:s6] =	ssyncadd.s32 $0xFFFFCE00  }
0x1ac: {  	[tilespmem:s14], [sflag:$0x3] =	stream.indirect.gather [hbm4b:s2+s9], $0x80, s0, s9, $0xb8;
	[tilespmem:$0x1F480] =	vst v63  }
0x1ad: {  	_ =	swait.ge [sflag:s15], $0x3200  }
0x1ae: {  	[sflag:s15] =	ssyncset.done $0x0  }
0x1af: {  	s0 =	simm.s32 $0x1A80;
	[sflag:s15] =	ssyncadd.s32 $0xFFFFCE00  }
0x1b0: {  	[spmem:s3] =	stream.indirect.scatter.add.f32 [tilespmem:s10], [sflag:$0x4], $0x80, s0, s9, $0xb8;
	[tilespmem:$0x1F480] =	vst v63  }
0x1b1: {  	_ =	swait.ge [sflag:s6], $0x3200  }
0x1b2: {  	[sflag:s6] =	ssyncset.done $0x0  }
0x1b3: {  	s0 =	simm.s32 $0xC00;
	[sflag:s6] =	ssyncadd.s32 $0xFFFFCE00  }
0x1b4: {  	[tilespmem:s10], [sflag:$0x1] =	stream.indirect.gather [hbm4b:s2+s9], $0x80, s0, s9, $0xb8;
	[tilespmem:$0x1F480] =	vst v63  }
0x1b5: {  	_ =	swait.ge [sflag:s17], $0x3200  }
0x1b6: {  	[sflag:s17] =	ssyncset.done $0x0  }
0x1b7: {  	s0 =	simm.s32 $0x1B00;
	[sflag:s17] =	ssyncadd.s32 $0xFFFFCE00  }
0x1b8: {  	[spmem:s3] =	stream.indirect.scatter.add.f32 [tilespmem:s12], [sflag:$0x4], $0x80, s0, s9, $0xb8;
	[tilespmem:$0x1F480] =	vst v63  }
0x1b9: {  	_ =	swait.ge [sflag:s6], $0x3200  }
0x1ba: {  	[sflag:s6] =	ssyncset.done $0x0  }
0x1bb: {  	[sflag:s6] =	ssyncadd.s32 $0xFFFFCE00  }
0x1bc: {  	_ =	swait.ge [sflag:s20], $0x3200  }
0x1bd: {  	[sflag:s20] =	ssyncset.done $0x0  }
0x1be: {  	s0 =	simm.s32 $0x1B80;
	[sflag:s20] =	ssyncadd.s32 $0xFFFFCE00  }
0x1bf: {  	[spmem:s3] =	stream.indirect.scatter.add.f32 [tilespmem:s14], [sflag:$0x4], $0x80, s0, s9, $0xb8;
	[tilespmem:$0x1F480] =	vst v63  }
0x1c0: {  	_ =	swait.ge [sflag:s6], $0x3200  }
0x1c1: {  	[sflag:s6] =	ssyncset.done $0x0  }
0x1c2: {  	[sflag:s6] =	ssyncadd.s32 $0xFFFFCE00  }
0x1c3: {  	_ =	swait.ge [sflag:s15], $0x3200  }
0x1c4: {  	[sflag:s15] =	ssyncset.done $0x0  }
0x1c5: {  	s1 =	simm.s32 $0x1C00;
	[sflag:s15] =	ssyncadd.s32 $0xFFFFCE00  }
0x1c6: {  	[spmem:s3] =	stream.indirect.scatter.add.f32 [tilespmem:s10], [sflag:$0x4], $0x80, s1, s9, $0xb8;
	[tilespmem:$0x1F480] =	vst v63  }
0x1c7: {  	_ =	swait.ge [sflag:s6], $0x3200  }
0x1c8: {  	[sflag:s6] =	ssyncset.done $0x0  }
0x1c9: {  	s1 =	rddreg [dreg:$0xd];
	[sflag:s6] =	ssyncadd.s32 $0xFFFFCE00  }
0x1ca: {  	[tilespmem:s29], [sflag:$0x4] =	stream.linear.gather [hbm4b:s1+s29], $0xC80, $0x38;
	[tilespmem:$0x1F480] =	vst v63  }
0x1cb: {  	_ =	swait.ge [sflag:s6], $0xC80  }
0x1cc: {  	[sflag:s6] =	ssyncset.done $0x0  }
0x1cd: {  	s1 =	simm.s32 $0x1000;
	s0 =	rddreg [dreg:$0xe];
	[sflag:s6] =	ssyncadd.s32 $0xFFFFF380  }
0x1ce: {  	[tilespmem:s1], [sflag:$0x4] =	stream.linear.gather [hbm4b:s0+s29], $0xC80, $0x38;
	[tilespmem:$0x1F480] =	vst v63  }
0x1cf: {  	_ =	swait.ge [sflag:s6], $0xC80  }
0x1d0: {  	[sflag:s6] =	ssyncset.done $0x0  }
0x1d1: {  	[sflag:s6] =	ssyncadd.s32 $0xFFFFF380  }
0x1d2: {  	[tilespmem:s10], [sflag:$0x1] =	stream.indirect.gather [hbm4b:s2+s9], $0x80, s29, s9, $0xb8;
	[tilespmem:$0x1F480] =	vst v63  }
0x1d3: {  	s0 =	simm.s32 $0x80  }
0x1d4: {  	[tilespmem:s12], [sflag:$0x2] =	stream.indirect.gather [hbm4b:s2+s9], $0x80, s0, s9, $0xb8;
	[tilespmem:$0x1F480] =	vst v63  }
0x1d5: {  	_ = 	snop  }
0x1d6: {  	[tilespmem:s14], [sflag:$0x3] =	stream.indirect.gather [hbm4b:s2+s9], $0x80, s4, s9, $0xb8;
	[tilespmem:$0x1F480] =	vst v63  }
0x1d7: {  	_ =	swait.ge [sflag:s15], $0x3200  }
0x1d8: {  	[sflag:s15] =	ssyncset.done $0x0  }
0x1d9: {  	[sflag:s15] =	ssyncadd.s32 $0xFFFFCE00  }
0x1da: {  	[spmem:s3] =	stream.indirect.scatter.add.f32 [tilespmem:s10], [sflag:$0x4], $0x80, s1, s9, $0xb8;
	[tilespmem:$0x1F480] =	vst v63  }
0x1db: {  	_ =	swait.ge [sflag:s6], $0x3200  }
0x1dc: {  	[sflag:s6] =	ssyncset.done $0x0  }
0x1dd: {  	[sflag:s6] =	ssyncadd.s32 $0xFFFFCE00  }
0x1de: {  	[tilespmem:s10], [sflag:$0x1] =	stream.indirect.gather [hbm4b:s2+s9], $0x80, s5, s9, $0xb8;
	[tilespmem:$0x1F480] =	vst v63  }
0x1df: {  	_ =	swait.ge [sflag:s17], $0x3200  }
0x1e0: {  	[sflag:s17] =	ssyncset.done $0x0  }
0x1e1: {  	[sflag:s17] =	ssyncadd.s32 $0xFFFFCE00  }
0x1e2: {  	[spmem:s3] =	stream.indirect.scatter.add.f32 [tilespmem:s12], [sflag:$0x4], $0x80, s8, s9, $0xb8;
	[tilespmem:$0x1F480] =	vst v63  }
0x1e3: {  	_ =	swait.ge [sflag:s6], $0x3200  }
0x1e4: {  	[sflag:s6] =	ssyncset.done $0x0  }
0x1e5: {  	[sflag:s6] =	ssyncadd.s32 $0xFFFFCE00  }
0x1e6: {  	[tilespmem:s12], [sflag:$0x2] =	stream.indirect.gather [hbm4b:s2+s9], $0x80, s11, s9, $0xb8;
	[tilespmem:$0x1F480] =	vst v63  }
0x1e7: {  	_ =	swait.ge [sflag:s20], $0x3200  }
0x1e8: {  	[sflag:s20] =	ssyncset.done $0x0  }
0x1e9: {  	[sflag:s20] =	ssyncadd.s32 $0xFFFFCE00  }
0x1ea: {  	[spmem:s3] =	stream.indirect.scatter.add.f32 [tilespmem:s14], [sflag:$0x4], $0x80, s13, s9, $0xb8;
	[tilespmem:$0x1F480] =	vst v63  }
0x1eb: {  	_ =	swait.ge [sflag:s6], $0x3200  }
0x1ec: {  	[sflag:s6] =	ssyncset.done $0x0  }
0x1ed: {  	[sflag:s6] =	ssyncadd.s32 $0xFFFFCE00  }
0x1ee: {  	[tilespmem:s14], [sflag:$0x3] =	stream.indirect.gather [hbm4b:s2+s9], $0x80, s16, s9, $0xb8;
	[tilespmem:$0x1F480] =	vst v63  }
0x1ef: {  	_ =	swait.ge [sflag:s15], $0x3200  }
0x1f0: {  	[sflag:s15] =	ssyncset.done $0x0  }
0x1f1: {  	[sflag:s15] =	ssyncadd.s32 $0xFFFFCE00  }
0x1f2: {  	[spmem:s3] =	stream.indirect.scatter.add.f32 [tilespmem:s10], [sflag:$0x4], $0x80, s18, s9, $0xb8;
	[tilespmem:$0x1F480] =	vst v63  }
0x1f3: {  	_ =	swait.ge [sflag:s6], $0x3200  }
0x1f4: {  	[sflag:s6] =	ssyncset.done $0x0  }
0x1f5: {  	[sflag:s6] =	ssyncadd.s32 $0xFFFFCE00  }
0x1f6: {  	[tilespmem:s10], [sflag:$0x1] =	stream.indirect.gather [hbm4b:s2+s9], $0x80, s19, s9, $0xb8;
	[tilespmem:$0x1F480] =	vst v63  }
0x1f7: {  	_ =	swait.ge [sflag:s17], $0x3200  }
0x1f8: {  	[sflag:s17] =	ssyncset.done $0x0  }
0x1f9: {  	[sflag:s17] =	ssyncadd.s32 $0xFFFFCE00  }
0x1fa: {  	[spmem:s3] =	stream.indirect.scatter.add.f32 [tilespmem:s12], [sflag:$0x4], $0x80, s21, s9, $0xb8;
	[tilespmem:$0x1F480] =	vst v63  }
0x1fb: {  	_ =	swait.ge [sflag:s6], $0x3200  }
0x1fc: {  	[sflag:s6] =	ssyncset.done $0x0  }
0x1fd: {  	[sflag:s6] =	ssyncadd.s32 $0xFFFFCE00  }
0x1fe: {  	[tilespmem:s12], [sflag:$0x2] =	stream.indirect.gather [hbm4b:s2+s9], $0x80, s22, s9, $0xb8;
	[tilespmem:$0x1F480] =	vst v63  }
0x1ff: {  	_ =	swait.ge [sflag:s20], $0x3200  }
0x200: {  	[sflag:s20] =	ssyncset.done $0x0  }
0x201: {  	[sflag:s20] =	ssyncadd.s32 $0xFFFFCE00  }
0x202: {  	[spmem:s3] =	stream.indirect.scatter.add.f32 [tilespmem:s14], [sflag:$0x4], $0x80, s23, s9, $0xb8;
	[tilespmem:$0x1F480] =	vst v63  }
0x203: {  	_ =	swait.ge [sflag:s6], $0x3200  }
0x204: {  	[sflag:s6] =	ssyncset.done $0x0  }
0x205: {  	[sflag:s6] =	ssyncadd.s32 $0xFFFFCE00  }
0x206: {  	[tilespmem:s14], [sflag:$0x3] =	stream.indirect.gather [hbm4b:s2+s9], $0x80, s24, s9, $0xb8;
	[tilespmem:$0x1F480] =	vst v63  }
0x207: {  	_ =	swait.ge [sflag:s15], $0x3200  }
0x208: {  	[sflag:s15] =	ssyncset.done $0x0  }
0x209: {  	[sflag:s15] =	ssyncadd.s32 $0xFFFFCE00  }
0x20a: {  	[spmem:s3] =	stream.indirect.scatter.add.f32 [tilespmem:s10], [sflag:$0x4], $0x80, s25, s9, $0xb8;
	[tilespmem:$0x1F480] =	vst v63  }
0x20b: {  	_ =	swait.ge [sflag:s6], $0x3200  }
0x20c: {  	[sflag:s6] =	ssyncset.done $0x0  }
0x20d: {  	[sflag:s6] =	ssyncadd.s32 $0xFFFFCE00  }
0x20e: {  	[tilespmem:s10], [sflag:$0x1] =	stream.indirect.gather [hbm4b:s2+s9], $0x80, s26, s9, $0xb8;
	[tilespmem:$0x1F480] =	vst v63  }
0x20f: {  	_ =	swait.ge [sflag:s17], $0x3200  }
0x210: {  	[sflag:s17] =	ssyncset.done $0x0  }
0x211: {  	[sflag:s17] =	ssyncadd.s32 $0xFFFFCE00  }
0x212: {  	[spmem:s3] =	stream.indirect.scatter.add.f32 [tilespmem:s12], [sflag:$0x4], $0x80, s28, s9, $0xb8;
	[tilespmem:$0x1F480] =	vst v63  }
0x213: {  	_ =	swait.ge [sflag:s6], $0x3200  }
0x214: {  	[sflag:s6] =	ssyncset.done $0x0  }
0x215: {  	[sflag:s6] =	ssyncadd.s32 $0xFFFFCE00  }
0x216: {  	[tilespmem:s12], [sflag:$0x2] =	stream.indirect.gather [hbm4b:s2+s9], $0x80, s31, s9, $0xb8;
	[tilespmem:$0x1F480] =	vst v63  }
0x217: {  	_ =	swait.ge [sflag:s20], $0x3200  }
0x218: {  	[sflag:s20] =	ssyncset.done $0x0  }
0x219: {  	s0 =	simm.s32 $0x1400;
	[sflag:s20] =	ssyncadd.s32 $0xFFFFCE00  }
0x21a: {  	[spmem:s3] =	stream.indirect.scatter.add.f32 [tilespmem:s14], [sflag:$0x4], $0x80, s0, s9, $0xb8;
	[tilespmem:$0x1F480] =	vst v63  }
0x21b: {  	_ =	swait.ge [sflag:s6], $0x3200  }
0x21c: {  	[sflag:s6] =	ssyncset.done $0x0  }
0x21d: {  	s0 =	simm.s32 $0x580;
	[sflag:s6] =	ssyncadd.s32 $0xFFFFCE00  }
0x21e: {  	[tilespmem:s14], [sflag:$0x3] =	stream.indirect.gather [hbm4b:s2+s9], $0x80, s0, s9, $0xb8;
	[tilespmem:$0x1F480] =	vst v63  }
0x21f: {  	_ =	swait.ge [sflag:s15], $0x3200  }
0x220: {  	[sflag:s15] =	ssyncset.done $0x0  }
0x221: {  	s0 =	simm.s32 $0x1480;
	[sflag:s15] =	ssyncadd.s32 $0xFFFFCE00  }
0x222: {  	[spmem:s3] =	stream.indirect.scatter.add.f32 [tilespmem:s10], [sflag:$0x4], $0x80, s0, s9, $0xb8;
	[tilespmem:$0x1F480] =	vst v63  }
0x223: {  	_ =	swait.ge [sflag:s6], $0x3200  }
0x224: {  	[sflag:s6] =	ssyncset.done $0x0  }
0x225: {  	s0 =	simm.s32 $0x600;
	[sflag:s6] =	ssyncadd.s32 $0xFFFFCE00  }
0x226: {  	[tilespmem:s10], [sflag:$0x1] =	stream.indirect.gather [hbm4b:s2+s9], $0x80, s0, s9, $0xb8;
	[tilespmem:$0x1F480] =	vst v63  }
0x227: {  	_ =	swait.ge [sflag:s17], $0x3200  }
0x228: {  	[sflag:s17] =	ssyncset.done $0x0  }
0x229: {  	s0 =	simm.s32 $0x1500;
	[sflag:s17] =	ssyncadd.s32 $0xFFFFCE00  }
0x22a: {  	[spmem:s3] =	stream.indirect.scatter.add.f32 [tilespmem:s12], [sflag:$0x4], $0x80, s0, s9, $0xb8;
	[tilespmem:$0x1F480] =	vst v63  }
0x22b: {  	_ =	swait.ge [sflag:s6], $0x3200  }
0x22c: {  	[sflag:s6] =	ssyncset.done $0x0  }
0x22d: {  	s0 =	simm.s32 $0x680;
	[sflag:s6] =	ssyncadd.s32 $0xFFFFCE00  }
0x22e: {  	[tilespmem:s12], [sflag:$0x2] =	stream.indirect.gather [hbm4b:s2+s9], $0x80, s0, s9, $0xb8;
	[tilespmem:$0x1F480] =	vst v63  }
0x22f: {  	_ =	swait.ge [sflag:s20], $0x3200  }
0x230: {  	[sflag:s20] =	ssyncset.done $0x0  }
0x231: {  	s0 =	simm.s32 $0x1580;
	[sflag:s20] =	ssyncadd.s32 $0xFFFFCE00  }
0x232: {  	[spmem:s3] =	stream.indirect.scatter.add.f32 [tilespmem:s14], [sflag:$0x4], $0x80, s0, s9, $0xb8;
	[tilespmem:$0x1F480] =	vst v63  }
0x233: {  	_ =	swait.ge [sflag:s6], $0x3200  }
0x234: {  	[sflag:s6] =	ssyncset.done $0x0  }
0x235: {  	s0 =	simm.s32 $0x700;
	[sflag:s6] =	ssyncadd.s32 $0xFFFFCE00  }
0x236: {  	[tilespmem:s14], [sflag:$0x3] =	stream.indirect.gather [hbm4b:s2+s9], $0x80, s0, s9, $0xb8;
	[tilespmem:$0x1F480] =	vst v63  }
0x237: {  	_ =	swait.ge [sflag:s15], $0x3200  }
0x238: {  	[sflag:s15] =	ssyncset.done $0x0  }
0x239: {  	s0 =	simm.s32 $0x1600;
	[sflag:s15] =	ssyncadd.s32 $0xFFFFCE00  }
0x23a: {  	[spmem:s3] =	stream.indirect.scatter.add.f32 [tilespmem:s10], [sflag:$0x4], $0x80, s0, s9, $0xb8;
	[tilespmem:$0x1F480] =	vst v63  }
0x23b: {  	_ =	swait.ge [sflag:s6], $0x3200  }
0x23c: {  	[sflag:s6] =	ssyncset.done $0x0  }
0x23d: {  	s0 =	simm.s32 $0x780;
	[sflag:s6] =	ssyncadd.s32 $0xFFFFCE00  }
0x23e: {  	[tilespmem:s10], [sflag:$0x1] =	stream.indirect.gather [hbm4b:s2+s9], $0x80, s0, s9, $0xb8;
	[tilespmem:$0x1F480] =	vst v63  }
0x23f: {  	_ =	swait.ge [sflag:s17], $0x3200  }
0x240: {  	[sflag:s17] =	ssyncset.done $0x0  }
0x241: {  	s0 =	simm.s32 $0x1680;
	[sflag:s17] =	ssyncadd.s32 $0xFFFFCE00  }
0x242: {  	[spmem:s3] =	stream.indirect.scatter.add.f32 [tilespmem:s12], [sflag:$0x4], $0x80, s0, s9, $0xb8;
	[tilespmem:$0x1F480] =	vst v63  }
0x243: {  	_ =	swait.ge [sflag:s6], $0x3200  }
0x244: {  	[sflag:s6] =	ssyncset.done $0x0  }
0x245: {  	s0 =	simm.s32 $0x800;
	[sflag:s6] =	ssyncadd.s32 $0xFFFFCE00  }
0x246: {  	[tilespmem:s12], [sflag:$0x2] =	stream.indirect.gather [hbm4b:s2+s9], $0x80, s0, s9, $0xb8;
	[tilespmem:$0x1F480] =	vst v63  }
0x247: {  	_ =	swait.ge [sflag:s20], $0x3200  }
0x248: {  	[sflag:s20] =	ssyncset.done $0x0  }
0x249: {  	s0 =	simm.s32 $0x1700;
	[sflag:s20] =	ssyncadd.s32 $0xFFFFCE00  }
0x24a: {  	[spmem:s3] =	stream.indirect.scatter.add.f32 [tilespmem:s14], [sflag:$0x4], $0x80, s0, s9, $0xb8;
	[tilespmem:$0x1F480] =	vst v63  }
0x24b: {  	_ =	swait.ge [sflag:s6], $0x3200  }
0x24c: {  	[sflag:s6] =	ssyncset.done $0x0  }
0x24d: {  	s0 =	simm.s32 $0x880;
	[sflag:s6] =	ssyncadd.s32 $0xFFFFCE00  }
0x24e: {  	[tilespmem:s14], [sflag:$0x3] =	stream.indirect.gather [hbm4b:s2+s9], $0x80, s0, s9, $0xb8;
	[tilespmem:$0x1F480] =	vst v63  }
0x24f: {  	_ =	swait.ge [sflag:s15], $0x3200  }
0x250: {  	[sflag:s15] =	ssyncset.done $0x0  }
0x251: {  	s0 =	simm.s32 $0x1780;
	[sflag:s15] =	ssyncadd.s32 $0xFFFFCE00  }
0x252: {  	[spmem:s3] =	stream.indirect.scatter.add.f32 [tilespmem:s10], [sflag:$0x4], $0x80, s0, s9, $0xb8;
	[tilespmem:$0x1F480] =	vst v63  }
0x253: {  	_ =	swait.ge [sflag:s6], $0x3200  }
0x254: {  	[sflag:s6] =	ssyncset.done $0x0  }
0x255: {  	s0 =	simm.s32 $0x900;
	[sflag:s6] =	ssyncadd.s32 $0xFFFFCE00  }
0x256: {  	[tilespmem:s10], [sflag:$0x1] =	stream.indirect.gather [hbm4b:s2+s9], $0x80, s0, s9, $0xb8;
	[tilespmem:$0x1F480] =	vst v63  }
0x257: {  	_ =	swait.ge [sflag:s17], $0x3200  }
0x258: {  	[sflag:s17] =	ssyncset.done $0x0  }
0x259: {  	s0 =	simm.s32 $0x1800;
	[sflag:s17] =	ssyncadd.s32 $0xFFFFCE00  }
0x25a: {  	[spmem:s3] =	stream.indirect.scatter.add.f32 [tilespmem:s12], [sflag:$0x4], $0x80, s0, s9, $0xb8;
	[tilespmem:$0x1F480] =	vst v63  }
0x25b: {  	_ =	swait.ge [sflag:s6], $0x3200  }
0x25c: {  	[sflag:s6] =	ssyncset.done $0x0  }
0x25d: {  	s0 =	simm.s32 $0x980;
	[sflag:s6] =	ssyncadd.s32 $0xFFFFCE00  }
0x25e: {  	[tilespmem:s12], [sflag:$0x2] =	stream.indirect.gather [hbm4b:s2+s9], $0x80, s0, s9, $0xb8;
	[tilespmem:$0x1F480] =	vst v63  }
0x25f: {  	_ =	swait.ge [sflag:s20], $0x3200  }
0x260: {  	[sflag:s20] =	ssyncset.done $0x0  }
0x261: {  	s0 =	simm.s32 $0x1880;
	[sflag:s20] =	ssyncadd.s32 $0xFFFFCE00  }
0x262: {  	[spmem:s3] =	stream.indirect.scatter.add.f32 [tilespmem:s14], [sflag:$0x4], $0x80, s0, s9, $0xb8;
	[tilespmem:$0x1F480] =	vst v63  }
0x263: {  	_ =	swait.ge [sflag:s6], $0x3200  }
0x264: {  	[sflag:s6] =	ssyncset.done $0x0  }
0x265: {  	s0 =	simm.s32 $0xA00;
	[sflag:s6] =	ssyncadd.s32 $0xFFFFCE00  }
0x266: {  	[tilespmem:s14], [sflag:$0x3] =	stream.indirect.gather [hbm4b:s2+s9], $0x80, s0, s9, $0xb8;
	[tilespmem:$0x1F480] =	vst v63  }
0x267: {  	_ =	swait.ge [sflag:s15], $0x3200  }
0x268: {  	[sflag:s15] =	ssyncset.done $0x0  }
0x269: {  	s0 =	simm.s32 $0x1900;
	[sflag:s15] =	ssyncadd.s32 $0xFFFFCE00  }
0x26a: {  	[spmem:s3] =	stream.indirect.scatter.add.f32 [tilespmem:s10], [sflag:$0x4], $0x80, s0, s9, $0xb8;
	[tilespmem:$0x1F480] =	vst v63  }
0x26b: {  	_ =	swait.ge [sflag:s6], $0x3200  }
0x26c: {  	[sflag:s6] =	ssyncset.done $0x0  }
0x26d: {  	s0 =	simm.s32 $0xA80;
	[sflag:s6] =	ssyncadd.s32 $0xFFFFCE00  }
0x26e: {  	[tilespmem:s10], [sflag:$0x1] =	stream.indirect.gather [hbm4b:s2+s9], $0x80, s0, s9, $0xb8;
	[tilespmem:$0x1F480] =	vst v63  }
0x26f: {  	_ =	swait.ge [sflag:s17], $0x3200  }
0x270: {  	[sflag:s17] =	ssyncset.done $0x0  }
0x271: {  	s0 =	simm.s32 $0x1980;
	[sflag:s17] =	ssyncadd.s32 $0xFFFFCE00  }
0x272: {  	[spmem:s3] =	stream.indirect.scatter.add.f32 [tilespmem:s12], [sflag:$0x4], $0x80, s0, s9, $0xb8;
	[tilespmem:$0x1F480] =	vst v63  }
0x273: {  	_ =	swait.ge [sflag:s6], $0x3200  }
0x274: {  	[sflag:s6] =	ssyncset.done $0x0  }
0x275: {  	s0 =	simm.s32 $0xB00;
	[sflag:s6] =	ssyncadd.s32 $0xFFFFCE00  }
0x276: {  	[tilespmem:s12], [sflag:$0x2] =	stream.indirect.gather [hbm4b:s2+s9], $0x80, s0, s9, $0xb8;
	[tilespmem:$0x1F480] =	vst v63  }
0x277: {  	_ =	swait.ge [sflag:s20], $0x3200  }
0x278: {  	[sflag:s20] =	ssyncset.done $0x0  }
0x279: {  	s0 =	simm.s32 $0x1A00;
	[sflag:s20] =	ssyncadd.s32 $0xFFFFCE00  }
0x27a: {  	[spmem:s3] =	stream.indirect.scatter.add.f32 [tilespmem:s14], [sflag:$0x4], $0x80, s0, s9, $0xb8;
	[tilespmem:$0x1F480] =	vst v63  }
0x27b: {  	_ =	swait.ge [sflag:s6], $0x3200  }
0x27c: {  	[sflag:s6] =	ssyncset.done $0x0  }
0x27d: {  	s0 =	simm.s32 $0xB80;
	[sflag:s6] =	ssyncadd.s32 $0xFFFFCE00  }
0x27e: {  	[tilespmem:s14], [sflag:$0x3] =	stream.indirect.gather [hbm4b:s2+s9], $0x80, s0, s9, $0xb8;
	[tilespmem:$0x1F480] =	vst v63  }
0x27f: {  	_ =	swait.ge [sflag:s15], $0x3200  }
0x280: {  	[sflag:s15] =	ssyncset.done $0x0  }
0x281: {  	s0 =	simm.s32 $0x1A80;
	[sflag:s15] =	ssyncadd.s32 $0xFFFFCE00  }
0x282: {  	[spmem:s3] =	stream.indirect.scatter.add.f32 [tilespmem:s10], [sflag:$0x4], $0x80, s0, s9, $0xb8;
	[tilespmem:$0x1F480] =	vst v63  }
0x283: {  	_ =	swait.ge [sflag:s6], $0x3200  }
0x284: {  	[sflag:s6] =	ssyncset.done $0x0  }
0x285: {  	s0 =	simm.s32 $0xC00;
	[sflag:s6] =	ssyncadd.s32 $0xFFFFCE00  }
0x286: {  	[tilespmem:s10], [sflag:$0x1] =	stream.indirect.gather [hbm4b:s2+s9], $0x80, s0, s9, $0xb8;
	[tilespmem:$0x1F480] =	vst v63  }
0x287: {  	_ =	swait.ge [sflag:s17], $0x3200  }
0x288: {  	[sflag:s17] =	ssyncset.done $0x0  }
0x289: {  	s0 =	simm.s32 $0x1B00;
	[sflag:s17] =	ssyncadd.s32 $0xFFFFCE00  }
0x28a: {  	[spmem:s3] =	stream.indirect.scatter.add.f32 [tilespmem:s12], [sflag:$0x4], $0x80, s0, s9, $0xb8;
	[tilespmem:$0x1F480] =	vst v63  }
0x28b: {  	_ =	swait.ge [sflag:s6], $0x3200  }
0x28c: {  	[sflag:s6] =	ssyncset.done $0x0  }
0x28d: {  	[sflag:s6] =	ssyncadd.s32 $0xFFFFCE00  }
0x28e: {  	_ =	swait.ge [sflag:s20], $0x3200  }
0x28f: {  	[sflag:s20] =	ssyncset.done $0x0  }
0x290: {  	s0 =	simm.s32 $0x1B80;
	[sflag:s20] =	ssyncadd.s32 $0xFFFFCE00  }
0x291: {  	[spmem:s3] =	stream.indirect.scatter.add.f32 [tilespmem:s14], [sflag:$0x4], $0x80, s0, s9, $0xb8;
	[tilespmem:$0x1F480] =	vst v63  }
0x292: {  	_ =	swait.ge [sflag:s6], $0x3200  }
0x293: {  	[sflag:s6] =	ssyncset.done $0x0  }
0x294: {  	[sflag:s6] =	ssyncadd.s32 $0xFFFFCE00  }
0x295: {  	_ =	swait.ge [sflag:s15], $0x3200  }
0x296: {  	[sflag:s15] =	ssyncset.done $0x0  }
0x297: {  	s0 =	simm.s32 $0x1C00;
	[sflag:s15] =	ssyncadd.s32 $0xFFFFCE00  }
0x298: {  	[spmem:s3] =	stream.indirect.scatter.add.f32 [tilespmem:s10], [sflag:$0x4], $0x80, s0, s9, $0xb8;
	[tilespmem:$0x1F480] =	vst v63  }
0x299: {  	_ =	swait.ge [sflag:s6], $0x3200  }
0x29a: {  	[sflag:s6] =	ssyncset.done $0x0  }
0x29b: {  	s0 =	rddreg [dreg:$0xf];
	[sflag:s6] =	ssyncadd.s32 $0xFFFFCE00  }
0x29c: {  	[tilespmem:s29], [sflag:$0x4] =	stream.linear.gather [hbm4b:s0+s29], $0xC80, $0x38;
	[tilespmem:$0x1F480] =	vst v63  }
0x29d: {  	_ =	swait.ge [sflag:s6], $0xC80  }
0x29e: {  	[sflag:s6] =	ssyncset.done $0x0  }
0x29f: {  	s1 =	simm.s32 $0x1000;
	s0 =	rddreg [dreg:$0x10];
	[sflag:s6] =	ssyncadd.s32 $0xFFFFF380  }
0x2a0: {  	[tilespmem:s1], [sflag:$0x4] =	stream.linear.gather [hbm4b:s0+s29], $0xC80, $0x38;
	[tilespmem:$0x1F480] =	vst v63  }
0x2a1: {  	_ =	swait.ge [sflag:s6], $0xC80  }
0x2a2: {  	[sflag:s6] =	ssyncset.done $0x0  }
0x2a3: {  	[sflag:s6] =	ssyncadd.s32 $0xFFFFF380  }
0x2a4: {  	[tilespmem:s10], [sflag:$0x1] =	stream.indirect.gather [hbm4b:s2+s9], $0x80, s29, s9, $0xb8;
	[tilespmem:$0x1F480] =	vst v63  }
0x2a5: {  	s29 =	simm.s32 $0x80  }
0x2a6: {  	[tilespmem:s12], [sflag:$0x2] =	stream.indirect.gather [hbm4b:s2+s9], $0x80, s29, s9, $0xb8;
	[tilespmem:$0x1F480] =	vst v63  }
0x2a7: {  	s4 =	simm.s32 $0x100  }
0x2a8: {  	[tilespmem:s14], [sflag:$0x3] =	stream.indirect.gather [hbm4b:s2+s9], $0x80, s4, s9, $0xb8;
	[tilespmem:$0x1F480] =	vst v63  }
0x2a9: {  	_ =	swait.ge [sflag:s15], $0x3200  }
0x2aa: {  	[sflag:s15] =	ssyncset.done $0x0  }
0x2ab: {  	[sflag:s15] =	ssyncadd.s32 $0xFFFFCE00  }
0x2ac: {  	[spmem:s3] =	stream.indirect.scatter.add.f32 [tilespmem:s10], [sflag:$0x4], $0x80, s1, s9, $0xb8;
	[tilespmem:$0x1F480] =	vst v63  }
0x2ad: {  	_ =	swait.ge [sflag:s6], $0x3200  }
0x2ae: {  	[sflag:s6] =	ssyncset.done $0x0  }
0x2af: {  	s5 =	simm.s32 $0x180;
	[sflag:s6] =	ssyncadd.s32 $0xFFFFCE00  }
0x2b0: {  	[tilespmem:s10], [sflag:$0x1] =	stream.indirect.gather [hbm4b:s2+s9], $0x80, s5, s9, $0xb8;
	[tilespmem:$0x1F480] =	vst v63  }
0x2b1: {  	_ =	swait.ge [sflag:s17], $0x3200  }
0x2b2: {  	[sflag:s17] =	ssyncset.done $0x0  }
0x2b3: {  	s8 =	simm.s32 $0x1080;
	[sflag:s17] =	ssyncadd.s32 $0xFFFFCE00  }
0x2b4: {  	[spmem:s3] =	stream.indirect.scatter.add.f32 [tilespmem:s12], [sflag:$0x4], $0x80, s8, s9, $0xb8;
	[tilespmem:$0x1F480] =	vst v63  }
0x2b5: {  	_ =	swait.ge [sflag:s6], $0x3200  }
0x2b6: {  	[sflag:s6] =	ssyncset.done $0x0  }
0x2b7: {  	s11 =	simm.s32 $0x200;
	[sflag:s6] =	ssyncadd.s32 $0xFFFFCE00  }
0x2b8: {  	[tilespmem:s12], [sflag:$0x2] =	stream.indirect.gather [hbm4b:s2+s9], $0x80, s11, s9, $0xb8;
	[tilespmem:$0x1F480] =	vst v63  }
0x2b9: {  	_ =	swait.ge [sflag:s20], $0x3200  }
0x2ba: {  	[sflag:s20] =	ssyncset.done $0x0  }
0x2bb: {  	s13 =	simm.s32 $0x1100;
	[sflag:s20] =	ssyncadd.s32 $0xFFFFCE00  }
0x2bc: {  	[spmem:s3] =	stream.indirect.scatter.add.f32 [tilespmem:s14], [sflag:$0x4], $0x80, s13, s9, $0xb8;
	[tilespmem:$0x1F480] =	vst v63  }
0x2bd: {  	_ =	swait.ge [sflag:s6], $0x3200  }
0x2be: {  	[sflag:s6] =	ssyncset.done $0x0  }
0x2bf: {  	s16 =	simm.s32 $0x280;
	[sflag:s6] =	ssyncadd.s32 $0xFFFFCE00  }
0x2c0: {  	[tilespmem:s14], [sflag:$0x3] =	stream.indirect.gather [hbm4b:s2+s9], $0x80, s16, s9, $0xb8;
	[tilespmem:$0x1F480] =	vst v63  }
0x2c1: {  	_ =	swait.ge [sflag:s15], $0x3200  }
0x2c2: {  	[sflag:s15] =	ssyncset.done $0x0  }
0x2c3: {  	s18 =	simm.s32 $0x1180;
	[sflag:s15] =	ssyncadd.s32 $0xFFFFCE00  }
0x2c4: {  	[spmem:s3] =	stream.indirect.scatter.add.f32 [tilespmem:s10], [sflag:$0x4], $0x80, s18, s9, $0xb8;
	[tilespmem:$0x1F480] =	vst v63  }
0x2c5: {  	_ =	swait.ge [sflag:s6], $0x3200  }
0x2c6: {  	[sflag:s6] =	ssyncset.done $0x0  }
0x2c7: {  	s19 =	simm.s32 $0x300;
	[sflag:s6] =	ssyncadd.s32 $0xFFFFCE00  }
0x2c8: {  	[tilespmem:s10], [sflag:$0x1] =	stream.indirect.gather [hbm4b:s2+s9], $0x80, s19, s9, $0xb8;
	[tilespmem:$0x1F480] =	vst v63  }
0x2c9: {  	_ =	swait.ge [sflag:s17], $0x3200  }
0x2ca: {  	[sflag:s17] =	ssyncset.done $0x0  }
0x2cb: {  	s21 =	simm.s32 $0x1200;
	[sflag:s17] =	ssyncadd.s32 $0xFFFFCE00  }
0x2cc: {  	[spmem:s3] =	stream.indirect.scatter.add.f32 [tilespmem:s12], [sflag:$0x4], $0x80, s21, s9, $0xb8;
	[tilespmem:$0x1F480] =	vst v63  }
0x2cd: {  	_ =	swait.ge [sflag:s6], $0x3200  }
0x2ce: {  	[sflag:s6] =	ssyncset.done $0x0  }
0x2cf: {  	s22 =	simm.s32 $0x380;
	[sflag:s6] =	ssyncadd.s32 $0xFFFFCE00  }
0x2d0: {  	[tilespmem:s12], [sflag:$0x2] =	stream.indirect.gather [hbm4b:s2+s9], $0x80, s22, s9, $0xb8;
	[tilespmem:$0x1F480] =	vst v63  }
0x2d1: {  	_ =	swait.ge [sflag:s20], $0x3200  }
0x2d2: {  	[sflag:s20] =	ssyncset.done $0x0  }
0x2d3: {  	s23 =	simm.s32 $0x1280;
	[sflag:s20] =	ssyncadd.s32 $0xFFFFCE00  }
0x2d4: {  	[spmem:s3] =	stream.indirect.scatter.add.f32 [tilespmem:s14], [sflag:$0x4], $0x80, s23, s9, $0xb8;
	[tilespmem:$0x1F480] =	vst v63  }
0x2d5: {  	_ =	swait.ge [sflag:s6], $0x3200  }
0x2d6: {  	[sflag:s6] =	ssyncset.done $0x0  }
0x2d7: {  	s24 =	simm.s32 $0x400;
	[sflag:s6] =	ssyncadd.s32 $0xFFFFCE00  }
0x2d8: {  	[tilespmem:s14], [sflag:$0x3] =	stream.indirect.gather [hbm4b:s2+s9], $0x80, s24, s9, $0xb8;
	[tilespmem:$0x1F480] =	vst v63  }
0x2d9: {  	_ =	swait.ge [sflag:s15], $0x3200  }
0x2da: {  	[sflag:s15] =	ssyncset.done $0x0  }
0x2db: {  	s25 =	simm.s32 $0x1300;
	[sflag:s15] =	ssyncadd.s32 $0xFFFFCE00  }
0x2dc: {  	[spmem:s3] =	stream.indirect.scatter.add.f32 [tilespmem:s10], [sflag:$0x4], $0x80, s25, s9, $0xb8;
	[tilespmem:$0x1F480] =	vst v63  }
0x2dd: {  	_ =	swait.ge [sflag:s6], $0x3200  }
0x2de: {  	[sflag:s6] =	ssyncset.done $0x0  }
0x2df: {  	s26 =	simm.s32 $0x480;
	[sflag:s6] =	ssyncadd.s32 $0xFFFFCE00  }
0x2e0: {  	[tilespmem:s10], [sflag:$0x1] =	stream.indirect.gather [hbm4b:s2+s9], $0x80, s26, s9, $0xb8;
	[tilespmem:$0x1F480] =	vst v63  }
0x2e1: {  	_ =	swait.ge [sflag:s17], $0x3200  }
0x2e2: {  	[sflag:s17] =	ssyncset.done $0x0  }
0x2e3: {  	s28 =	simm.s32 $0x1380;
	[sflag:s17] =	ssyncadd.s32 $0xFFFFCE00  }
0x2e4: {  	[spmem:s3] =	stream.indirect.scatter.add.f32 [tilespmem:s12], [sflag:$0x4], $0x80, s28, s9, $0xb8;
	[tilespmem:$0x1F480] =	vst v63  }
0x2e5: {  	_ =	swait.ge [sflag:s6], $0x3200  }
0x2e6: {  	[sflag:s6] =	ssyncset.done $0x0  }
0x2e7: {  	s31 =	simm.s32 $0x500;
	[sflag:s6] =	ssyncadd.s32 $0xFFFFCE00  }
0x2e8: {  	[tilespmem:s12], [sflag:$0x2] =	stream.indirect.gather [hbm4b:s2+s9], $0x80, s31, s9, $0xb8;
	[tilespmem:$0x1F480] =	vst v63  }
0x2e9: {  	_ =	swait.ge [sflag:s20], $0x3200  }
0x2ea: {  	[sflag:s20] =	ssyncset.done $0x0  }
0x2eb: {  	s1 =	simm.s32 $0x1400;
	[sflag:s20] =	ssyncadd.s32 $0xFFFFCE00  }
0x2ec: {  	[spmem:s3] =	stream.indirect.scatter.add.f32 [tilespmem:s14], [sflag:$0x4], $0x80, s1, s9, $0xb8;
	[tilespmem:$0x1F480] =	vst v63  }
0x2ed: {  	_ =	swait.ge [sflag:s6], $0x3200  }
0x2ee: {  	[sflag:s6] =	ssyncset.done $0x0  }
0x2ef: {  	s4 =	simm.s32 $0x580;
	[sflag:s6] =	ssyncadd.s32 $0xFFFFCE00  }
0x2f0: {  	[tilespmem:s14], [sflag:$0x3] =	stream.indirect.gather [hbm4b:s2+s9], $0x80, s4, s9, $0xb8;
	[tilespmem:$0x1F480] =	vst v63  }
0x2f1: {  	_ =	swait.ge [sflag:s15], $0x3200  }
0x2f2: {  	[sflag:s15] =	ssyncset.done $0x0  }
0x2f3: {  	s5 =	simm.s32 $0x1480;
	[sflag:s15] =	ssyncadd.s32 $0xFFFFCE00  }
0x2f4: {  	[spmem:s3] =	stream.indirect.scatter.add.f32 [tilespmem:s10], [sflag:$0x4], $0x80, s5, s9, $0xb8;
	[tilespmem:$0x1F480] =	vst v63  }
0x2f5: {  	_ =	swait.ge [sflag:s6], $0x3200  }
0x2f6: {  	[sflag:s6] =	ssyncset.done $0x0  }
0x2f7: {  	s8 =	simm.s32 $0x600;
	[sflag:s6] =	ssyncadd.s32 $0xFFFFCE00  }
0x2f8: {  	[tilespmem:s10], [sflag:$0x1] =	stream.indirect.gather [hbm4b:s2+s9], $0x80, s8, s9, $0xb8;
	[tilespmem:$0x1F480] =	vst v63  }
0x2f9: {  	_ =	swait.ge [sflag:s17], $0x3200  }
0x2fa: {  	[sflag:s17] =	ssyncset.done $0x0  }
0x2fb: {  	s11 =	simm.s32 $0x1500;
	[sflag:s17] =	ssyncadd.s32 $0xFFFFCE00  }
0x2fc: {  	[spmem:s3] =	stream.indirect.scatter.add.f32 [tilespmem:s12], [sflag:$0x4], $0x80, s11, s9, $0xb8;
	[tilespmem:$0x1F480] =	vst v63  }
0x2fd: {  	_ =	swait.ge [sflag:s6], $0x3200  }
0x2fe: {  	[sflag:s6] =	ssyncset.done $0x0  }
0x2ff: {  	s13 =	simm.s32 $0x680;
	[sflag:s6] =	ssyncadd.s32 $0xFFFFCE00  }
0x300: {  	[tilespmem:s12], [sflag:$0x2] =	stream.indirect.gather [hbm4b:s2+s9], $0x80, s13, s9, $0xb8;
	[tilespmem:$0x1F480] =	vst v63  }
0x301: {  	_ =	swait.ge [sflag:s20], $0x3200  }
0x302: {  	[sflag:s20] =	ssyncset.done $0x0  }
0x303: {  	s16 =	simm.s32 $0x1580;
	[sflag:s20] =	ssyncadd.s32 $0xFFFFCE00  }
0x304: {  	[spmem:s3] =	stream.indirect.scatter.add.f32 [tilespmem:s14], [sflag:$0x4], $0x80, s16, s9, $0xb8;
	[tilespmem:$0x1F480] =	vst v63  }
0x305: {  	_ =	swait.ge [sflag:s6], $0x3200  }
0x306: {  	[sflag:s6] =	ssyncset.done $0x0  }
0x307: {  	s18 =	simm.s32 $0x700;
	[sflag:s6] =	ssyncadd.s32 $0xFFFFCE00  }
0x308: {  	[tilespmem:s14], [sflag:$0x3] =	stream.indirect.gather [hbm4b:s2+s9], $0x80, s18, s9, $0xb8;
	[tilespmem:$0x1F480] =	vst v63  }
0x309: {  	_ =	swait.ge [sflag:s15], $0x3200  }
0x30a: {  	[sflag:s15] =	ssyncset.done $0x0  }
0x30b: {  	s19 =	simm.s32 $0x1600;
	[sflag:s15] =	ssyncadd.s32 $0xFFFFCE00  }
0x30c: {  	[spmem:s3] =	stream.indirect.scatter.add.f32 [tilespmem:s10], [sflag:$0x4], $0x80, s19, s9, $0xb8;
	[tilespmem:$0x1F480] =	vst v63  }
0x30d: {  	_ =	swait.ge [sflag:s6], $0x3200  }
0x30e: {  	[sflag:s6] =	ssyncset.done $0x0  }
0x30f: {  	s21 =	simm.s32 $0x780;
	[sflag:s6] =	ssyncadd.s32 $0xFFFFCE00  }
0x310: {  	[tilespmem:s10], [sflag:$0x1] =	stream.indirect.gather [hbm4b:s2+s9], $0x80, s21, s9, $0xb8;
	[tilespmem:$0x1F480] =	vst v63  }
0x311: {  	_ =	swait.ge [sflag:s17], $0x3200  }
0x312: {  	[sflag:s17] =	ssyncset.done $0x0  }
0x313: {  	s22 =	simm.s32 $0x1680;
	[sflag:s17] =	ssyncadd.s32 $0xFFFFCE00  }
0x314: {  	[spmem:s3] =	stream.indirect.scatter.add.f32 [tilespmem:s12], [sflag:$0x4], $0x80, s22, s9, $0xb8;
	[tilespmem:$0x1F480] =	vst v63  }
0x315: {  	_ =	swait.ge [sflag:s6], $0x3200  }
0x316: {  	[sflag:s6] =	ssyncset.done $0x0  }
0x317: {  	s23 =	simm.s32 $0x800;
	[sflag:s6] =	ssyncadd.s32 $0xFFFFCE00  }
0x318: {  	[tilespmem:s12], [sflag:$0x2] =	stream.indirect.gather [hbm4b:s2+s9], $0x80, s23, s9, $0xb8;
	[tilespmem:$0x1F480] =	vst v63  }
0x319: {  	_ =	swait.ge [sflag:s20], $0x3200  }
0x31a: {  	[sflag:s20] =	ssyncset.done $0x0  }
0x31b: {  	s24 =	simm.s32 $0x1700;
	[sflag:s20] =	ssyncadd.s32 $0xFFFFCE00  }
0x31c: {  	[spmem:s3] =	stream.indirect.scatter.add.f32 [tilespmem:s14], [sflag:$0x4], $0x80, s24, s9, $0xb8;
	[tilespmem:$0x1F480] =	vst v63  }
0x31d: {  	_ =	swait.ge [sflag:s6], $0x3200  }
0x31e: {  	[sflag:s6] =	ssyncset.done $0x0  }
0x31f: {  	s25 =	simm.s32 $0x880;
	[sflag:s6] =	ssyncadd.s32 $0xFFFFCE00  }
0x320: {  	[tilespmem:s14], [sflag:$0x3] =	stream.indirect.gather [hbm4b:s2+s9], $0x80, s25, s9, $0xb8;
	[tilespmem:$0x1F480] =	vst v63  }
0x321: {  	_ =	swait.ge [sflag:s15], $0x3200  }
0x322: {  	[sflag:s15] =	ssyncset.done $0x0  }
0x323: {  	s26 =	simm.s32 $0x1780;
	[sflag:s15] =	ssyncadd.s32 $0xFFFFCE00  }
0x324: {  	[spmem:s3] =	stream.indirect.scatter.add.f32 [tilespmem:s10], [sflag:$0x4], $0x80, s26, s9, $0xb8;
	[tilespmem:$0x1F480] =	vst v63  }
0x325: {  	_ =	swait.ge [sflag:s6], $0x3200  }
0x326: {  	[sflag:s6] =	ssyncset.done $0x0  }
0x327: {  	s28 =	simm.s32 $0x900;
	[sflag:s6] =	ssyncadd.s32 $0xFFFFCE00  }
0x328: {  	[tilespmem:s10], [sflag:$0x1] =	stream.indirect.gather [hbm4b:s2+s9], $0x80, s28, s9, $0xb8;
	[tilespmem:$0x1F480] =	vst v63  }
0x329: {  	_ =	swait.ge [sflag:s17], $0x3200  }
0x32a: {  	[sflag:s17] =	ssyncset.done $0x0  }
0x32b: {  	s29 =	simm.s32 $0x1800;
	[sflag:s17] =	ssyncadd.s32 $0xFFFFCE00  }
0x32c: {  	[spmem:s3] =	stream.indirect.scatter.add.f32 [tilespmem:s12], [sflag:$0x4], $0x80, s29, s9, $0xb8;
	[tilespmem:$0x1F480] =	vst v63  }
0x32d: {  	_ =	swait.ge [sflag:s6], $0x3200  }
0x32e: {  	[sflag:s6] =	ssyncset.done $0x0  }
0x32f: {  	s1 =	simm.s32 $0x980;
	[sflag:s6] =	ssyncadd.s32 $0xFFFFCE00  }
0x330: {  	[tilespmem:s12], [sflag:$0x2] =	stream.indirect.gather [hbm4b:s2+s9], $0x80, s1, s9, $0xb8;
	[tilespmem:$0x1F480] =	vst v63  }
0x331: {  	_ =	swait.ge [sflag:s20], $0x3200  }
0x332: {  	[sflag:s20] =	ssyncset.done $0x0  }
0x333: {  	s4 =	simm.s32 $0x1880;
	[sflag:s20] =	ssyncadd.s32 $0xFFFFCE00  }
0x334: {  	[spmem:s3] =	stream.indirect.scatter.add.f32 [tilespmem:s14], [sflag:$0x4], $0x80, s4, s9, $0xb8;
	[tilespmem:$0x1F480] =	vst v63  }
0x335: {  	_ =	swait.ge [sflag:s6], $0x3200  }
0x336: {  	[sflag:s6] =	ssyncset.done $0x0  }
0x337: {  	s5 =	simm.s32 $0xA00;
	[sflag:s6] =	ssyncadd.s32 $0xFFFFCE00  }
0x338: {  	[tilespmem:s14], [sflag:$0x3] =	stream.indirect.gather [hbm4b:s2+s9], $0x80, s5, s9, $0xb8;
	[tilespmem:$0x1F480] =	vst v63  }
0x339: {  	_ =	swait.ge [sflag:s15], $0x3200  }
0x33a: {  	[sflag:s15] =	ssyncset.done $0x0  }
0x33b: {  	s8 =	simm.s32 $0x1900;
	[sflag:s15] =	ssyncadd.s32 $0xFFFFCE00  }
0x33c: {  	[spmem:s3] =	stream.indirect.scatter.add.f32 [tilespmem:s10], [sflag:$0x4], $0x80, s8, s9, $0xb8;
	[tilespmem:$0x1F480] =	vst v63  }
0x33d: {  	_ =	swait.ge [sflag:s6], $0x3200  }
0x33e: {  	[sflag:s6] =	ssyncset.done $0x0  }
0x33f: {  	s11 =	simm.s32 $0xA80;
	[sflag:s6] =	ssyncadd.s32 $0xFFFFCE00  }
0x340: {  	[tilespmem:s10], [sflag:$0x1] =	stream.indirect.gather [hbm4b:s2+s9], $0x80, s11, s9, $0xb8;
	[tilespmem:$0x1F480] =	vst v63  }
0x341: {  	_ =	swait.ge [sflag:s17], $0x3200  }
0x342: {  	[sflag:s17] =	ssyncset.done $0x0  }
0x343: {  	s13 =	simm.s32 $0x1980;
	[sflag:s17] =	ssyncadd.s32 $0xFFFFCE00  }
0x344: {  	[spmem:s3] =	stream.indirect.scatter.add.f32 [tilespmem:s12], [sflag:$0x4], $0x80, s13, s9, $0xb8;
	[tilespmem:$0x1F480] =	vst v63  }
0x345: {  	_ =	swait.ge [sflag:s6], $0x3200  }
0x346: {  	[sflag:s6] =	ssyncset.done $0x0  }
0x347: {  	s16 =	simm.s32 $0xB00;
	[sflag:s6] =	ssyncadd.s32 $0xFFFFCE00  }
0x348: {  	[tilespmem:s12], [sflag:$0x2] =	stream.indirect.gather [hbm4b:s2+s9], $0x80, s16, s9, $0xb8;
	[tilespmem:$0x1F480] =	vst v63  }
0x349: {  	_ =	swait.ge [sflag:s20], $0x3200  }
0x34a: {  	[sflag:s20] =	ssyncset.done $0x0  }
0x34b: {  	s18 =	simm.s32 $0x1A00;
	[sflag:s20] =	ssyncadd.s32 $0xFFFFCE00  }
0x34c: {  	[spmem:s3] =	stream.indirect.scatter.add.f32 [tilespmem:s14], [sflag:$0x4], $0x80, s18, s9, $0xb8;
	[tilespmem:$0x1F480] =	vst v63  }
0x34d: {  	_ =	swait.ge [sflag:s6], $0x3200  }
0x34e: {  	[sflag:s6] =	ssyncset.done $0x0  }
0x34f: {  	s19 =	simm.s32 $0xB80;
	[sflag:s6] =	ssyncadd.s32 $0xFFFFCE00  }
0x350: {  	[tilespmem:s14], [sflag:$0x3] =	stream.indirect.gather [hbm4b:s2+s9], $0x80, s19, s9, $0xb8;
	[tilespmem:$0x1F480] =	vst v63  }
0x351: {  	_ =	swait.ge [sflag:s15], $0x3200  }
0x352: {  	[sflag:s15] =	ssyncset.done $0x0  }
0x353: {  	s21 =	simm.s32 $0x1A80;
	[sflag:s15] =	ssyncadd.s32 $0xFFFFCE00  }
0x354: {  	[spmem:s3] =	stream.indirect.scatter.add.f32 [tilespmem:s10], [sflag:$0x4], $0x80, s21, s9, $0xb8;
	[tilespmem:$0x1F480] =	vst v63  }
0x355: {  	_ =	swait.ge [sflag:s6], $0x3200  }
0x356: {  	[sflag:s6] =	ssyncset.done $0x0  }
0x357: {  	s22 =	simm.s32 $0xC00;
	[sflag:s6] =	ssyncadd.s32 $0xFFFFCE00  }
0x358: {  	[tilespmem:s10], [sflag:$0x1] =	stream.indirect.gather [hbm4b:s2+s9], $0x80, s22, s9, $0xb8;
	[tilespmem:$0x1F480] =	vst v63  }
0x359: {  	_ =	swait.ge [sflag:s17], $0x3200  }
0x35a: {  	[sflag:s17] =	ssyncset.done $0x0  }
0x35b: {  	s23 =	simm.s32 $0x1B00;
	[sflag:s17] =	ssyncadd.s32 $0xFFFFCE00  }
0x35c: {  	[spmem:s3] =	stream.indirect.scatter.add.f32 [tilespmem:s12], [sflag:$0x4], $0x80, s23, s9, $0xb8;
	[tilespmem:$0x1F480] =	vst v63  }
0x35d: {  	_ =	swait.ge [sflag:s6], $0x3200  }
0x35e: {  	[sflag:s6] =	ssyncset.done $0x0  }
0x35f: {  	[sflag:s6] =	ssyncadd.s32 $0xFFFFCE00  }
0x360: {  	_ =	swait.ge [sflag:s20], $0x3200  }
0x361: {  	[sflag:s20] =	ssyncset.done $0x0  }
0x362: {  	s24 =	simm.s32 $0x1B80;
	[sflag:s20] =	ssyncadd.s32 $0xFFFFCE00  }
0x363: {  	[spmem:s3] =	stream.indirect.scatter.add.f32 [tilespmem:s14], [sflag:$0x4], $0x80, s24, s9, $0xb8;
	[tilespmem:$0x1F480] =	vst v63  }
0x364: {  	_ =	swait.ge [sflag:s6], $0x3200  }
0x365: {  	[sflag:s6] =	ssyncset.done $0x0  }
0x366: {  	[sflag:s6] =	ssyncadd.s32 $0xFFFFCE00  }
0x367: {  	_ =	swait.ge [sflag:s15], $0x3200  }
0x368: {  	[sflag:s15] =	ssyncset.done $0x0  }
0x369: {  	s25 =	simm.s32 $0x1C00;
	[sflag:s15] =	ssyncadd.s32 $0xFFFFCE00  }
0x36a: {  	[spmem:s3] =	stream.indirect.scatter.add.f32 [tilespmem:s10], [sflag:$0x4], $0x80, s25, s9, $0xb8;
	[tilespmem:$0x1F480] =	vst v63  }
0x36b: {  	_ =	swait.ge [sflag:s6], $0x3200  }
0x36c: {  	[sflag:s6] =	ssyncset.done $0x0  }
0x36d: {  	[sflag:s6] =	ssyncadd.s32 $0xFFFFCE00  }
0x36e: {  	[bflag:$0x0] =	sbarrier.arrive $0xFFFF  }
0x36f: {  	s26 =	rddreg [dreg:$0x11]  }
0x370: {  	s28 =	rddreg [dreg:$0x16]  }
0x371: {  	[hbm:s26], [sflag:s7] =	dma.local [spmem:s28], $0x2700  }
0x372: {  	_ =	swait.ge [sflag:s6], $0x2700;
	[dreg:$0x13] =	wrdreg s7  }
0x373: {  	s0 =	rddreg [dreg:$0x12];
	[sflag:s6] =	ssyncset.done $0x0  }
0x374: {  	s1 =	rddreg [dreg:$0x17];
	[sflag:s6] =	ssyncadd.s32 $0xFFFFD900  }
0x375: {  	[hbm:s0], [sflag:s7] =	dma.local @!p0 [spmem:s1], $0x100  }
0x376: {  	s0 =	rddreg [dreg:$0x18]  }
0x377: {  	s0 =	ssub.s32 $0x2, s0  }
0x378: {  	s29 =	sshrl.u32 s0, $0x1  }
0x379: {  	s0 =	ssub.s32 s0, s29  }
0x37a: {  	s0 =	smax.u32 s0, $0x1  }
0x37b: {  	s31 =	sadd.s32 $0xFFFFFFFF, s0  }
0x37c: {  	p1 =	sne.s32 s31, $0x0  }
.Ltmp0:
0x37d: {  	_ = 	snop;
	(pc) =	sbr.rel @!p1 .LBB2_3-.Ltmp0, $2  }
0x37e: {  	_ =	sdelay $0x2  }
0x37f: {  	_ =	swait.ge @!p0 [sflag:s30], $0x100  }
0x380: {  	s4 =	simm.s32 $0x1000  }
.LBB2_2:
0x381: {  	s0 =	rddreg [dreg:$0x5]  }
0x382: {  	s11 =	rddreg [dreg:$0x6]  }
0x383: {  	[sflag:s30] =	ssyncset.done @!p0 $0x0;
	s28 =	rddreg [dreg:$0x13];
	s0 =	sshrl.u32 s0, $0x3  }
0x384: {  	[sflag:s30] =	ssyncadd.s32 @!p0 $0xFFFFFF00;
	[dreg:$0x14] =	wrdreg s0  }
0x385: {  	[spmem:s0], [sflag:s28] =	dma.local [hbm:s11], $0x2700  }
0x386: {  	_ =	swait.ge [sflag:s6], $0x2700  }
0x387: {  	s0 =	rddreg [dreg:$0x7]  }
0x388: {  	[sflag:s6] =	ssyncset.done $0x0;
	s11 =	rddreg [dreg:$0x8];
	s0 =	sshrl.u32 @!p0 s0, $0x3  }
0x389: {  	[sflag:s6] =	ssyncadd.s32 $0xFFFFD900;
	[dreg:$0x15] =	wrdreg s0  }
0x38a: {  	[spmem:s0], [sflag:s28] =	dma.local @!p0 [hbm:s11], $0x100  }
0x38b: {  	_ =	swait.ge @!p0 [sflag:s30], $0x100  }
0x38c: {  	[sflag:s30] =	ssyncset.done @!p0 $0x0  }
0x38d: {  	[sflag:s30] =	ssyncadd.s32 @!p0 $0xFFFFFF00  }
0x38e: {  	[bflag:$0x0] =	sbarrier.arrive $0xFFFF  }
0x38f: {  	s0 =	simm.s32 $0x0;
	s13 =	rddreg [dreg:$0x9]  }
0x390: {  	[tilespmem:s0], [sflag:$0x4] =	stream.linear.gather [hbm4b:s13+s0], $0xC80, $0x38;
	[tilespmem:$0x1F480] =	vst v63  }
0x391: {  	_ =	swait.ge [sflag:s6], $0xC80  }
0x392: {  	[sflag:s6] =	ssyncset.done $0x0  }
0x393: {  	s16 =	rddreg [dreg:$0xa];
	[sflag:s6] =	ssyncadd.s32 $0xFFFFF380  }
0x394: {  	[tilespmem:s4], [sflag:$0x4] =	stream.linear.gather [hbm4b:s16+s0], $0xC80, $0x38;
	[tilespmem:$0x1F480] =	vst v63  }
0x395: {  	_ =	swait.ge [sflag:s6], $0xC80  }
0x396: {  	[sflag:s6] =	ssyncset.done $0x0  }
0x397: {  	[sflag:s6] =	ssyncadd.s32 $0xFFFFF380  }
0x398: {  	[tilespmem:s10], [sflag:$0x1] =	stream.indirect.gather [hbm4b:s2+s9], $0x80, s0, s9, $0xb8;
	[tilespmem:$0x1F480] =	vst v63  }
0x399: {  	s1 =	simm.s32 $0x80  }
0x39a: {  	[tilespmem:s12], [sflag:$0x2] =	stream.indirect.gather [hbm4b:s2+s9], $0x80, s1, s9, $0xb8;
	[tilespmem:$0x1F480] =	vst v63  }
0x39b: {  	s18 =	simm.s32 $0x100  }
0x39c: {  	[tilespmem:s14], [sflag:$0x3] =	stream.indirect.gather [hbm4b:s2+s9], $0x80, s18, s9, $0xb8;
	[tilespmem:$0x1F480] =	vst v63  }
0x39d: {  	_ =	swait.ge [sflag:s15], $0x3200  }
0x39e: {  	[sflag:s15] =	ssyncset.done $0x0  }
0x39f: {  	[sflag:s15] =	ssyncadd.s32 $0xFFFFCE00  }
0x3a0: {  	[spmem:s3] =	stream.indirect.scatter.add.f32 [tilespmem:s10], [sflag:$0x4], $0x80, s4, s9, $0xb8;
	[tilespmem:$0x1F480] =	vst v63  }
0x3a1: {  	_ =	swait.ge [sflag:s6], $0x3200  }
0x3a2: {  	[sflag:s6] =	ssyncset.done $0x0  }
0x3a3: {  	s19 =	simm.s32 $0x180;
	[sflag:s6] =	ssyncadd.s32 $0xFFFFCE00  }
0x3a4: {  	[tilespmem:s10], [sflag:$0x1] =	stream.indirect.gather [hbm4b:s2+s9], $0x80, s19, s9, $0xb8;
	[tilespmem:$0x1F480] =	vst v63  }
0x3a5: {  	_ =	swait.ge [sflag:s17], $0x3200  }
0x3a6: {  	[sflag:s17] =	ssyncset.done $0x0  }
0x3a7: {  	s21 =	simm.s32 $0x1080;
	[sflag:s17] =	ssyncadd.s32 $0xFFFFCE00  }
0x3a8: {  	[spmem:s3] =	stream.indirect.scatter.add.f32 [tilespmem:s12], [sflag:$0x4], $0x80, s21, s9, $0xb8;
	[tilespmem:$0x1F480] =	vst v63  }
0x3a9: {  	_ =	swait.ge [sflag:s6], $0x3200  }
0x3aa: {  	[sflag:s6] =	ssyncset.done $0x0  }
0x3ab: {  	s22 =	simm.s32 $0x200;
	[sflag:s6] =	ssyncadd.s32 $0xFFFFCE00  }
0x3ac: {  	[tilespmem:s12], [sflag:$0x2] =	stream.indirect.gather [hbm4b:s2+s9], $0x80, s22, s9, $0xb8;
	[tilespmem:$0x1F480] =	vst v63  }
0x3ad: {  	_ =	swait.ge [sflag:s20], $0x3200  }
0x3ae: {  	[sflag:s20] =	ssyncset.done $0x0  }
0x3af: {  	s23 =	simm.s32 $0x1100;
	[sflag:s20] =	ssyncadd.s32 $0xFFFFCE00  }
0x3b0: {  	[spmem:s3] =	stream.indirect.scatter.add.f32 [tilespmem:s14], [sflag:$0x4], $0x80, s23, s9, $0xb8;
	[tilespmem:$0x1F480] =	vst v63  }
0x3b1: {  	_ =	swait.ge [sflag:s6], $0x3200  }
0x3b2: {  	[sflag:s6] =	ssyncset.done $0x0  }
0x3b3: {  	s24 =	simm.s32 $0x280;
	[sflag:s6] =	ssyncadd.s32 $0xFFFFCE00  }
0x3b4: {  	[tilespmem:s14], [sflag:$0x3] =	stream.indirect.gather [hbm4b:s2+s9], $0x80, s24, s9, $0xb8;
	[tilespmem:$0x1F480] =	vst v63  }
0x3b5: {  	_ =	swait.ge [sflag:s15], $0x3200  }
0x3b6: {  	[sflag:s15] =	ssyncset.done $0x0  }
0x3b7: {  	s25 =	simm.s32 $0x1180;
	[sflag:s15] =	ssyncadd.s32 $0xFFFFCE00  }
0x3b8: {  	[spmem:s3] =	stream.indirect.scatter.add.f32 [tilespmem:s10], [sflag:$0x4], $0x80, s25, s9, $0xb8;
	[tilespmem:$0x1F480] =	vst v63  }
0x3b9: {  	_ =	swait.ge [sflag:s6], $0x3200  }
0x3ba: {  	[sflag:s6] =	ssyncset.done $0x0  }
0x3bb: {  	s26 =	simm.s32 $0x300;
	[sflag:s6] =	ssyncadd.s32 $0xFFFFCE00  }
0x3bc: {  	[tilespmem:s10], [sflag:$0x1] =	stream.indirect.gather [hbm4b:s2+s9], $0x80, s26, s9, $0xb8;
	[tilespmem:$0x1F480] =	vst v63  }
0x3bd: {  	_ =	swait.ge [sflag:s17], $0x3200  }
0x3be: {  	[sflag:s17] =	ssyncset.done $0x0  }
0x3bf: {  	s29 =	simm.s32 $0x1200;
	[sflag:s17] =	ssyncadd.s32 $0xFFFFCE00  }
0x3c0: {  	[spmem:s3] =	stream.indirect.scatter.add.f32 [tilespmem:s12], [sflag:$0x4], $0x80, s29, s9, $0xb8;
	[tilespmem:$0x1F480] =	vst v63  }
0x3c1: {  	_ =	swait.ge [sflag:s6], $0x3200  }
0x3c2: {  	[sflag:s6] =	ssyncset.done $0x0  }
0x3c3: {  	s7 =	simm.s32 $0x380;
	[sflag:s6] =	ssyncadd.s32 $0xFFFFCE00  }
0x3c4: {  	[tilespmem:s12], [sflag:$0x2] =	stream.indirect.gather [hbm4b:s2+s9], $0x80, s7, s9, $0xb8;
	[tilespmem:$0x1F480] =	vst v63  }
0x3c5: {  	_ =	swait.ge [sflag:s20], $0x3200  }
0x3c6: {  	[sflag:s20] =	ssyncset.done $0x0  }
0x3c7: {  	s8 =	simm.s32 $0x1280;
	[sflag:s20] =	ssyncadd.s32 $0xFFFFCE00  }
0x3c8: {  	[spmem:s3] =	stream.indirect.scatter.add.f32 [tilespmem:s14], [sflag:$0x4], $0x80, s8, s9, $0xb8;
	[tilespmem:$0x1F480] =	vst v63  }
0x3c9: {  	_ =	swait.ge [sflag:s6], $0x3200  }
0x3ca: {  	[sflag:s6] =	ssyncset.done $0x0  }
0x3cb: {  	s11 =	simm.s32 $0x400;
	[sflag:s6] =	ssyncadd.s32 $0xFFFFCE00  }
0x3cc: {  	[tilespmem:s14], [sflag:$0x3] =	stream.indirect.gather [hbm4b:s2+s9], $0x80, s11, s9, $0xb8;
	[tilespmem:$0x1F480] =	vst v63  }
0x3cd: {  	_ =	swait.ge [sflag:s15], $0x3200  }
0x3ce: {  	[sflag:s15] =	ssyncset.done $0x0  }
0x3cf: {  	s13 =	simm.s32 $0x1300;
	[sflag:s15] =	ssyncadd.s32 $0xFFFFCE00  }
0x3d0: {  	[spmem:s3] =	stream.indirect.scatter.add.f32 [tilespmem:s10], [sflag:$0x4], $0x80, s13, s9, $0xb8;
	[tilespmem:$0x1F480] =	vst v63  }
0x3d1: {  	_ =	swait.ge [sflag:s6], $0x3200  }
0x3d2: {  	[sflag:s6] =	ssyncset.done $0x0  }
0x3d3: {  	s16 =	simm.s32 $0x480;
	[sflag:s6] =	ssyncadd.s32 $0xFFFFCE00  }
0x3d4: {  	[tilespmem:s10], [sflag:$0x1] =	stream.indirect.gather [hbm4b:s2+s9], $0x80, s16, s9, $0xb8;
	[tilespmem:$0x1F480] =	vst v63  }
0x3d5: {  	_ =	swait.ge [sflag:s17], $0x3200  }
0x3d6: {  	[sflag:s17] =	ssyncset.done $0x0  }
0x3d7: {  	s18 =	simm.s32 $0x1380;
	[sflag:s17] =	ssyncadd.s32 $0xFFFFCE00  }
0x3d8: {  	[spmem:s3] =	stream.indirect.scatter.add.f32 [tilespmem:s12], [sflag:$0x4], $0x80, s18, s9, $0xb8;
	[tilespmem:$0x1F480] =	vst v63  }
0x3d9: {  	_ =	swait.ge [sflag:s6], $0x3200  }
0x3da: {  	[sflag:s6] =	ssyncset.done $0x0  }
0x3db: {  	s19 =	simm.s32 $0x500;
	[sflag:s6] =	ssyncadd.s32 $0xFFFFCE00  }
0x3dc: {  	[tilespmem:s12], [sflag:$0x2] =	stream.indirect.gather [hbm4b:s2+s9], $0x80, s19, s9, $0xb8;
	[tilespmem:$0x1F480] =	vst v63  }
0x3dd: {  	_ =	swait.ge [sflag:s20], $0x3200  }
0x3de: {  	[sflag:s20] =	ssyncset.done $0x0  }
0x3df: {  	s21 =	simm.s32 $0x1400;
	[sflag:s20] =	ssyncadd.s32 $0xFFFFCE00  }
0x3e0: {  	[spmem:s3] =	stream.indirect.scatter.add.f32 [tilespmem:s14], [sflag:$0x4], $0x80, s21, s9, $0xb8;
	[tilespmem:$0x1F480] =	vst v63  }
0x3e1: {  	_ =	swait.ge [sflag:s6], $0x3200  }
0x3e2: {  	[sflag:s6] =	ssyncset.done $0x0  }
0x3e3: {  	s22 =	simm.s32 $0x580;
	[sflag:s6] =	ssyncadd.s32 $0xFFFFCE00  }
0x3e4: {  	[tilespmem:s14], [sflag:$0x3] =	stream.indirect.gather [hbm4b:s2+s9], $0x80, s22, s9, $0xb8;
	[tilespmem:$0x1F480] =	vst v63  }
0x3e5: {  	_ =	swait.ge [sflag:s15], $0x3200  }
0x3e6: {  	[sflag:s15] =	ssyncset.done $0x0  }
0x3e7: {  	s23 =	simm.s32 $0x1480;
	[sflag:s15] =	ssyncadd.s32 $0xFFFFCE00  }
0x3e8: {  	[spmem:s3] =	stream.indirect.scatter.add.f32 [tilespmem:s10], [sflag:$0x4], $0x80, s23, s9, $0xb8;
	[tilespmem:$0x1F480] =	vst v63  }
0x3e9: {  	_ =	swait.ge [sflag:s6], $0x3200  }
0x3ea: {  	[sflag:s6] =	ssyncset.done $0x0  }
0x3eb: {  	s24 =	simm.s32 $0x600;
	[sflag:s6] =	ssyncadd.s32 $0xFFFFCE00  }
0x3ec: {  	[tilespmem:s10], [sflag:$0x1] =	stream.indirect.gather [hbm4b:s2+s9], $0x80, s24, s9, $0xb8;
	[tilespmem:$0x1F480] =	vst v63  }
0x3ed: {  	_ =	swait.ge [sflag:s17], $0x3200  }
0x3ee: {  	[sflag:s17] =	ssyncset.done $0x0  }
0x3ef: {  	s25 =	simm.s32 $0x1500;
	[sflag:s17] =	ssyncadd.s32 $0xFFFFCE00  }
0x3f0: {  	[spmem:s3] =	stream.indirect.scatter.add.f32 [tilespmem:s12], [sflag:$0x4], $0x80, s25, s9, $0xb8;
	[tilespmem:$0x1F480] =	vst v63  }
0x3f1: {  	_ =	swait.ge [sflag:s6], $0x3200  }
0x3f2: {  	[sflag:s6] =	ssyncset.done $0x0  }
0x3f3: {  	s26 =	simm.s32 $0x680;
	[sflag:s6] =	ssyncadd.s32 $0xFFFFCE00  }
0x3f4: {  	[tilespmem:s12], [sflag:$0x2] =	stream.indirect.gather [hbm4b:s2+s9], $0x80, s26, s9, $0xb8;
	[tilespmem:$0x1F480] =	vst v63  }
0x3f5: {  	_ =	swait.ge [sflag:s20], $0x3200  }
0x3f6: {  	[sflag:s20] =	ssyncset.done $0x0  }
0x3f7: {  	s29 =	simm.s32 $0x1580;
	[sflag:s20] =	ssyncadd.s32 $0xFFFFCE00  }
0x3f8: {  	[spmem:s3] =	stream.indirect.scatter.add.f32 [tilespmem:s14], [sflag:$0x4], $0x80, s29, s9, $0xb8;
	[tilespmem:$0x1F480] =	vst v63  }
0x3f9: {  	_ =	swait.ge [sflag:s6], $0x3200  }
0x3fa: {  	[sflag:s6] =	ssyncset.done $0x0  }
0x3fb: {  	s1 =	simm.s32 $0x700;
	[sflag:s6] =	ssyncadd.s32 $0xFFFFCE00  }
0x3fc: {  	[tilespmem:s14], [sflag:$0x3] =	stream.indirect.gather [hbm4b:s2+s9], $0x80, s1, s9, $0xb8;
	[tilespmem:$0x1F480] =	vst v63  }
0x3fd: {  	_ =	swait.ge [sflag:s15], $0x3200  }
0x3fe: {  	[sflag:s15] =	ssyncset.done $0x0  }
0x3ff: {  	s7 =	simm.s32 $0x1600;
	[sflag:s15] =	ssyncadd.s32 $0xFFFFCE00  }
0x400: {  	[spmem:s3] =	stream.indirect.scatter.add.f32 [tilespmem:s10], [sflag:$0x4], $0x80, s7, s9, $0xb8;
	[tilespmem:$0x1F480] =	vst v63  }
0x401: {  	_ =	swait.ge [sflag:s6], $0x3200  }
0x402: {  	[sflag:s6] =	ssyncset.done $0x0  }
0x403: {  	s8 =	simm.s32 $0x780;
	[sflag:s6] =	ssyncadd.s32 $0xFFFFCE00  }
0x404: {  	[tilespmem:s10], [sflag:$0x1] =	stream.indirect.gather [hbm4b:s2+s9], $0x80, s8, s9, $0xb8;
	[tilespmem:$0x1F480] =	vst v63  }
0x405: {  	_ =	swait.ge [sflag:s17], $0x3200  }
0x406: {  	[sflag:s17] =	ssyncset.done $0x0  }
0x407: {  	s13 =	simm.s32 $0x1680;
	[sflag:s17] =	ssyncadd.s32 $0xFFFFCE00  }
0x408: {  	[spmem:s3] =	stream.indirect.scatter.add.f32 [tilespmem:s12], [sflag:$0x4], $0x80, s13, s9, $0xb8;
	[tilespmem:$0x1F480] =	vst v63  }
0x409: {  	_ =	swait.ge [sflag:s6], $0x3200  }
0x40a: {  	[sflag:s6] =	ssyncset.done $0x0  }
0x40b: {  	s16 =	simm.s32 $0x800;
	[sflag:s6] =	ssyncadd.s32 $0xFFFFCE00  }
0x40c: {  	[tilespmem:s12], [sflag:$0x2] =	stream.indirect.gather [hbm4b:s2+s9], $0x80, s16, s9, $0xb8;
	[tilespmem:$0x1F480] =	vst v63  }
0x40d: {  	_ =	swait.ge [sflag:s20], $0x3200  }
0x40e: {  	[sflag:s20] =	ssyncset.done $0x0  }
0x40f: {  	s18 =	simm.s32 $0x1700;
	[sflag:s20] =	ssyncadd.s32 $0xFFFFCE00  }
0x410: {  	[spmem:s3] =	stream.indirect.scatter.add.f32 [tilespmem:s14], [sflag:$0x4], $0x80, s18, s9, $0xb8;
	[tilespmem:$0x1F480] =	vst v63  }
0x411: {  	_ =	swait.ge [sflag:s6], $0x3200  }
0x412: {  	[sflag:s6] =	ssyncset.done $0x0  }
0x413: {  	s19 =	simm.s32 $0x880;
	[sflag:s6] =	ssyncadd.s32 $0xFFFFCE00  }
0x414: {  	[tilespmem:s14], [sflag:$0x3] =	stream.indirect.gather [hbm4b:s2+s9], $0x80, s19, s9, $0xb8;
	[tilespmem:$0x1F480] =	vst v63  }
0x415: {  	_ =	swait.ge [sflag:s15], $0x3200  }
0x416: {  	[sflag:s15] =	ssyncset.done $0x0  }
0x417: {  	s21 =	simm.s32 $0x1780;
	[sflag:s15] =	ssyncadd.s32 $0xFFFFCE00  }
0x418: {  	[spmem:s3] =	stream.indirect.scatter.add.f32 [tilespmem:s10], [sflag:$0x4], $0x80, s21, s9, $0xb8;
	[tilespmem:$0x1F480] =	vst v63  }
0x419: {  	_ =	swait.ge [sflag:s6], $0x3200  }
0x41a: {  	[sflag:s6] =	ssyncset.done $0x0  }
0x41b: {  	s22 =	simm.s32 $0x900;
	[sflag:s6] =	ssyncadd.s32 $0xFFFFCE00  }
0x41c: {  	[tilespmem:s10], [sflag:$0x1] =	stream.indirect.gather [hbm4b:s2+s9], $0x80, s22, s9, $0xb8;
	[tilespmem:$0x1F480] =	vst v63  }
0x41d: {  	_ =	swait.ge [sflag:s17], $0x3200  }
0x41e: {  	[sflag:s17] =	ssyncset.done $0x0  }
0x41f: {  	s23 =	simm.s32 $0x1800;
	[sflag:s17] =	ssyncadd.s32 $0xFFFFCE00  }
0x420: {  	[spmem:s3] =	stream.indirect.scatter.add.f32 [tilespmem:s12], [sflag:$0x4], $0x80, s23, s9, $0xb8;
	[tilespmem:$0x1F480] =	vst v63  }
0x421: {  	_ =	swait.ge [sflag:s6], $0x3200  }
0x422: {  	[sflag:s6] =	ssyncset.done $0x0  }
0x423: {  	s24 =	simm.s32 $0x980;
	[sflag:s6] =	ssyncadd.s32 $0xFFFFCE00  }
0x424: {  	[tilespmem:s12], [sflag:$0x2] =	stream.indirect.gather [hbm4b:s2+s9], $0x80, s24, s9, $0xb8;
	[tilespmem:$0x1F480] =	vst v63  }
0x425: {  	_ =	swait.ge [sflag:s20], $0x3200  }
0x426: {  	[sflag:s20] =	ssyncset.done $0x0  }
0x427: {  	s25 =	simm.s32 $0x1880;
	[sflag:s20] =	ssyncadd.s32 $0xFFFFCE00  }
0x428: {  	[spmem:s3] =	stream.indirect.scatter.add.f32 [tilespmem:s14], [sflag:$0x4], $0x80, s25, s9, $0xb8;
	[tilespmem:$0x1F480] =	vst v63  }
0x429: {  	_ =	swait.ge [sflag:s6], $0x3200  }
0x42a: {  	[sflag:s6] =	ssyncset.done $0x0  }
0x42b: {  	s26 =	simm.s32 $0xA00;
	[sflag:s6] =	ssyncadd.s32 $0xFFFFCE00  }
0x42c: {  	[tilespmem:s14], [sflag:$0x3] =	stream.indirect.gather [hbm4b:s2+s9], $0x80, s26, s9, $0xb8;
	[tilespmem:$0x1F480] =	vst v63  }
0x42d: {  	_ =	swait.ge [sflag:s15], $0x3200  }
0x42e: {  	[sflag:s15] =	ssyncset.done $0x0  }
0x42f: {  	s1 =	simm.s32 $0x1900;
	[sflag:s15] =	ssyncadd.s32 $0xFFFFCE00  }
0x430: {  	[spmem:s3] =	stream.indirect.scatter.add.f32 [tilespmem:s10], [sflag:$0x4], $0x80, s1, s9, $0xb8;
	[tilespmem:$0x1F480] =	vst v63  }
0x431: {  	_ =	swait.ge [sflag:s6], $0x3200  }
0x432: {  	[sflag:s6] =	ssyncset.done $0x0  }
0x433: {  	s7 =	simm.s32 $0xA80;
	[sflag:s6] =	ssyncadd.s32 $0xFFFFCE00  }
0x434: {  	[tilespmem:s10], [sflag:$0x1] =	stream.indirect.gather [hbm4b:s2+s9], $0x80, s7, s9, $0xb8;
	[tilespmem:$0x1F480] =	vst v63  }
0x435: {  	_ =	swait.ge [sflag:s17], $0x3200  }
0x436: {  	[sflag:s17] =	ssyncset.done $0x0  }
0x437: {  	s8 =	simm.s32 $0x1980;
	[sflag:s17] =	ssyncadd.s32 $0xFFFFCE00  }
0x438: {  	[spmem:s3] =	stream.indirect.scatter.add.f32 [tilespmem:s12], [sflag:$0x4], $0x80, s8, s9, $0xb8;
	[tilespmem:$0x1F480] =	vst v63  }
0x439: {  	_ =	swait.ge [sflag:s6], $0x3200  }
0x43a: {  	[sflag:s6] =	ssyncset.done $0x0  }
0x43b: {  	s13 =	simm.s32 $0xB00;
	[sflag:s6] =	ssyncadd.s32 $0xFFFFCE00  }
0x43c: {  	[tilespmem:s12], [sflag:$0x2] =	stream.indirect.gather [hbm4b:s2+s9], $0x80, s13, s9, $0xb8;
	[tilespmem:$0x1F480] =	vst v63  }
0x43d: {  	_ =	swait.ge [sflag:s20], $0x3200  }
0x43e: {  	[sflag:s20] =	ssyncset.done $0x0  }
0x43f: {  	s16 =	simm.s32 $0x1A00;
	[sflag:s20] =	ssyncadd.s32 $0xFFFFCE00  }
0x440: {  	[spmem:s3] =	stream.indirect.scatter.add.f32 [tilespmem:s14], [sflag:$0x4], $0x80, s16, s9, $0xb8;
	[tilespmem:$0x1F480] =	vst v63  }
0x441: {  	_ =	swait.ge [sflag:s6], $0x3200  }
0x442: {  	[sflag:s6] =	ssyncset.done $0x0  }
0x443: {  	s18 =	simm.s32 $0xB80;
	[sflag:s6] =	ssyncadd.s32 $0xFFFFCE00  }
0x444: {  	[tilespmem:s14], [sflag:$0x3] =	stream.indirect.gather [hbm4b:s2+s9], $0x80, s18, s9, $0xb8;
	[tilespmem:$0x1F480] =	vst v63  }
0x445: {  	_ =	swait.ge [sflag:s15], $0x3200  }
0x446: {  	[sflag:s15] =	ssyncset.done $0x0  }
0x447: {  	s19 =	simm.s32 $0x1A80;
	[sflag:s15] =	ssyncadd.s32 $0xFFFFCE00  }
0x448: {  	[spmem:s3] =	stream.indirect.scatter.add.f32 [tilespmem:s10], [sflag:$0x4], $0x80, s19, s9, $0xb8;
	[tilespmem:$0x1F480] =	vst v63  }
0x449: {  	_ =	swait.ge [sflag:s6], $0x3200  }
0x44a: {  	[sflag:s6] =	ssyncset.done $0x0  }
0x44b: {  	s21 =	simm.s32 $0xC00;
	[sflag:s6] =	ssyncadd.s32 $0xFFFFCE00  }
0x44c: {  	[tilespmem:s10], [sflag:$0x1] =	stream.indirect.gather [hbm4b:s2+s9], $0x80, s21, s9, $0xb8;
	[tilespmem:$0x1F480] =	vst v63  }
0x44d: {  	_ =	swait.ge [sflag:s17], $0x3200  }
0x44e: {  	[sflag:s17] =	ssyncset.done $0x0  }
0x44f: {  	s22 =	simm.s32 $0x1B00;
	[sflag:s17] =	ssyncadd.s32 $0xFFFFCE00  }
0x450: {  	[spmem:s3] =	stream.indirect.scatter.add.f32 [tilespmem:s12], [sflag:$0x4], $0x80, s22, s9, $0xb8;
	[tilespmem:$0x1F480] =	vst v63  }
0x451: {  	_ =	swait.ge [sflag:s6], $0x3200  }
0x452: {  	[sflag:s6] =	ssyncset.done $0x0  }
0x453: {  	[sflag:s6] =	ssyncadd.s32 $0xFFFFCE00  }
0x454: {  	_ =	swait.ge [sflag:s20], $0x3200  }
0x455: {  	[sflag:s20] =	ssyncset.done $0x0  }
0x456: {  	s23 =	simm.s32 $0x1B80;
	[sflag:s20] =	ssyncadd.s32 $0xFFFFCE00  }
0x457: {  	[spmem:s3] =	stream.indirect.scatter.add.f32 [tilespmem:s14], [sflag:$0x4], $0x80, s23, s9, $0xb8;
	[tilespmem:$0x1F480] =	vst v63  }
0x458: {  	_ =	swait.ge [sflag:s6], $0x3200  }
0x459: {  	[sflag:s6] =	ssyncset.done $0x0  }
0x45a: {  	[sflag:s6] =	ssyncadd.s32 $0xFFFFCE00  }
0x45b: {  	_ =	swait.ge [sflag:s15], $0x3200  }
0x45c: {  	[sflag:s15] =	ssyncset.done $0x0  }
0x45d: {  	s24 =	simm.s32 $0x1C00;
	[sflag:s15] =	ssyncadd.s32 $0xFFFFCE00  }
0x45e: {  	[spmem:s3] =	stream.indirect.scatter.add.f32 [tilespmem:s10], [sflag:$0x4], $0x80, s24, s9, $0xb8;
	[tilespmem:$0x1F480] =	vst v63  }
0x45f: {  	_ =	swait.ge [sflag:s6], $0x3200  }
0x460: {  	[sflag:s6] =	ssyncset.done $0x0  }
0x461: {  	s25 =	rddreg [dreg:$0xb];
	[sflag:s6] =	ssyncadd.s32 $0xFFFFCE00  }
0x462: {  	[tilespmem:s0], [sflag:$0x4] =	stream.linear.gather [hbm4b:s25+s0], $0xC80, $0x38;
	[tilespmem:$0x1F480] =	vst v63  }
0x463: {  	_ =	swait.ge [sflag:s6], $0xC80  }
0x464: {  	[sflag:s6] =	ssyncset.done $0x0  }
0x465: {  	s26 =	rddreg [dreg:$0xc];
	[sflag:s6] =	ssyncadd.s32 $0xFFFFF380  }
0x466: {  	[tilespmem:s4], [sflag:$0x4] =	stream.linear.gather [hbm4b:s26+s0], $0xC80, $0x38;
	[tilespmem:$0x1F480] =	vst v63  }
0x467: {  	_ =	swait.ge [sflag:s6], $0xC80  }
0x468: {  	[sflag:s6] =	ssyncset.done $0x0  }
0x469: {  	[sflag:s6] =	ssyncadd.s32 $0xFFFFF380  }
0x46a: {  	[tilespmem:s10], [sflag:$0x1] =	stream.indirect.gather [hbm4b:s2+s9], $0x80, s0, s9, $0xb8;
	[tilespmem:$0x1F480] =	vst v63  }
0x46b: {  	s5 =	simm.s32 $0x80  }
0x46c: {  	[tilespmem:s12], [sflag:$0x2] =	stream.indirect.gather [hbm4b:s2+s9], $0x80, s5, s9, $0xb8;
	[tilespmem:$0x1F480] =	vst v63  }
0x46d: {  	s7 =	simm.s32 $0x100  }
0x46e: {  	[tilespmem:s14], [sflag:$0x3] =	stream.indirect.gather [hbm4b:s2+s9], $0x80, s7, s9, $0xb8;
	[tilespmem:$0x1F480] =	vst v63  }
0x46f: {  	_ =	swait.ge [sflag:s15], $0x3200  }
0x470: {  	[sflag:s15] =	ssyncset.done $0x0  }
0x471: {  	[sflag:s15] =	ssyncadd.s32 $0xFFFFCE00  }
0x472: {  	[spmem:s3] =	stream.indirect.scatter.add.f32 [tilespmem:s10], [sflag:$0x4], $0x80, s4, s9, $0xb8;
	[tilespmem:$0x1F480] =	vst v63  }
0x473: {  	_ =	swait.ge [sflag:s6], $0x3200  }
0x474: {  	[sflag:s6] =	ssyncset.done $0x0  }
0x475: {  	s8 =	simm.s32 $0x180;
	[sflag:s6] =	ssyncadd.s32 $0xFFFFCE00  }
0x476: {  	[tilespmem:s10], [sflag:$0x1] =	stream.indirect.gather [hbm4b:s2+s9], $0x80, s8, s9, $0xb8;
	[tilespmem:$0x1F480] =	vst v63  }
0x477: {  	_ =	swait.ge [sflag:s17], $0x3200  }
0x478: {  	[sflag:s17] =	ssyncset.done $0x0  }
0x479: {  	s13 =	simm.s32 $0x1080;
	[sflag:s17] =	ssyncadd.s32 $0xFFFFCE00  }
0x47a: {  	[spmem:s3] =	stream.indirect.scatter.add.f32 [tilespmem:s12], [sflag:$0x4], $0x80, s13, s9, $0xb8;
	[tilespmem:$0x1F480] =	vst v63  }
0x47b: {  	_ =	swait.ge [sflag:s6], $0x3200  }
0x47c: {  	[sflag:s6] =	ssyncset.done $0x0  }
0x47d: {  	s16 =	simm.s32 $0x200;
	[sflag:s6] =	ssyncadd.s32 $0xFFFFCE00  }
0x47e: {  	[tilespmem:s12], [sflag:$0x2] =	stream.indirect.gather [hbm4b:s2+s9], $0x80, s16, s9, $0xb8;
	[tilespmem:$0x1F480] =	vst v63  }
0x47f: {  	_ =	swait.ge [sflag:s20], $0x3200  }
0x480: {  	[sflag:s20] =	ssyncset.done $0x0  }
0x481: {  	s18 =	simm.s32 $0x1100;
	[sflag:s20] =	ssyncadd.s32 $0xFFFFCE00  }
0x482: {  	[spmem:s3] =	stream.indirect.scatter.add.f32 [tilespmem:s14], [sflag:$0x4], $0x80, s18, s9, $0xb8;
	[tilespmem:$0x1F480] =	vst v63  }
0x483: {  	_ =	swait.ge [sflag:s6], $0x3200  }
0x484: {  	[sflag:s6] =	ssyncset.done $0x0  }
0x485: {  	s19 =	simm.s32 $0x280;
	[sflag:s6] =	ssyncadd.s32 $0xFFFFCE00  }
0x486: {  	[tilespmem:s14], [sflag:$0x3] =	stream.indirect.gather [hbm4b:s2+s9], $0x80, s19, s9, $0xb8;
	[tilespmem:$0x1F480] =	vst v63  }
0x487: {  	_ =	swait.ge [sflag:s15], $0x3200  }
0x488: {  	[sflag:s15] =	ssyncset.done $0x0  }
0x489: {  	s21 =	simm.s32 $0x1180;
	[sflag:s15] =	ssyncadd.s32 $0xFFFFCE00  }
0x48a: {  	[spmem:s3] =	stream.indirect.scatter.add.f32 [tilespmem:s10], [sflag:$0x4], $0x80, s21, s9, $0xb8;
	[tilespmem:$0x1F480] =	vst v63  }
0x48b: {  	_ =	swait.ge [sflag:s6], $0x3200  }
0x48c: {  	[sflag:s6] =	ssyncset.done $0x0  }
0x48d: {  	s22 =	simm.s32 $0x300;
	[sflag:s6] =	ssyncadd.s32 $0xFFFFCE00  }
0x48e: {  	[tilespmem:s10], [sflag:$0x1] =	stream.indirect.gather [hbm4b:s2+s9], $0x80, s22, s9, $0xb8;
	[tilespmem:$0x1F480] =	vst v63  }
0x48f: {  	_ =	swait.ge [sflag:s17], $0x3200  }
0x490: {  	[sflag:s17] =	ssyncset.done $0x0  }
0x491: {  	s23 =	simm.s32 $0x1200;
	[sflag:s17] =	ssyncadd.s32 $0xFFFFCE00  }
0x492: {  	[spmem:s3] =	stream.indirect.scatter.add.f32 [tilespmem:s12], [sflag:$0x4], $0x80, s23, s9, $0xb8;
	[tilespmem:$0x1F480] =	vst v63  }
0x493: {  	_ =	swait.ge [sflag:s6], $0x3200  }
0x494: {  	[sflag:s6] =	ssyncset.done $0x0  }
0x495: {  	s24 =	simm.s32 $0x380;
	[sflag:s6] =	ssyncadd.s32 $0xFFFFCE00  }
0x496: {  	[tilespmem:s12], [sflag:$0x2] =	stream.indirect.gather [hbm4b:s2+s9], $0x80, s24, s9, $0xb8;
	[tilespmem:$0x1F480] =	vst v63  }
0x497: {  	_ =	swait.ge [sflag:s20], $0x3200  }
0x498: {  	[sflag:s20] =	ssyncset.done $0x0  }
0x499: {  	s25 =	simm.s32 $0x1280;
	[sflag:s20] =	ssyncadd.s32 $0xFFFFCE00  }
0x49a: {  	[spmem:s3] =	stream.indirect.scatter.add.f32 [tilespmem:s14], [sflag:$0x4], $0x80, s25, s9, $0xb8;
	[tilespmem:$0x1F480] =	vst v63  }
0x49b: {  	_ =	swait.ge [sflag:s6], $0x3200  }
0x49c: {  	[sflag:s6] =	ssyncset.done $0x0  }
0x49d: {  	s26 =	simm.s32 $0x400;
	[sflag:s6] =	ssyncadd.s32 $0xFFFFCE00  }
0x49e: {  	[tilespmem:s14], [sflag:$0x3] =	stream.indirect.gather [hbm4b:s2+s9], $0x80, s26, s9, $0xb8;
	[tilespmem:$0x1F480] =	vst v63  }
0x49f: {  	_ =	swait.ge [sflag:s15], $0x3200  }
0x4a0: {  	[sflag:s15] =	ssyncset.done $0x0  }
0x4a1: {  	s1 =	simm.s32 $0x1300;
	[sflag:s15] =	ssyncadd.s32 $0xFFFFCE00  }
0x4a2: {  	[spmem:s3] =	stream.indirect.scatter.add.f32 [tilespmem:s10], [sflag:$0x4], $0x80, s1, s9, $0xb8;
	[tilespmem:$0x1F480] =	vst v63  }
0x4a3: {  	_ =	swait.ge [sflag:s6], $0x3200  }
0x4a4: {  	[sflag:s6] =	ssyncset.done $0x0  }
0x4a5: {  	s5 =	simm.s32 $0x480;
	[sflag:s6] =	ssyncadd.s32 $0xFFFFCE00  }
0x4a6: {  	[tilespmem:s10], [sflag:$0x1] =	stream.indirect.gather [hbm4b:s2+s9], $0x80, s5, s9, $0xb8;
	[tilespmem:$0x1F480] =	vst v63  }
0x4a7: {  	_ =	swait.ge [sflag:s17], $0x3200  }
0x4a8: {  	[sflag:s17] =	ssyncset.done $0x0  }
0x4a9: {  	s11 =	simm.s32 $0x1380;
	[sflag:s17] =	ssyncadd.s32 $0xFFFFCE00  }
0x4aa: {  	[spmem:s3] =	stream.indirect.scatter.add.f32 [tilespmem:s12], [sflag:$0x4], $0x80, s11, s9, $0xb8;
	[tilespmem:$0x1F480] =	vst v63  }
0x4ab: {  	_ =	swait.ge [sflag:s6], $0x3200  }
0x4ac: {  	[sflag:s6] =	ssyncset.done $0x0  }
0x4ad: {  	s11 =	simm.s32 $0x500;
	[sflag:s6] =	ssyncadd.s32 $0xFFFFCE00  }
0x4ae: {  	[tilespmem:s12], [sflag:$0x2] =	stream.indirect.gather [hbm4b:s2+s9], $0x80, s11, s9, $0xb8;
	[tilespmem:$0x1F480] =	vst v63  }
0x4af: {  	_ =	swait.ge [sflag:s20], $0x3200  }
0x4b0: {  	[sflag:s20] =	ssyncset.done $0x0  }
0x4b1: {  	s30 =	simm.s32 $0x1400;
	[sflag:s20] =	ssyncadd.s32 $0xFFFFCE00  }
0x4b2: {  	[spmem:s3] =	stream.indirect.scatter.add.f32 [tilespmem:s14], [sflag:$0x4], $0x80, s30, s9, $0xb8;
	[tilespmem:$0x1F480] =	vst v63  }
0x4b3: {  	_ =	swait.ge [sflag:s6], $0x3200  }
0x4b4: {  	[sflag:s6] =	ssyncset.done $0x0  }
0x4b5: {  	s11 =	simm.s32 $0x580;
	[sflag:s6] =	ssyncadd.s32 $0xFFFFCE00  }
0x4b6: {  	[tilespmem:s14], [sflag:$0x3] =	stream.indirect.gather [hbm4b:s2+s9], $0x80, s11, s9, $0xb8;
	[tilespmem:$0x1F480] =	vst v63  }
0x4b7: {  	_ =	swait.ge [sflag:s15], $0x3200  }
0x4b8: {  	[sflag:s15] =	ssyncset.done $0x0  }
0x4b9: {  	s11 =	simm.s32 $0x1480;
	[sflag:s15] =	ssyncadd.s32 $0xFFFFCE00  }
0x4ba: {  	[spmem:s3] =	stream.indirect.scatter.add.f32 [tilespmem:s10], [sflag:$0x4], $0x80, s11, s9, $0xb8;
	[tilespmem:$0x1F480] =	vst v63  }
0x4bb: {  	_ =	swait.ge [sflag:s6], $0x3200  }
0x4bc: {  	[sflag:s6] =	ssyncset.done $0x0  }
0x4bd: {  	s11 =	simm.s32 $0x600;
	[sflag:s6] =	ssyncadd.s32 $0xFFFFCE00  }
0x4be: {  	[tilespmem:s10], [sflag:$0x1] =	stream.indirect.gather [hbm4b:s2+s9], $0x80, s11, s9, $0xb8;
	[tilespmem:$0x1F480] =	vst v63  }
0x4bf: {  	_ =	swait.ge [sflag:s17], $0x3200  }
0x4c0: {  	[sflag:s17] =	ssyncset.done $0x0  }
0x4c1: {  	s11 =	simm.s32 $0x1500;
	[sflag:s17] =	ssyncadd.s32 $0xFFFFCE00  }
0x4c2: {  	[spmem:s3] =	stream.indirect.scatter.add.f32 [tilespmem:s12], [sflag:$0x4], $0x80, s11, s9, $0xb8;
	[tilespmem:$0x1F480] =	vst v63  }
0x4c3: {  	_ =	swait.ge [sflag:s6], $0x3200  }
0x4c4: {  	[sflag:s6] =	ssyncset.done $0x0  }
0x4c5: {  	s11 =	simm.s32 $0x680;
	[sflag:s6] =	ssyncadd.s32 $0xFFFFCE00  }
0x4c6: {  	[tilespmem:s12], [sflag:$0x2] =	stream.indirect.gather [hbm4b:s2+s9], $0x80, s11, s9, $0xb8;
	[tilespmem:$0x1F480] =	vst v63  }
0x4c7: {  	_ =	swait.ge [sflag:s20], $0x3200  }
0x4c8: {  	[sflag:s20] =	ssyncset.done $0x0  }
0x4c9: {  	s11 =	simm.s32 $0x1580;
	[sflag:s20] =	ssyncadd.s32 $0xFFFFCE00  }
0x4ca: {  	[spmem:s3] =	stream.indirect.scatter.add.f32 [tilespmem:s14], [sflag:$0x4], $0x80, s11, s9, $0xb8;
	[tilespmem:$0x1F480] =	vst v63  }
0x4cb: {  	_ =	swait.ge [sflag:s6], $0x3200  }
0x4cc: {  	[sflag:s6] =	ssyncset.done $0x0  }
0x4cd: {  	s11 =	simm.s32 $0x700;
	[sflag:s6] =	ssyncadd.s32 $0xFFFFCE00  }
0x4ce: {  	[tilespmem:s14], [sflag:$0x3] =	stream.indirect.gather [hbm4b:s2+s9], $0x80, s11, s9, $0xb8;
	[tilespmem:$0x1F480] =	vst v63  }
0x4cf: {  	_ =	swait.ge [sflag:s15], $0x3200  }
0x4d0: {  	[sflag:s15] =	ssyncset.done $0x0  }
0x4d1: {  	s11 =	simm.s32 $0x1600;
	[sflag:s15] =	ssyncadd.s32 $0xFFFFCE00  }
0x4d2: {  	[spmem:s3] =	stream.indirect.scatter.add.f32 [tilespmem:s10], [sflag:$0x4], $0x80, s11, s9, $0xb8;
	[tilespmem:$0x1F480] =	vst v63  }
0x4d3: {  	_ =	swait.ge [sflag:s6], $0x3200  }
0x4d4: {  	[sflag:s6] =	ssyncset.done $0x0  }
0x4d5: {  	s11 =	simm.s32 $0x780;
	[sflag:s6] =	ssyncadd.s32 $0xFFFFCE00  }
0x4d6: {  	[tilespmem:s10], [sflag:$0x1] =	stream.indirect.gather [hbm4b:s2+s9], $0x80, s11, s9, $0xb8;
	[tilespmem:$0x1F480] =	vst v63  }
0x4d7: {  	_ =	swait.ge [sflag:s17], $0x3200  }
0x4d8: {  	[sflag:s17] =	ssyncset.done $0x0  }
0x4d9: {  	s11 =	simm.s32 $0x1680;
	[sflag:s17] =	ssyncadd.s32 $0xFFFFCE00  }
0x4da: {  	[spmem:s3] =	stream.indirect.scatter.add.f32 [tilespmem:s12], [sflag:$0x4], $0x80, s11, s9, $0xb8;
	[tilespmem:$0x1F480] =	vst v63  }
0x4db: {  	_ =	swait.ge [sflag:s6], $0x3200  }
0x4dc: {  	[sflag:s6] =	ssyncset.done $0x0  }
0x4dd: {  	s11 =	simm.s32 $0x800;
	[sflag:s6] =	ssyncadd.s32 $0xFFFFCE00  }
0x4de: {  	[tilespmem:s12], [sflag:$0x2] =	stream.indirect.gather [hbm4b:s2+s9], $0x80, s11, s9, $0xb8;
	[tilespmem:$0x1F480] =	vst v63  }
0x4df: {  	_ =	swait.ge [sflag:s20], $0x3200  }
0x4e0: {  	[sflag:s20] =	ssyncset.done $0x0  }
0x4e1: {  	s11 =	simm.s32 $0x1700;
	[sflag:s20] =	ssyncadd.s32 $0xFFFFCE00  }
0x4e2: {  	[spmem:s3] =	stream.indirect.scatter.add.f32 [tilespmem:s14], [sflag:$0x4], $0x80, s11, s9, $0xb8;
	[tilespmem:$0x1F480] =	vst v63  }
0x4e3: {  	_ =	swait.ge [sflag:s6], $0x3200  }
0x4e4: {  	[sflag:s6] =	ssyncset.done $0x0  }
0x4e5: {  	s11 =	simm.s32 $0x880;
	[sflag:s6] =	ssyncadd.s32 $0xFFFFCE00  }
0x4e6: {  	[tilespmem:s14], [sflag:$0x3] =	stream.indirect.gather [hbm4b:s2+s9], $0x80, s11, s9, $0xb8;
	[tilespmem:$0x1F480] =	vst v63  }
0x4e7: {  	_ =	swait.ge [sflag:s15], $0x3200  }
0x4e8: {  	[sflag:s15] =	ssyncset.done $0x0  }
0x4e9: {  	s29 =	simm.s32 $0x1780;
	[sflag:s15] =	ssyncadd.s32 $0xFFFFCE00  }
0x4ea: {  	[spmem:s3] =	stream.indirect.scatter.add.f32 [tilespmem:s10], [sflag:$0x4], $0x80, s29, s9, $0xb8;
	[tilespmem:$0x1F480] =	vst v63  }
0x4eb: {  	_ =	swait.ge [sflag:s6], $0x3200  }
0x4ec: {  	[sflag:s6] =	ssyncset.done $0x0  }
0x4ed: {  	s29 =	simm.s32 $0x900;
	[sflag:s6] =	ssyncadd.s32 $0xFFFFCE00  }
0x4ee: {  	[tilespmem:s10], [sflag:$0x1] =	stream.indirect.gather [hbm4b:s2+s9], $0x80, s29, s9, $0xb8;
	[tilespmem:$0x1F480] =	vst v63  }
0x4ef: {  	_ =	swait.ge [sflag:s17], $0x3200  }
0x4f0: {  	[sflag:s17] =	ssyncset.done $0x0  }
0x4f1: {  	s29 =	simm.s32 $0x1800;
	[sflag:s17] =	ssyncadd.s32 $0xFFFFCE00  }
0x4f2: {  	[spmem:s3] =	stream.indirect.scatter.add.f32 [tilespmem:s12], [sflag:$0x4], $0x80, s29, s9, $0xb8;
	[tilespmem:$0x1F480] =	vst v63  }
0x4f3: {  	_ =	swait.ge [sflag:s6], $0x3200  }
0x4f4: {  	[sflag:s6] =	ssyncset.done $0x0  }
0x4f5: {  	s29 =	simm.s32 $0x980;
	[sflag:s6] =	ssyncadd.s32 $0xFFFFCE00  }
0x4f6: {  	[tilespmem:s12], [sflag:$0x2] =	stream.indirect.gather [hbm4b:s2+s9], $0x80, s29, s9, $0xb8;
	[tilespmem:$0x1F480] =	vst v63  }
0x4f7: {  	_ =	swait.ge [sflag:s20], $0x3200  }
0x4f8: {  	[sflag:s20] =	ssyncset.done $0x0  }
0x4f9: {  	s29 =	simm.s32 $0x1880;
	[sflag:s20] =	ssyncadd.s32 $0xFFFFCE00  }
0x4fa: {  	[spmem:s3] =	stream.indirect.scatter.add.f32 [tilespmem:s14], [sflag:$0x4], $0x80, s29, s9, $0xb8;
	[tilespmem:$0x1F480] =	vst v63  }
0x4fb: {  	_ =	swait.ge [sflag:s6], $0x3200  }
0x4fc: {  	[sflag:s6] =	ssyncset.done $0x0  }
0x4fd: {  	s29 =	simm.s32 $0xA00;
	[sflag:s6] =	ssyncadd.s32 $0xFFFFCE00  }
0x4fe: {  	[tilespmem:s14], [sflag:$0x3] =	stream.indirect.gather [hbm4b:s2+s9], $0x80, s29, s9, $0xb8;
	[tilespmem:$0x1F480] =	vst v63  }
0x4ff: {  	_ =	swait.ge [sflag:s15], $0x3200  }
0x500: {  	[sflag:s15] =	ssyncset.done $0x0  }
0x501: {  	s29 =	simm.s32 $0x1900;
	[sflag:s15] =	ssyncadd.s32 $0xFFFFCE00  }
0x502: {  	[spmem:s3] =	stream.indirect.scatter.add.f32 [tilespmem:s10], [sflag:$0x4], $0x80, s29, s9, $0xb8;
	[tilespmem:$0x1F480] =	vst v63  }
0x503: {  	_ =	swait.ge [sflag:s6], $0x3200  }
0x504: {  	[sflag:s6] =	ssyncset.done $0x0  }
0x505: {  	s29 =	simm.s32 $0xA80;
	[sflag:s6] =	ssyncadd.s32 $0xFFFFCE00  }
0x506: {  	[tilespmem:s10], [sflag:$0x1] =	stream.indirect.gather [hbm4b:s2+s9], $0x80, s29, s9, $0xb8;
	[tilespmem:$0x1F480] =	vst v63  }
0x507: {  	_ =	swait.ge [sflag:s17], $0x3200  }
0x508: {  	[sflag:s17] =	ssyncset.done $0x0  }
0x509: {  	s29 =	simm.s32 $0x1980;
	[sflag:s17] =	ssyncadd.s32 $0xFFFFCE00  }
0x50a: {  	[spmem:s3] =	stream.indirect.scatter.add.f32 [tilespmem:s12], [sflag:$0x4], $0x80, s29, s9, $0xb8;
	[tilespmem:$0x1F480] =	vst v63  }
0x50b: {  	_ =	swait.ge [sflag:s6], $0x3200  }
0x50c: {  	[sflag:s6] =	ssyncset.done $0x0  }
0x50d: {  	s29 =	simm.s32 $0xB00;
	[sflag:s6] =	ssyncadd.s32 $0xFFFFCE00  }
0x50e: {  	[tilespmem:s12], [sflag:$0x2] =	stream.indirect.gather [hbm4b:s2+s9], $0x80, s29, s9, $0xb8;
	[tilespmem:$0x1F480] =	vst v63  }
0x50f: {  	_ =	swait.ge [sflag:s20], $0x3200  }
0x510: {  	[sflag:s20] =	ssyncset.done $0x0  }
0x511: {  	s29 =	simm.s32 $0x1A00;
	[sflag:s20] =	ssyncadd.s32 $0xFFFFCE00  }
0x512: {  	[spmem:s3] =	stream.indirect.scatter.add.f32 [tilespmem:s14], [sflag:$0x4], $0x80, s29, s9, $0xb8;
	[tilespmem:$0x1F480] =	vst v63  }
0x513: {  	_ =	swait.ge [sflag:s6], $0x3200  }
0x514: {  	[sflag:s6] =	ssyncset.done $0x0  }
0x515: {  	s29 =	simm.s32 $0xB80;
	[sflag:s6] =	ssyncadd.s32 $0xFFFFCE00  }
0x516: {  	[tilespmem:s14], [sflag:$0x3] =	stream.indirect.gather [hbm4b:s2+s9], $0x80, s29, s9, $0xb8;
	[tilespmem:$0x1F480] =	vst v63  }
0x517: {  	_ =	swait.ge [sflag:s15], $0x3200  }
0x518: {  	[sflag:s15] =	ssyncset.done $0x0  }
0x519: {  	s29 =	simm.s32 $0x1A80;
	[sflag:s15] =	ssyncadd.s32 $0xFFFFCE00  }
0x51a: {  	[spmem:s3] =	stream.indirect.scatter.add.f32 [tilespmem:s10], [sflag:$0x4], $0x80, s29, s9, $0xb8;
	[tilespmem:$0x1F480] =	vst v63  }
0x51b: {  	_ =	swait.ge [sflag:s6], $0x3200  }
0x51c: {  	[sflag:s6] =	ssyncset.done $0x0  }
0x51d: {  	s29 =	simm.s32 $0xC00;
	[sflag:s6] =	ssyncadd.s32 $0xFFFFCE00  }
0x51e: {  	[tilespmem:s10], [sflag:$0x1] =	stream.indirect.gather [hbm4b:s2+s9], $0x80, s29, s9, $0xb8;
	[tilespmem:$0x1F480] =	vst v63  }
0x51f: {  	_ =	swait.ge [sflag:s17], $0x3200  }
0x520: {  	[sflag:s17] =	ssyncset.done $0x0  }
0x521: {  	s29 =	simm.s32 $0x1B00;
	[sflag:s17] =	ssyncadd.s32 $0xFFFFCE00  }
0x522: {  	[spmem:s3] =	stream.indirect.scatter.add.f32 [tilespmem:s12], [sflag:$0x4], $0x80, s29, s9, $0xb8;
	[tilespmem:$0x1F480] =	vst v63  }
0x523: {  	_ =	swait.ge [sflag:s6], $0x3200  }
0x524: {  	[sflag:s6] =	ssyncset.done $0x0  }
0x525: {  	[sflag:s6] =	ssyncadd.s32 $0xFFFFCE00  }
0x526: {  	_ =	swait.ge [sflag:s20], $0x3200  }
0x527: {  	[sflag:s20] =	ssyncset.done $0x0  }
0x528: {  	s29 =	simm.s32 $0x1B80;
	[sflag:s20] =	ssyncadd.s32 $0xFFFFCE00  }
0x529: {  	[spmem:s3] =	stream.indirect.scatter.add.f32 [tilespmem:s14], [sflag:$0x4], $0x80, s29, s9, $0xb8;
	[tilespmem:$0x1F480] =	vst v63  }
0x52a: {  	_ =	swait.ge [sflag:s6], $0x3200  }
0x52b: {  	[sflag:s6] =	ssyncset.done $0x0  }
0x52c: {  	[sflag:s6] =	ssyncadd.s32 $0xFFFFCE00  }
0x52d: {  	_ =	swait.ge [sflag:s15], $0x3200  }
0x52e: {  	[sflag:s15] =	ssyncset.done $0x0  }
0x52f: {  	s29 =	simm.s32 $0x1C00;
	[sflag:s15] =	ssyncadd.s32 $0xFFFFCE00  }
0x530: {  	[spmem:s3] =	stream.indirect.scatter.add.f32 [tilespmem:s10], [sflag:$0x4], $0x80, s29, s9, $0xb8;
	[tilespmem:$0x1F480] =	vst v63  }
0x531: {  	_ =	swait.ge [sflag:s6], $0x3200  }
0x532: {  	[sflag:s6] =	ssyncset.done $0x0  }
0x533: {  	s29 =	rddreg [dreg:$0xd];
	[sflag:s6] =	ssyncadd.s32 $0xFFFFCE00  }
0x534: {  	[tilespmem:s0], [sflag:$0x4] =	stream.linear.gather [hbm4b:s29+s0], $0xC80, $0x38;
	[tilespmem:$0x1F480] =	vst v63  }
0x535: {  	_ =	swait.ge [sflag:s6], $0xC80  }
0x536: {  	[sflag:s6] =	ssyncset.done $0x0  }
0x537: {  	s29 =	rddreg [dreg:$0xe];
	[sflag:s6] =	ssyncadd.s32 $0xFFFFF380  }
0x538: {  	[tilespmem:s4], [sflag:$0x4] =	stream.linear.gather [hbm4b:s29+s0], $0xC80, $0x38;
	[tilespmem:$0x1F480] =	vst v63  }
0x539: {  	_ =	swait.ge [sflag:s6], $0xC80  }
0x53a: {  	[sflag:s6] =	ssyncset.done $0x0  }
0x53b: {  	[sflag:s6] =	ssyncadd.s32 $0xFFFFF380  }
0x53c: {  	[tilespmem:s10], [sflag:$0x1] =	stream.indirect.gather [hbm4b:s2+s9], $0x80, s0, s9, $0xb8;
	[tilespmem:$0x1F480] =	vst v63  }
0x53d: {  	s29 =	simm.s32 $0x80  }
0x53e: {  	[tilespmem:s12], [sflag:$0x2] =	stream.indirect.gather [hbm4b:s2+s9], $0x80, s29, s9, $0xb8;
	[tilespmem:$0x1F480] =	vst v63  }
0x53f: {  	_ = 	snop  }
0x540: {  	[tilespmem:s14], [sflag:$0x3] =	stream.indirect.gather [hbm4b:s2+s9], $0x80, s7, s9, $0xb8;
	[tilespmem:$0x1F480] =	vst v63  }
0x541: {  	_ =	swait.ge [sflag:s15], $0x3200  }
0x542: {  	[sflag:s15] =	ssyncset.done $0x0  }
0x543: {  	[sflag:s15] =	ssyncadd.s32 $0xFFFFCE00  }
0x544: {  	[spmem:s3] =	stream.indirect.scatter.add.f32 [tilespmem:s10], [sflag:$0x4], $0x80, s4, s9, $0xb8;
	[tilespmem:$0x1F480] =	vst v63  }
0x545: {  	_ =	swait.ge [sflag:s6], $0x3200  }
0x546: {  	[sflag:s6] =	ssyncset.done $0x0  }
0x547: {  	[sflag:s6] =	ssyncadd.s32 $0xFFFFCE00  }
0x548: {  	[tilespmem:s10], [sflag:$0x1] =	stream.indirect.gather [hbm4b:s2+s9], $0x80, s8, s9, $0xb8;
	[tilespmem:$0x1F480] =	vst v63  }
0x549: {  	_ =	swait.ge [sflag:s17], $0x3200  }
0x54a: {  	[sflag:s17] =	ssyncset.done $0x0  }
0x54b: {  	[sflag:s17] =	ssyncadd.s32 $0xFFFFCE00  }
0x54c: {  	[spmem:s3] =	stream.indirect.scatter.add.f32 [tilespmem:s12], [sflag:$0x4], $0x80, s13, s9, $0xb8;
	[tilespmem:$0x1F480] =	vst v63  }
0x54d: {  	_ =	swait.ge [sflag:s6], $0x3200  }
0x54e: {  	[sflag:s6] =	ssyncset.done $0x0  }
0x54f: {  	[sflag:s6] =	ssyncadd.s32 $0xFFFFCE00  }
0x550: {  	[tilespmem:s12], [sflag:$0x2] =	stream.indirect.gather [hbm4b:s2+s9], $0x80, s16, s9, $0xb8;
	[tilespmem:$0x1F480] =	vst v63  }
0x551: {  	_ =	swait.ge [sflag:s20], $0x3200  }
0x552: {  	[sflag:s20] =	ssyncset.done $0x0  }
0x553: {  	[sflag:s20] =	ssyncadd.s32 $0xFFFFCE00  }
0x554: {  	[spmem:s3] =	stream.indirect.scatter.add.f32 [tilespmem:s14], [sflag:$0x4], $0x80, s18, s9, $0xb8;
	[tilespmem:$0x1F480] =	vst v63  }
0x555: {  	_ =	swait.ge [sflag:s6], $0x3200  }
0x556: {  	[sflag:s6] =	ssyncset.done $0x0  }
0x557: {  	[sflag:s6] =	ssyncadd.s32 $0xFFFFCE00  }
0x558: {  	[tilespmem:s14], [sflag:$0x3] =	stream.indirect.gather [hbm4b:s2+s9], $0x80, s19, s9, $0xb8;
	[tilespmem:$0x1F480] =	vst v63  }
0x559: {  	_ =	swait.ge [sflag:s15], $0x3200  }
0x55a: {  	[sflag:s15] =	ssyncset.done $0x0  }
0x55b: {  	[sflag:s15] =	ssyncadd.s32 $0xFFFFCE00  }
0x55c: {  	[spmem:s3] =	stream.indirect.scatter.add.f32 [tilespmem:s10], [sflag:$0x4], $0x80, s21, s9, $0xb8;
	[tilespmem:$0x1F480] =	vst v63  }
0x55d: {  	_ =	swait.ge [sflag:s6], $0x3200  }
0x55e: {  	[sflag:s6] =	ssyncset.done $0x0  }
0x55f: {  	[sflag:s6] =	ssyncadd.s32 $0xFFFFCE00  }
0x560: {  	[tilespmem:s10], [sflag:$0x1] =	stream.indirect.gather [hbm4b:s2+s9], $0x80, s22, s9, $0xb8;
	[tilespmem:$0x1F480] =	vst v63  }
0x561: {  	_ =	swait.ge [sflag:s17], $0x3200  }
0x562: {  	[sflag:s17] =	ssyncset.done $0x0  }
0x563: {  	[sflag:s17] =	ssyncadd.s32 $0xFFFFCE00  }
0x564: {  	[spmem:s3] =	stream.indirect.scatter.add.f32 [tilespmem:s12], [sflag:$0x4], $0x80, s23, s9, $0xb8;
	[tilespmem:$0x1F480] =	vst v63  }
0x565: {  	_ =	swait.ge [sflag:s6], $0x3200  }
0x566: {  	[sflag:s6] =	ssyncset.done $0x0  }
0x567: {  	[sflag:s6] =	ssyncadd.s32 $0xFFFFCE00  }
0x568: {  	[tilespmem:s12], [sflag:$0x2] =	stream.indirect.gather [hbm4b:s2+s9], $0x80, s24, s9, $0xb8;
	[tilespmem:$0x1F480] =	vst v63  }
0x569: {  	_ =	swait.ge [sflag:s20], $0x3200  }
0x56a: {  	[sflag:s20] =	ssyncset.done $0x0  }
0x56b: {  	[sflag:s20] =	ssyncadd.s32 $0xFFFFCE00  }
0x56c: {  	[spmem:s3] =	stream.indirect.scatter.add.f32 [tilespmem:s14], [sflag:$0x4], $0x80, s25, s9, $0xb8;
	[tilespmem:$0x1F480] =	vst v63  }
0x56d: {  	_ =	swait.ge [sflag:s6], $0x3200  }
0x56e: {  	[sflag:s6] =	ssyncset.done $0x0  }
0x56f: {  	[sflag:s6] =	ssyncadd.s32 $0xFFFFCE00  }
0x570: {  	[tilespmem:s14], [sflag:$0x3] =	stream.indirect.gather [hbm4b:s2+s9], $0x80, s26, s9, $0xb8;
	[tilespmem:$0x1F480] =	vst v63  }
0x571: {  	_ =	swait.ge [sflag:s15], $0x3200  }
0x572: {  	[sflag:s15] =	ssyncset.done $0x0  }
0x573: {  	[sflag:s15] =	ssyncadd.s32 $0xFFFFCE00  }
0x574: {  	[spmem:s3] =	stream.indirect.scatter.add.f32 [tilespmem:s10], [sflag:$0x4], $0x80, s1, s9, $0xb8;
	[tilespmem:$0x1F480] =	vst v63  }
0x575: {  	_ =	swait.ge [sflag:s6], $0x3200  }
0x576: {  	[sflag:s6] =	ssyncset.done $0x0  }
0x577: {  	[sflag:s6] =	ssyncadd.s32 $0xFFFFCE00  }
0x578: {  	[tilespmem:s10], [sflag:$0x1] =	stream.indirect.gather [hbm4b:s2+s9], $0x80, s5, s9, $0xb8;
	[tilespmem:$0x1F480] =	vst v63  }
0x579: {  	_ =	swait.ge [sflag:s17], $0x3200  }
0x57a: {  	[sflag:s17] =	ssyncset.done $0x0  }
0x57b: {  	s29 =	simm.s32 $0x1380;
	[sflag:s17] =	ssyncadd.s32 $0xFFFFCE00  }
0x57c: {  	[spmem:s3] =	stream.indirect.scatter.add.f32 [tilespmem:s12], [sflag:$0x4], $0x80, s29, s9, $0xb8;
	[tilespmem:$0x1F480] =	vst v63  }
0x57d: {  	_ =	swait.ge [sflag:s6], $0x3200  }
0x57e: {  	[sflag:s6] =	ssyncset.done $0x0  }
0x57f: {  	s29 =	simm.s32 $0x500;
	[sflag:s6] =	ssyncadd.s32 $0xFFFFCE00  }
0x580: {  	[tilespmem:s12], [sflag:$0x2] =	stream.indirect.gather [hbm4b:s2+s9], $0x80, s29, s9, $0xb8;
	[tilespmem:$0x1F480] =	vst v63  }
0x581: {  	_ =	swait.ge [sflag:s20], $0x3200  }
0x582: {  	[sflag:s20] =	ssyncset.done $0x0  }
0x583: {  	s30 =	simm.s32 $0x1400;
	[sflag:s20] =	ssyncadd.s32 $0xFFFFCE00  }
0x584: {  	[spmem:s3] =	stream.indirect.scatter.add.f32 [tilespmem:s14], [sflag:$0x4], $0x80, s30, s9, $0xb8;
	[tilespmem:$0x1F480] =	vst v63  }
0x585: {  	_ =	swait.ge [sflag:s6], $0x3200  }
0x586: {  	[sflag:s6] =	ssyncset.done $0x0  }
0x587: {  	s11 =	simm.s32 $0x580;
	[sflag:s6] =	ssyncadd.s32 $0xFFFFCE00  }
0x588: {  	[tilespmem:s14], [sflag:$0x3] =	stream.indirect.gather [hbm4b:s2+s9], $0x80, s11, s9, $0xb8;
	[tilespmem:$0x1F480] =	vst v63  }
0x589: {  	_ =	swait.ge [sflag:s15], $0x3200  }
0x58a: {  	[sflag:s15] =	ssyncset.done $0x0  }
0x58b: {  	s11 =	simm.s32 $0x1480;
	[sflag:s15] =	ssyncadd.s32 $0xFFFFCE00  }
0x58c: {  	[spmem:s3] =	stream.indirect.scatter.add.f32 [tilespmem:s10], [sflag:$0x4], $0x80, s11, s9, $0xb8;
	[tilespmem:$0x1F480] =	vst v63  }
0x58d: {  	_ =	swait.ge [sflag:s6], $0x3200  }
0x58e: {  	[sflag:s6] =	ssyncset.done $0x0  }
0x58f: {  	s11 =	simm.s32 $0x600;
	[sflag:s6] =	ssyncadd.s32 $0xFFFFCE00  }
0x590: {  	[tilespmem:s10], [sflag:$0x1] =	stream.indirect.gather [hbm4b:s2+s9], $0x80, s11, s9, $0xb8;
	[tilespmem:$0x1F480] =	vst v63  }
0x591: {  	_ =	swait.ge [sflag:s17], $0x3200  }
0x592: {  	[sflag:s17] =	ssyncset.done $0x0  }
0x593: {  	s11 =	simm.s32 $0x1500;
	[sflag:s17] =	ssyncadd.s32 $0xFFFFCE00  }
0x594: {  	[spmem:s3] =	stream.indirect.scatter.add.f32 [tilespmem:s12], [sflag:$0x4], $0x80, s11, s9, $0xb8;
	[tilespmem:$0x1F480] =	vst v63  }
0x595: {  	_ =	swait.ge [sflag:s6], $0x3200  }
0x596: {  	[sflag:s6] =	ssyncset.done $0x0  }
0x597: {  	s11 =	simm.s32 $0x680;
	[sflag:s6] =	ssyncadd.s32 $0xFFFFCE00  }
0x598: {  	[tilespmem:s12], [sflag:$0x2] =	stream.indirect.gather [hbm4b:s2+s9], $0x80, s11, s9, $0xb8;
	[tilespmem:$0x1F480] =	vst v63  }
0x599: {  	_ =	swait.ge [sflag:s20], $0x3200  }
0x59a: {  	[sflag:s20] =	ssyncset.done $0x0  }
0x59b: {  	s11 =	simm.s32 $0x1580;
	[sflag:s20] =	ssyncadd.s32 $0xFFFFCE00  }
0x59c: {  	[spmem:s3] =	stream.indirect.scatter.add.f32 [tilespmem:s14], [sflag:$0x4], $0x80, s11, s9, $0xb8;
	[tilespmem:$0x1F480] =	vst v63  }
0x59d: {  	_ =	swait.ge [sflag:s6], $0x3200  }
0x59e: {  	[sflag:s6] =	ssyncset.done $0x0  }
0x59f: {  	s11 =	simm.s32 $0x700;
	[sflag:s6] =	ssyncadd.s32 $0xFFFFCE00  }
0x5a0: {  	[tilespmem:s14], [sflag:$0x3] =	stream.indirect.gather [hbm4b:s2+s9], $0x80, s11, s9, $0xb8;
	[tilespmem:$0x1F480] =	vst v63  }
0x5a1: {  	_ =	swait.ge [sflag:s15], $0x3200  }
0x5a2: {  	[sflag:s15] =	ssyncset.done $0x0  }
0x5a3: {  	s11 =	simm.s32 $0x1600;
	[sflag:s15] =	ssyncadd.s32 $0xFFFFCE00  }
0x5a4: {  	[spmem:s3] =	stream.indirect.scatter.add.f32 [tilespmem:s10], [sflag:$0x4], $0x80, s11, s9, $0xb8;
	[tilespmem:$0x1F480] =	vst v63  }
0x5a5: {  	_ =	swait.ge [sflag:s6], $0x3200  }
0x5a6: {  	[sflag:s6] =	ssyncset.done $0x0  }
0x5a7: {  	s11 =	simm.s32 $0x780;
	[sflag:s6] =	ssyncadd.s32 $0xFFFFCE00  }
0x5a8: {  	[tilespmem:s10], [sflag:$0x1] =	stream.indirect.gather [hbm4b:s2+s9], $0x80, s11, s9, $0xb8;
	[tilespmem:$0x1F480] =	vst v63  }
0x5a9: {  	_ =	swait.ge [sflag:s17], $0x3200  }
0x5aa: {  	[sflag:s17] =	ssyncset.done $0x0  }
0x5ab: {  	s11 =	simm.s32 $0x1680;
	[sflag:s17] =	ssyncadd.s32 $0xFFFFCE00  }
0x5ac: {  	[spmem:s3] =	stream.indirect.scatter.add.f32 [tilespmem:s12], [sflag:$0x4], $0x80, s11, s9, $0xb8;
	[tilespmem:$0x1F480] =	vst v63  }
0x5ad: {  	_ =	swait.ge [sflag:s6], $0x3200  }
0x5ae: {  	[sflag:s6] =	ssyncset.done $0x0  }
0x5af: {  	s11 =	simm.s32 $0x800;
	[sflag:s6] =	ssyncadd.s32 $0xFFFFCE00  }
0x5b0: {  	[tilespmem:s12], [sflag:$0x2] =	stream.indirect.gather [hbm4b:s2+s9], $0x80, s11, s9, $0xb8;
	[tilespmem:$0x1F480] =	vst v63  }
0x5b1: {  	_ =	swait.ge [sflag:s20], $0x3200  }
0x5b2: {  	[sflag:s20] =	ssyncset.done $0x0  }
0x5b3: {  	s11 =	simm.s32 $0x1700;
	[sflag:s20] =	ssyncadd.s32 $0xFFFFCE00  }
0x5b4: {  	[spmem:s3] =	stream.indirect.scatter.add.f32 [tilespmem:s14], [sflag:$0x4], $0x80, s11, s9, $0xb8;
	[tilespmem:$0x1F480] =	vst v63  }
0x5b5: {  	_ =	swait.ge [sflag:s6], $0x3200  }
0x5b6: {  	[sflag:s6] =	ssyncset.done $0x0  }
0x5b7: {  	s11 =	simm.s32 $0x880;
	[sflag:s6] =	ssyncadd.s32 $0xFFFFCE00  }
0x5b8: {  	[tilespmem:s14], [sflag:$0x3] =	stream.indirect.gather [hbm4b:s2+s9], $0x80, s11, s9, $0xb8;
	[tilespmem:$0x1F480] =	vst v63  }
0x5b9: {  	_ =	swait.ge [sflag:s15], $0x3200  }
0x5ba: {  	[sflag:s15] =	ssyncset.done $0x0  }
0x5bb: {  	s11 =	simm.s32 $0x1780;
	[sflag:s15] =	ssyncadd.s32 $0xFFFFCE00  }
0x5bc: {  	[spmem:s3] =	stream.indirect.scatter.add.f32 [tilespmem:s10], [sflag:$0x4], $0x80, s11, s9, $0xb8;
	[tilespmem:$0x1F480] =	vst v63  }
0x5bd: {  	_ =	swait.ge [sflag:s6], $0x3200  }
0x5be: {  	[sflag:s6] =	ssyncset.done $0x0  }
0x5bf: {  	s11 =	simm.s32 $0x900;
	[sflag:s6] =	ssyncadd.s32 $0xFFFFCE00  }
0x5c0: {  	[tilespmem:s10], [sflag:$0x1] =	stream.indirect.gather [hbm4b:s2+s9], $0x80, s11, s9, $0xb8;
	[tilespmem:$0x1F480] =	vst v63  }
0x5c1: {  	_ =	swait.ge [sflag:s17], $0x3200  }
0x5c2: {  	[sflag:s17] =	ssyncset.done $0x0  }
0x5c3: {  	s11 =	simm.s32 $0x1800;
	[sflag:s17] =	ssyncadd.s32 $0xFFFFCE00  }
0x5c4: {  	[spmem:s3] =	stream.indirect.scatter.add.f32 [tilespmem:s12], [sflag:$0x4], $0x80, s11, s9, $0xb8;
	[tilespmem:$0x1F480] =	vst v63  }
0x5c5: {  	_ =	swait.ge [sflag:s6], $0x3200  }
0x5c6: {  	[sflag:s6] =	ssyncset.done $0x0  }
0x5c7: {  	s11 =	simm.s32 $0x980;
	[sflag:s6] =	ssyncadd.s32 $0xFFFFCE00  }
0x5c8: {  	[tilespmem:s12], [sflag:$0x2] =	stream.indirect.gather [hbm4b:s2+s9], $0x80, s11, s9, $0xb8;
	[tilespmem:$0x1F480] =	vst v63  }
0x5c9: {  	_ =	swait.ge [sflag:s20], $0x3200  }
0x5ca: {  	[sflag:s20] =	ssyncset.done $0x0  }
0x5cb: {  	s11 =	simm.s32 $0x1880;
	[sflag:s20] =	ssyncadd.s32 $0xFFFFCE00  }
0x5cc: {  	[spmem:s3] =	stream.indirect.scatter.add.f32 [tilespmem:s14], [sflag:$0x4], $0x80, s11, s9, $0xb8;
	[tilespmem:$0x1F480] =	vst v63  }
0x5cd: {  	_ =	swait.ge [sflag:s6], $0x3200  }
0x5ce: {  	[sflag:s6] =	ssyncset.done $0x0  }
0x5cf: {  	s11 =	simm.s32 $0xA00;
	[sflag:s6] =	ssyncadd.s32 $0xFFFFCE00  }
0x5d0: {  	[tilespmem:s14], [sflag:$0x3] =	stream.indirect.gather [hbm4b:s2+s9], $0x80, s11, s9, $0xb8;
	[tilespmem:$0x1F480] =	vst v63  }
0x5d1: {  	_ =	swait.ge [sflag:s15], $0x3200  }
0x5d2: {  	[sflag:s15] =	ssyncset.done $0x0  }
0x5d3: {  	s11 =	simm.s32 $0x1900;
	[sflag:s15] =	ssyncadd.s32 $0xFFFFCE00  }
0x5d4: {  	[spmem:s3] =	stream.indirect.scatter.add.f32 [tilespmem:s10], [sflag:$0x4], $0x80, s11, s9, $0xb8;
	[tilespmem:$0x1F480] =	vst v63  }
0x5d5: {  	_ =	swait.ge [sflag:s6], $0x3200  }
0x5d6: {  	[sflag:s6] =	ssyncset.done $0x0  }
0x5d7: {  	s11 =	simm.s32 $0xA80;
	[sflag:s6] =	ssyncadd.s32 $0xFFFFCE00  }
0x5d8: {  	[tilespmem:s10], [sflag:$0x1] =	stream.indirect.gather [hbm4b:s2+s9], $0x80, s11, s9, $0xb8;
	[tilespmem:$0x1F480] =	vst v63  }
0x5d9: {  	_ =	swait.ge [sflag:s17], $0x3200  }
0x5da: {  	[sflag:s17] =	ssyncset.done $0x0  }
0x5db: {  	s11 =	simm.s32 $0x1980;
	[sflag:s17] =	ssyncadd.s32 $0xFFFFCE00  }
0x5dc: {  	[spmem:s3] =	stream.indirect.scatter.add.f32 [tilespmem:s12], [sflag:$0x4], $0x80, s11, s9, $0xb8;
	[tilespmem:$0x1F480] =	vst v63  }
0x5dd: {  	_ =	swait.ge [sflag:s6], $0x3200  }
0x5de: {  	[sflag:s6] =	ssyncset.done $0x0  }
0x5df: {  	s11 =	simm.s32 $0xB00;
	[sflag:s6] =	ssyncadd.s32 $0xFFFFCE00  }
0x5e0: {  	[tilespmem:s12], [sflag:$0x2] =	stream.indirect.gather [hbm4b:s2+s9], $0x80, s11, s9, $0xb8;
	[tilespmem:$0x1F480] =	vst v63  }
0x5e1: {  	_ =	swait.ge [sflag:s20], $0x3200  }
0x5e2: {  	[sflag:s20] =	ssyncset.done $0x0  }
0x5e3: {  	s11 =	simm.s32 $0x1A00;
	[sflag:s20] =	ssyncadd.s32 $0xFFFFCE00  }
0x5e4: {  	[spmem:s3] =	stream.indirect.scatter.add.f32 [tilespmem:s14], [sflag:$0x4], $0x80, s11, s9, $0xb8;
	[tilespmem:$0x1F480] =	vst v63  }
0x5e5: {  	_ =	swait.ge [sflag:s6], $0x3200  }
0x5e6: {  	[sflag:s6] =	ssyncset.done $0x0  }
0x5e7: {  	s11 =	simm.s32 $0xB80;
	[sflag:s6] =	ssyncadd.s32 $0xFFFFCE00  }
0x5e8: {  	[tilespmem:s14], [sflag:$0x3] =	stream.indirect.gather [hbm4b:s2+s9], $0x80, s11, s9, $0xb8;
	[tilespmem:$0x1F480] =	vst v63  }
0x5e9: {  	_ =	swait.ge [sflag:s15], $0x3200  }
0x5ea: {  	[sflag:s15] =	ssyncset.done $0x0  }
0x5eb: {  	s11 =	simm.s32 $0x1A80;
	[sflag:s15] =	ssyncadd.s32 $0xFFFFCE00  }
0x5ec: {  	[spmem:s3] =	stream.indirect.scatter.add.f32 [tilespmem:s10], [sflag:$0x4], $0x80, s11, s9, $0xb8;
	[tilespmem:$0x1F480] =	vst v63  }
0x5ed: {  	_ =	swait.ge [sflag:s6], $0x3200  }
0x5ee: {  	[sflag:s6] =	ssyncset.done $0x0  }
0x5ef: {  	s11 =	simm.s32 $0xC00;
	[sflag:s6] =	ssyncadd.s32 $0xFFFFCE00  }
0x5f0: {  	[tilespmem:s10], [sflag:$0x1] =	stream.indirect.gather [hbm4b:s2+s9], $0x80, s11, s9, $0xb8;
	[tilespmem:$0x1F480] =	vst v63  }
0x5f1: {  	_ =	swait.ge [sflag:s17], $0x3200  }
0x5f2: {  	[sflag:s17] =	ssyncset.done $0x0  }
0x5f3: {  	s11 =	simm.s32 $0x1B00;
	[sflag:s17] =	ssyncadd.s32 $0xFFFFCE00  }
0x5f4: {  	[spmem:s3] =	stream.indirect.scatter.add.f32 [tilespmem:s12], [sflag:$0x4], $0x80, s11, s9, $0xb8;
	[tilespmem:$0x1F480] =	vst v63  }
0x5f5: {  	_ =	swait.ge [sflag:s6], $0x3200  }
0x5f6: {  	[sflag:s6] =	ssyncset.done $0x0  }
0x5f7: {  	[sflag:s6] =	ssyncadd.s32 $0xFFFFCE00  }
0x5f8: {  	_ =	swait.ge [sflag:s20], $0x3200  }
0x5f9: {  	[sflag:s20] =	ssyncset.done $0x0  }
0x5fa: {  	s11 =	simm.s32 $0x1B80;
	[sflag:s20] =	ssyncadd.s32 $0xFFFFCE00  }
0x5fb: {  	[spmem:s3] =	stream.indirect.scatter.add.f32 [tilespmem:s14], [sflag:$0x4], $0x80, s11, s9, $0xb8;
	[tilespmem:$0x1F480] =	vst v63  }
0x5fc: {  	_ =	swait.ge [sflag:s6], $0x3200  }
0x5fd: {  	[sflag:s6] =	ssyncset.done $0x0  }
0x5fe: {  	[sflag:s6] =	ssyncadd.s32 $0xFFFFCE00  }
0x5ff: {  	_ =	swait.ge [sflag:s15], $0x3200  }
0x600: {  	[sflag:s15] =	ssyncset.done $0x0  }
0x601: {  	s11 =	simm.s32 $0x1C00;
	[sflag:s15] =	ssyncadd.s32 $0xFFFFCE00  }
0x602: {  	[spmem:s3] =	stream.indirect.scatter.add.f32 [tilespmem:s10], [sflag:$0x4], $0x80, s11, s9, $0xb8;
	[tilespmem:$0x1F480] =	vst v63  }
0x603: {  	_ =	swait.ge [sflag:s6], $0x3200  }
0x604: {  	[sflag:s6] =	ssyncset.done $0x0  }
0x605: {  	s11 =	rddreg [dreg:$0xf];
	[sflag:s6] =	ssyncadd.s32 $0xFFFFCE00  }
0x606: {  	[tilespmem:s0], [sflag:$0x4] =	stream.linear.gather [hbm4b:s11+s0], $0xC80, $0x38;
	[tilespmem:$0x1F480] =	vst v63  }
0x607: {  	_ =	swait.ge [sflag:s6], $0xC80  }
0x608: {  	[sflag:s6] =	ssyncset.done $0x0  }
0x609: {  	s11 =	rddreg [dreg:$0x10];
	[sflag:s6] =	ssyncadd.s32 $0xFFFFF380  }
0x60a: {  	[tilespmem:s4], [sflag:$0x4] =	stream.linear.gather [hbm4b:s11+s0], $0xC80, $0x38;
	[tilespmem:$0x1F480] =	vst v63  }
0x60b: {  	_ =	swait.ge [sflag:s6], $0xC80  }
0x60c: {  	[sflag:s6] =	ssyncset.done $0x0  }
0x60d: {  	[sflag:s6] =	ssyncadd.s32 $0xFFFFF380  }
0x60e: {  	[tilespmem:s10], [sflag:$0x1] =	stream.indirect.gather [hbm4b:s2+s9], $0x80, s0, s9, $0xb8;
	[tilespmem:$0x1F480] =	vst v63  }
0x60f: {  	s11 =	simm.s32 $0x80  }
0x610: {  	[tilespmem:s12], [sflag:$0x2] =	stream.indirect.gather [hbm4b:s2+s9], $0x80, s11, s9, $0xb8;
	[tilespmem:$0x1F480] =	vst v63  }
0x611: {  	s7 =	simm.s32 $0x100  }
0x612: {  	[tilespmem:s14], [sflag:$0x3] =	stream.indirect.gather [hbm4b:s2+s9], $0x80, s7, s9, $0xb8;
	[tilespmem:$0x1F480] =	vst v63  }
0x613: {  	_ =	swait.ge [sflag:s15], $0x3200  }
0x614: {  	[sflag:s15] =	ssyncset.done $0x0  }
0x615: {  	[sflag:s15] =	ssyncadd.s32 $0xFFFFCE00  }
0x616: {  	[spmem:s3] =	stream.indirect.scatter.add.f32 [tilespmem:s10], [sflag:$0x4], $0x80, s4, s9, $0xb8;
	[tilespmem:$0x1F480] =	vst v63  }
0x617: {  	_ =	swait.ge [sflag:s6], $0x3200  }
0x618: {  	[sflag:s6] =	ssyncset.done $0x0  }
0x619: {  	s8 =	simm.s32 $0x180;
	[sflag:s6] =	ssyncadd.s32 $0xFFFFCE00  }
0x61a: {  	[tilespmem:s10], [sflag:$0x1] =	stream.indirect.gather [hbm4b:s2+s9], $0x80, s8, s9, $0xb8;
	[tilespmem:$0x1F480] =	vst v63  }
0x61b: {  	_ =	swait.ge [sflag:s17], $0x3200  }
0x61c: {  	[sflag:s17] =	ssyncset.done $0x0  }
0x61d: {  	s13 =	simm.s32 $0x1080;
	[sflag:s17] =	ssyncadd.s32 $0xFFFFCE00  }
0x61e: {  	[spmem:s3] =	stream.indirect.scatter.add.f32 [tilespmem:s12], [sflag:$0x4], $0x80, s13, s9, $0xb8;
	[tilespmem:$0x1F480] =	vst v63  }
0x61f: {  	_ =	swait.ge [sflag:s6], $0x3200  }
0x620: {  	[sflag:s6] =	ssyncset.done $0x0  }
0x621: {  	s16 =	simm.s32 $0x200;
	[sflag:s6] =	ssyncadd.s32 $0xFFFFCE00  }
0x622: {  	[tilespmem:s12], [sflag:$0x2] =	stream.indirect.gather [hbm4b:s2+s9], $0x80, s16, s9, $0xb8;
	[tilespmem:$0x1F480] =	vst v63  }
0x623: {  	_ =	swait.ge [sflag:s20], $0x3200  }
0x624: {  	[sflag:s20] =	ssyncset.done $0x0  }
0x625: {  	s18 =	simm.s32 $0x1100;
	[sflag:s20] =	ssyncadd.s32 $0xFFFFCE00  }
0x626: {  	[spmem:s3] =	stream.indirect.scatter.add.f32 [tilespmem:s14], [sflag:$0x4], $0x80, s18, s9, $0xb8;
	[tilespmem:$0x1F480] =	vst v63  }
0x627: {  	_ =	swait.ge [sflag:s6], $0x3200  }
0x628: {  	[sflag:s6] =	ssyncset.done $0x0  }
0x629: {  	s19 =	simm.s32 $0x280;
	[sflag:s6] =	ssyncadd.s32 $0xFFFFCE00  }
0x62a: {  	[tilespmem:s14], [sflag:$0x3] =	stream.indirect.gather [hbm4b:s2+s9], $0x80, s19, s9, $0xb8;
	[tilespmem:$0x1F480] =	vst v63  }
0x62b: {  	_ =	swait.ge [sflag:s15], $0x3200  }
0x62c: {  	[sflag:s15] =	ssyncset.done $0x0  }
0x62d: {  	s21 =	simm.s32 $0x1180;
	[sflag:s15] =	ssyncadd.s32 $0xFFFFCE00  }
0x62e: {  	[spmem:s3] =	stream.indirect.scatter.add.f32 [tilespmem:s10], [sflag:$0x4], $0x80, s21, s9, $0xb8;
	[tilespmem:$0x1F480] =	vst v63  }
0x62f: {  	_ =	swait.ge [sflag:s6], $0x3200  }
0x630: {  	[sflag:s6] =	ssyncset.done $0x0  }
0x631: {  	s22 =	simm.s32 $0x300;
	[sflag:s6] =	ssyncadd.s32 $0xFFFFCE00  }
0x632: {  	[tilespmem:s10], [sflag:$0x1] =	stream.indirect.gather [hbm4b:s2+s9], $0x80, s22, s9, $0xb8;
	[tilespmem:$0x1F480] =	vst v63  }
0x633: {  	_ =	swait.ge [sflag:s17], $0x3200  }
0x634: {  	[sflag:s17] =	ssyncset.done $0x0  }
0x635: {  	s23 =	simm.s32 $0x1200;
	[sflag:s17] =	ssyncadd.s32 $0xFFFFCE00  }
0x636: {  	[spmem:s3] =	stream.indirect.scatter.add.f32 [tilespmem:s12], [sflag:$0x4], $0x80, s23, s9, $0xb8;
	[tilespmem:$0x1F480] =	vst v63  }
0x637: {  	_ =	swait.ge [sflag:s6], $0x3200  }
0x638: {  	[sflag:s6] =	ssyncset.done $0x0  }
0x639: {  	s24 =	simm.s32 $0x380;
	[sflag:s6] =	ssyncadd.s32 $0xFFFFCE00  }
0x63a: {  	[tilespmem:s12], [sflag:$0x2] =	stream.indirect.gather [hbm4b:s2+s9], $0x80, s24, s9, $0xb8;
	[tilespmem:$0x1F480] =	vst v63  }
0x63b: {  	_ =	swait.ge [sflag:s20], $0x3200  }
0x63c: {  	[sflag:s20] =	ssyncset.done $0x0  }
0x63d: {  	s25 =	simm.s32 $0x1280;
	[sflag:s20] =	ssyncadd.s32 $0xFFFFCE00  }
0x63e: {  	[spmem:s3] =	stream.indirect.scatter.add.f32 [tilespmem:s14], [sflag:$0x4], $0x80, s25, s9, $0xb8;
	[tilespmem:$0x1F480] =	vst v63  }
0x63f: {  	_ =	swait.ge [sflag:s6], $0x3200  }
0x640: {  	[sflag:s6] =	ssyncset.done $0x0  }
0x641: {  	s26 =	simm.s32 $0x400;
	[sflag:s6] =	ssyncadd.s32 $0xFFFFCE00  }
0x642: {  	[tilespmem:s14], [sflag:$0x3] =	stream.indirect.gather [hbm4b:s2+s9], $0x80, s26, s9, $0xb8;
	[tilespmem:$0x1F480] =	vst v63  }
0x643: {  	_ =	swait.ge [sflag:s15], $0x3200  }
0x644: {  	[sflag:s15] =	ssyncset.done $0x0  }
0x645: {  	s1 =	simm.s32 $0x1300;
	[sflag:s15] =	ssyncadd.s32 $0xFFFFCE00  }
0x646: {  	[spmem:s3] =	stream.indirect.scatter.add.f32 [tilespmem:s10], [sflag:$0x4], $0x80, s1, s9, $0xb8;
	[tilespmem:$0x1F480] =	vst v63  }
0x647: {  	_ =	swait.ge [sflag:s6], $0x3200  }
0x648: {  	[sflag:s6] =	ssyncset.done $0x0  }
0x649: {  	s5 =	simm.s32 $0x480;
	[sflag:s6] =	ssyncadd.s32 $0xFFFFCE00  }
0x64a: {  	[tilespmem:s10], [sflag:$0x1] =	stream.indirect.gather [hbm4b:s2+s9], $0x80, s5, s9, $0xb8;
	[tilespmem:$0x1F480] =	vst v63  }
0x64b: {  	_ =	swait.ge [sflag:s17], $0x3200  }
0x64c: {  	[sflag:s17] =	ssyncset.done $0x0  }
0x64d: {  	s26 =	simm.s32 $0x1380;
	[sflag:s17] =	ssyncadd.s32 $0xFFFFCE00  }
0x64e: {  	[spmem:s3] =	stream.indirect.scatter.add.f32 [tilespmem:s12], [sflag:$0x4], $0x80, s26, s9, $0xb8;
	[tilespmem:$0x1F480] =	vst v63  }
0x64f: {  	_ =	swait.ge [sflag:s6], $0x3200  }
0x650: {  	[sflag:s6] =	ssyncset.done $0x0  }
0x651: {  	s29 =	simm.s32 $0x500;
	[sflag:s6] =	ssyncadd.s32 $0xFFFFCE00  }
0x652: {  	[tilespmem:s12], [sflag:$0x2] =	stream.indirect.gather [hbm4b:s2+s9], $0x80, s29, s9, $0xb8;
	[tilespmem:$0x1F480] =	vst v63  }
0x653: {  	_ =	swait.ge [sflag:s20], $0x3200  }
0x654: {  	[sflag:s20] =	ssyncset.done $0x0  }
0x655: {  	s29 =	simm.s32 $0x1400;
	[sflag:s20] =	ssyncadd.s32 $0xFFFFCE00  }
0x656: {  	[spmem:s3] =	stream.indirect.scatter.add.f32 [tilespmem:s14], [sflag:$0x4], $0x80, s29, s9, $0xb8;
	[tilespmem:$0x1F480] =	vst v63  }
0x657: {  	_ =	swait.ge [sflag:s6], $0x3200  }
0x658: {  	[sflag:s6] =	ssyncset.done $0x0  }
0x659: {  	s1 =	simm.s32 $0x580;
	[sflag:s6] =	ssyncadd.s32 $0xFFFFCE00  }
0x65a: {  	[tilespmem:s14], [sflag:$0x3] =	stream.indirect.gather [hbm4b:s2+s9], $0x80, s1, s9, $0xb8;
	[tilespmem:$0x1F480] =	vst v63  }
0x65b: {  	_ =	swait.ge [sflag:s15], $0x3200  }
0x65c: {  	[sflag:s15] =	ssyncset.done $0x0  }
0x65d: {  	s5 =	simm.s32 $0x1480;
	[sflag:s15] =	ssyncadd.s32 $0xFFFFCE00  }
0x65e: {  	[spmem:s3] =	stream.indirect.scatter.add.f32 [tilespmem:s10], [sflag:$0x4], $0x80, s5, s9, $0xb8;
	[tilespmem:$0x1F480] =	vst v63  }
0x65f: {  	_ =	swait.ge [sflag:s6], $0x3200  }
0x660: {  	[sflag:s6] =	ssyncset.done $0x0  }
0x661: {  	s7 =	simm.s32 $0x600;
	[sflag:s6] =	ssyncadd.s32 $0xFFFFCE00  }
0x662: {  	[tilespmem:s10], [sflag:$0x1] =	stream.indirect.gather [hbm4b:s2+s9], $0x80, s7, s9, $0xb8;
	[tilespmem:$0x1F480] =	vst v63  }
0x663: {  	_ =	swait.ge [sflag:s17], $0x3200  }
0x664: {  	[sflag:s17] =	ssyncset.done $0x0  }
0x665: {  	s8 =	simm.s32 $0x1500;
	[sflag:s17] =	ssyncadd.s32 $0xFFFFCE00  }
0x666: {  	[spmem:s3] =	stream.indirect.scatter.add.f32 [tilespmem:s12], [sflag:$0x4], $0x80, s8, s9, $0xb8;
	[tilespmem:$0x1F480] =	vst v63  }
0x667: {  	_ =	swait.ge [sflag:s6], $0x3200  }
0x668: {  	[sflag:s6] =	ssyncset.done $0x0  }
0x669: {  	s11 =	simm.s32 $0x680;
	[sflag:s6] =	ssyncadd.s32 $0xFFFFCE00  }
0x66a: {  	[tilespmem:s12], [sflag:$0x2] =	stream.indirect.gather [hbm4b:s2+s9], $0x80, s11, s9, $0xb8;
	[tilespmem:$0x1F480] =	vst v63  }
0x66b: {  	_ =	swait.ge [sflag:s20], $0x3200  }
0x66c: {  	[sflag:s20] =	ssyncset.done $0x0  }
0x66d: {  	s13 =	simm.s32 $0x1580;
	[sflag:s20] =	ssyncadd.s32 $0xFFFFCE00  }
0x66e: {  	[spmem:s3] =	stream.indirect.scatter.add.f32 [tilespmem:s14], [sflag:$0x4], $0x80, s13, s9, $0xb8;
	[tilespmem:$0x1F480] =	vst v63  }
0x66f: {  	_ =	swait.ge [sflag:s6], $0x3200  }
0x670: {  	[sflag:s6] =	ssyncset.done $0x0  }
0x671: {  	s16 =	simm.s32 $0x700;
	[sflag:s6] =	ssyncadd.s32 $0xFFFFCE00  }
0x672: {  	[tilespmem:s14], [sflag:$0x3] =	stream.indirect.gather [hbm4b:s2+s9], $0x80, s16, s9, $0xb8;
	[tilespmem:$0x1F480] =	vst v63  }
0x673: {  	_ =	swait.ge [sflag:s15], $0x3200  }
0x674: {  	[sflag:s15] =	ssyncset.done $0x0  }
0x675: {  	s18 =	simm.s32 $0x1600;
	[sflag:s15] =	ssyncadd.s32 $0xFFFFCE00  }
0x676: {  	[spmem:s3] =	stream.indirect.scatter.add.f32 [tilespmem:s10], [sflag:$0x4], $0x80, s18, s9, $0xb8;
	[tilespmem:$0x1F480] =	vst v63  }
0x677: {  	_ =	swait.ge [sflag:s6], $0x3200  }
0x678: {  	[sflag:s6] =	ssyncset.done $0x0  }
0x679: {  	s19 =	simm.s32 $0x780;
	[sflag:s6] =	ssyncadd.s32 $0xFFFFCE00  }
0x67a: {  	[tilespmem:s10], [sflag:$0x1] =	stream.indirect.gather [hbm4b:s2+s9], $0x80, s19, s9, $0xb8;
	[tilespmem:$0x1F480] =	vst v63  }
0x67b: {  	_ =	swait.ge [sflag:s17], $0x3200  }
0x67c: {  	[sflag:s17] =	ssyncset.done $0x0  }
0x67d: {  	s21 =	simm.s32 $0x1680;
	[sflag:s17] =	ssyncadd.s32 $0xFFFFCE00  }
0x67e: {  	[spmem:s3] =	stream.indirect.scatter.add.f32 [tilespmem:s12], [sflag:$0x4], $0x80, s21, s9, $0xb8;
	[tilespmem:$0x1F480] =	vst v63  }
0x67f: {  	_ =	swait.ge [sflag:s6], $0x3200  }
0x680: {  	[sflag:s6] =	ssyncset.done $0x0  }
0x681: {  	s22 =	simm.s32 $0x800;
	[sflag:s6] =	ssyncadd.s32 $0xFFFFCE00  }
0x682: {  	[tilespmem:s12], [sflag:$0x2] =	stream.indirect.gather [hbm4b:s2+s9], $0x80, s22, s9, $0xb8;
	[tilespmem:$0x1F480] =	vst v63  }
0x683: {  	_ =	swait.ge [sflag:s20], $0x3200  }
0x684: {  	[sflag:s20] =	ssyncset.done $0x0  }
0x685: {  	s23 =	simm.s32 $0x1700;
	[sflag:s20] =	ssyncadd.s32 $0xFFFFCE00  }
0x686: {  	[spmem:s3] =	stream.indirect.scatter.add.f32 [tilespmem:s14], [sflag:$0x4], $0x80, s23, s9, $0xb8;
	[tilespmem:$0x1F480] =	vst v63  }
0x687: {  	_ =	swait.ge [sflag:s6], $0x3200  }
0x688: {  	[sflag:s6] =	ssyncset.done $0x0  }
0x689: {  	s24 =	simm.s32 $0x880;
	[sflag:s6] =	ssyncadd.s32 $0xFFFFCE00  }
0x68a: {  	[tilespmem:s14], [sflag:$0x3] =	stream.indirect.gather [hbm4b:s2+s9], $0x80, s24, s9, $0xb8;
	[tilespmem:$0x1F480] =	vst v63  }
0x68b: {  	_ =	swait.ge [sflag:s15], $0x3200  }
0x68c: {  	[sflag:s15] =	ssyncset.done $0x0  }
0x68d: {  	s25 =	simm.s32 $0x1780;
	[sflag:s15] =	ssyncadd.s32 $0xFFFFCE00  }
0x68e: {  	[spmem:s3] =	stream.indirect.scatter.add.f32 [tilespmem:s10], [sflag:$0x4], $0x80, s25, s9, $0xb8;
	[tilespmem:$0x1F480] =	vst v63  }
0x68f: {  	_ =	swait.ge [sflag:s6], $0x3200  }
0x690: {  	[sflag:s6] =	ssyncset.done $0x0  }
0x691: {  	s26 =	simm.s32 $0x900;
	[sflag:s6] =	ssyncadd.s32 $0xFFFFCE00  }
0x692: {  	[tilespmem:s10], [sflag:$0x1] =	stream.indirect.gather [hbm4b:s2+s9], $0x80, s26, s9, $0xb8;
	[tilespmem:$0x1F480] =	vst v63  }
0x693: {  	_ =	swait.ge [sflag:s17], $0x3200  }
0x694: {  	[sflag:s17] =	ssyncset.done $0x0  }
0x695: {  	s29 =	simm.s32 $0x1800;
	[sflag:s17] =	ssyncadd.s32 $0xFFFFCE00  }
0x696: {  	[spmem:s3] =	stream.indirect.scatter.add.f32 [tilespmem:s12], [sflag:$0x4], $0x80, s29, s9, $0xb8;
	[tilespmem:$0x1F480] =	vst v63  }
0x697: {  	_ =	swait.ge [sflag:s6], $0x3200  }
0x698: {  	[sflag:s6] =	ssyncset.done $0x0  }
0x699: {  	s1 =	simm.s32 $0x980;
	[sflag:s6] =	ssyncadd.s32 $0xFFFFCE00  }
0x69a: {  	[tilespmem:s12], [sflag:$0x2] =	stream.indirect.gather [hbm4b:s2+s9], $0x80, s1, s9, $0xb8;
	[tilespmem:$0x1F480] =	vst v63  }
0x69b: {  	_ =	swait.ge [sflag:s20], $0x3200  }
0x69c: {  	[sflag:s20] =	ssyncset.done $0x0  }
0x69d: {  	s5 =	simm.s32 $0x1880;
	[sflag:s20] =	ssyncadd.s32 $0xFFFFCE00  }
0x69e: {  	[spmem:s3] =	stream.indirect.scatter.add.f32 [tilespmem:s14], [sflag:$0x4], $0x80, s5, s9, $0xb8;
	[tilespmem:$0x1F480] =	vst v63  }
0x69f: {  	_ =	swait.ge [sflag:s6], $0x3200  }
0x6a0: {  	[sflag:s6] =	ssyncset.done $0x0  }
0x6a1: {  	s7 =	simm.s32 $0xA00;
	[sflag:s6] =	ssyncadd.s32 $0xFFFFCE00  }
0x6a2: {  	[tilespmem:s14], [sflag:$0x3] =	stream.indirect.gather [hbm4b:s2+s9], $0x80, s7, s9, $0xb8;
	[tilespmem:$0x1F480] =	vst v63  }
0x6a3: {  	_ =	swait.ge [sflag:s15], $0x3200  }
0x6a4: {  	[sflag:s15] =	ssyncset.done $0x0  }
0x6a5: {  	s8 =	simm.s32 $0x1900;
	[sflag:s15] =	ssyncadd.s32 $0xFFFFCE00  }
0x6a6: {  	[spmem:s3] =	stream.indirect.scatter.add.f32 [tilespmem:s10], [sflag:$0x4], $0x80, s8, s9, $0xb8;
	[tilespmem:$0x1F480] =	vst v63  }
0x6a7: {  	_ =	swait.ge [sflag:s6], $0x3200  }
0x6a8: {  	[sflag:s6] =	ssyncset.done $0x0  }
0x6a9: {  	s11 =	simm.s32 $0xA80;
	[sflag:s6] =	ssyncadd.s32 $0xFFFFCE00  }
0x6aa: {  	[tilespmem:s10], [sflag:$0x1] =	stream.indirect.gather [hbm4b:s2+s9], $0x80, s11, s9, $0xb8;
	[tilespmem:$0x1F480] =	vst v63  }
0x6ab: {  	_ =	swait.ge [sflag:s17], $0x3200  }
0x6ac: {  	[sflag:s17] =	ssyncset.done $0x0  }
0x6ad: {  	s13 =	simm.s32 $0x1980;
	[sflag:s17] =	ssyncadd.s32 $0xFFFFCE00  }
0x6ae: {  	[spmem:s3] =	stream.indirect.scatter.add.f32 [tilespmem:s12], [sflag:$0x4], $0x80, s13, s9, $0xb8;
	[tilespmem:$0x1F480] =	vst v63  }
0x6af: {  	_ =	swait.ge [sflag:s6], $0x3200  }
0x6b0: {  	[sflag:s6] =	ssyncset.done $0x0  }
0x6b1: {  	s16 =	simm.s32 $0xB00;
	[sflag:s6] =	ssyncadd.s32 $0xFFFFCE00  }
0x6b2: {  	[tilespmem:s12], [sflag:$0x2] =	stream.indirect.gather [hbm4b:s2+s9], $0x80, s16, s9, $0xb8;
	[tilespmem:$0x1F480] =	vst v63  }
0x6b3: {  	_ =	swait.ge [sflag:s20], $0x3200  }
0x6b4: {  	[sflag:s20] =	ssyncset.done $0x0  }
0x6b5: {  	s18 =	simm.s32 $0x1A00;
	[sflag:s20] =	ssyncadd.s32 $0xFFFFCE00  }
0x6b6: {  	[spmem:s3] =	stream.indirect.scatter.add.f32 [tilespmem:s14], [sflag:$0x4], $0x80, s18, s9, $0xb8;
	[tilespmem:$0x1F480] =	vst v63  }
0x6b7: {  	_ =	swait.ge [sflag:s6], $0x3200  }
0x6b8: {  	[sflag:s6] =	ssyncset.done $0x0  }
0x6b9: {  	s19 =	simm.s32 $0xB80;
	[sflag:s6] =	ssyncadd.s32 $0xFFFFCE00  }
0x6ba: {  	[tilespmem:s14], [sflag:$0x3] =	stream.indirect.gather [hbm4b:s2+s9], $0x80, s19, s9, $0xb8;
	[tilespmem:$0x1F480] =	vst v63  }
0x6bb: {  	_ =	swait.ge [sflag:s15], $0x3200  }
0x6bc: {  	[sflag:s15] =	ssyncset.done $0x0  }
0x6bd: {  	s21 =	simm.s32 $0x1A80;
	[sflag:s15] =	ssyncadd.s32 $0xFFFFCE00  }
0x6be: {  	[spmem:s3] =	stream.indirect.scatter.add.f32 [tilespmem:s10], [sflag:$0x4], $0x80, s21, s9, $0xb8;
	[tilespmem:$0x1F480] =	vst v63  }
0x6bf: {  	_ =	swait.ge [sflag:s6], $0x3200  }
0x6c0: {  	[sflag:s6] =	ssyncset.done $0x0  }
0x6c1: {  	s22 =	simm.s32 $0xC00;
	[sflag:s6] =	ssyncadd.s32 $0xFFFFCE00  }
0x6c2: {  	[tilespmem:s10], [sflag:$0x1] =	stream.indirect.gather [hbm4b:s2+s9], $0x80, s22, s9, $0xb8;
	[tilespmem:$0x1F480] =	vst v63  }
0x6c3: {  	_ =	swait.ge [sflag:s17], $0x3200  }
0x6c4: {  	[sflag:s17] =	ssyncset.done $0x0  }
0x6c5: {  	s23 =	simm.s32 $0x1B00;
	[sflag:s17] =	ssyncadd.s32 $0xFFFFCE00  }
0x6c6: {  	[spmem:s3] =	stream.indirect.scatter.add.f32 [tilespmem:s12], [sflag:$0x4], $0x80, s23, s9, $0xb8;
	[tilespmem:$0x1F480] =	vst v63  }
0x6c7: {  	_ =	swait.ge [sflag:s6], $0x3200  }
0x6c8: {  	[sflag:s6] =	ssyncset.done $0x0  }
0x6c9: {  	[sflag:s6] =	ssyncadd.s32 $0xFFFFCE00  }
0x6ca: {  	_ =	swait.ge [sflag:s20], $0x3200  }
0x6cb: {  	[sflag:s20] =	ssyncset.done $0x0  }
0x6cc: {  	s24 =	simm.s32 $0x1B80;
	[sflag:s20] =	ssyncadd.s32 $0xFFFFCE00  }
0x6cd: {  	[spmem:s3] =	stream.indirect.scatter.add.f32 [tilespmem:s14], [sflag:$0x4], $0x80, s24, s9, $0xb8;
	[tilespmem:$0x1F480] =	vst v63  }
0x6ce: {  	_ =	swait.ge [sflag:s6], $0x3200  }
0x6cf: {  	[sflag:s6] =	ssyncset.done $0x0  }
0x6d0: {  	[sflag:s6] =	ssyncadd.s32 $0xFFFFCE00  }
0x6d1: {  	_ =	swait.ge [sflag:s15], $0x3200  }
0x6d2: {  	[sflag:s15] =	ssyncset.done $0x0  }
0x6d3: {  	s25 =	simm.s32 $0x1C00;
	[sflag:s15] =	ssyncadd.s32 $0xFFFFCE00  }
0x6d4: {  	[spmem:s3] =	stream.indirect.scatter.add.f32 [tilespmem:s10], [sflag:$0x4], $0x80, s25, s9, $0xb8;
	[tilespmem:$0x1F480] =	vst v63  }
0x6d5: {  	_ =	swait.ge [sflag:s6], $0x3200  }
0x6d6: {  	[sflag:s6] =	ssyncset.done $0x0  }
0x6d7: {  	[sflag:s6] =	ssyncadd.s32 $0xFFFFCE00  }
0x6d8: {  	[bflag:$0x0] =	sbarrier.arrive $0xFFFF  }
0x6d9: {  	s31 =	sadd.s32 $0xFFFFFFFF, s31;
	s26 =	rddreg [dreg:$0x11]  }
0x6da: {  	p1 =	sne.s32 s31, $0x0;
	s29 =	rddreg [dreg:$0x14]  }
0x6db: {  	[hbm:s26], [sflag:s28] =	dma.local [spmem:s29], $0x2700  }
.Ltmp1:
0x6dc: {  	_ =	swait.ge [sflag:s6], $0x2700;
	(pc) =	sbr.rel @p1 .LBB2_2-.Ltmp1, $4  }
0x6dd: {  	[sflag:s6] =	ssyncset.done $0x0;
	s1 =	rddreg [dreg:$0x12]  }
0x6de: {  	s30 =	simm.s32 @!p0 $0x4;
	s0 =	rddreg [dreg:$0x15];
	[sflag:s6] =	ssyncadd.s32 $0xFFFFD900  }
0x6df: {  	[hbm:s1], [sflag:s28] =	dma.local @!p0 [spmem:s0], $0x100  }
0x6e0: {  	_ =	swait.ge @!p0 [sflag:s30], $0x100  }
.LBB2_3:
0x6e1: {  	[sflag:s30] =	ssyncset.done @!p0 $0x0  }
0x6e2: {  	[sflag:s30] =	ssyncadd.s32 @!p0 $0xFFFFFF00  }
0x6e3: {  	_ =	sfence.sel $0x180000  }
0x6e4: {  	[bflag:$0x0] =	sbarrier.arrive $0xFFFF  }
0x6e5: {  	_ =	strace $0x90000047  }
0x6e6: {  	s0 =	stileid.u32;
	[bflag:$0x2] =	sbarrier.arrive $0xFFFF  }
0x6e7: {  	p0 =	sne.s32 s0, $0x0;
	s0 =	rddreg [dreg:$0x4]  }
0x6e8: {  	s0 =	sadd.s32 @!p0 $0x100000, s0  }
0x6e9: {  	[sflag:s0] =	ssyncadd.tile.s32 @!p0 $0x1;
	_ =	shalt  }
.Lfunc_end2:
_tile_overlayer_lowered:
.L_overlay_start_2:
0x6ea: {  	(tag) =	ssettag $0x2  }
0x6eb: {  	s0 =	rddreg [dreg:$0x0];
	s2 =	stileid.u32  }
0x6ec: {  	s1 =	rddreg [dreg:$0x1];
	p0 =	sne.s32 s2, $0x0  }
0x6ed: {  	s3 =	rddreg [dreg:$0x2];
	[bflag:$0x3] =	sbarrier.arrive $0xFFFF;
	s2 =	simm.s32 @!p0 $0x1C04  }
0x6ee: {  	[timem:s3], [sflag:s2] =	dma.local @!p0 [hbm:s0], s1  }
0x6ef: {  	s0 =	simm.s32 @!p0 $0x4  }
0x6f0: {  	_ =	swait.ge @!p0 [sflag:s0], s1  }
0x6f1: {  	s1 =	ssub.s32 @!p0 $0x0, s1;
	[sflag:s0] =	ssyncset.done @!p0 $0x0  }
0x6f2: {  	[sflag:s0] =	ssyncadd.s32 @!p0 s1  }
0x6f3: {  	[bflag:$0x3] =	sbarrier.arrive $0xFFFF  }
0x6f4: {  	_ =	shalt  }

</sc_bundles>
